<compile_context>
chip_gen: v7x
topology: tpu7x:2x2x1
jax: 0.10.2.dev20260603
libtpu: 0.0.44.dev20260713+nightly
codegen_flags: <defaults>
</compile_context>

<pallas_src>
import functools

import jax
import jax.numpy as jnp
from jax import lax
from jax.experimental import pallas as pl
from jax.experimental.pallas import tpu as pltpu
from jax.experimental.pallas import tpu_sc as plsc

ROUTES = 8
B = 32
H = 28
W = 28
RW = 768 // ROUTES
LANES = 16
HCH = 4
NCH = H // HCH
WIN = 2 * 128


def _body(in_hbm, rt_hbm, out_hbm, rt_v, a0, a1, b0, b1, sa0, sa1, sb0, sb1):
    c = lax.axis_index("c")
    s = lax.axis_index("s")
    w = s * 2 + c

    pltpu.sync_copy(rt_hbm.at[w], rt_v)
    v = rt_v[...]
    best = v[0]
    r = jnp.int32(0)
    for i in range(1, ROUTES):
        vi = v[i]
        take = vi > best
        best = jnp.where(take, vi, best)
        r = jnp.where(take, jnp.int32(i), r)

    t0 = jnp.minimum(jnp.int32(3) * r // jnp.int32(4), jnp.int32(4))
    win0 = pl.multiple_of(t0 * 128, 128)
    choff = pl.multiple_of(r * RW - win0, 16)

    avmem = (a0, a1)
    bvmem = (b0, b1)
    sa = (sa0, sa1)
    sb = (sb0, sb1)

    def shift(src, dst):
        def bi(i, _):
            def bj(j, _):
                for g in range(RW // LANES):
                    dst[i, j, pl.ds(g * LANES, LANES)] = (
                        src[i, j, pl.ds(choff + g * LANES, LANES)])
                return 0
            return lax.fori_loop(0, W, bj, 0)
        lax.fori_loop(0, HCH, bi, 0)

    pltpu.async_copy(
        in_hbm.at[pl.ds(0, HCH), :, w, pl.ds(win0, WIN)], avmem[0], sa[0])
    for i in range(NCH):
        if i + 1 < NCH:
            pltpu.async_copy(
                in_hbm.at[pl.ds((i + 1) * HCH, HCH), :, w, pl.ds(win0, WIN)],
                avmem[(i + 1) % 2], sa[(i + 1) % 2])
        pltpu.make_async_copy(
            in_hbm.at[pl.ds(i * HCH, HCH), :, w, pl.ds(win0, WIN)],
            avmem[i % 2], sa[i % 2]).wait()
        if i >= 2:
            pltpu.make_async_copy(
                bvmem[i % 2], out_hbm.at[pl.ds((i - 2) * HCH, HCH), :, w],
                sb[i % 2]).wait()
        shift(avmem[i % 2], bvmem[i % 2])
        pltpu.async_copy(
            bvmem[i % 2], out_hbm.at[pl.ds(i * HCH, HCH), :, w], sb[i % 2])
    for i in (NCH - 2, NCH - 1):
        pltpu.make_async_copy(
            bvmem[i % 2], out_hbm.at[pl.ds(i * HCH, HCH), :, w],
            sb[i % 2]).wait()


def kernel(inputs, routing_inputs):
    rt_pad = jnp.pad(routing_inputs, ((0, 0), (0, LANES - ROUTES)))
    in_t = jnp.transpose(inputs, (1, 2, 0, 3))

    mesh = plsc.VectorSubcoreMesh(core_axis_name="c", subcore_axis_name="s")
    k = functools.partial(
        pl.kernel,
        out_type=jax.ShapeDtypeStruct((H, W, B, RW), jnp.float32),
        mesh=mesh,
        scratch_types=[
            pltpu.VMEM((LANES,), jnp.float32),
            pltpu.VMEM((HCH, W, WIN), jnp.float32),
            pltpu.VMEM((HCH, W, WIN), jnp.float32),
            pltpu.VMEM((HCH, W, RW), jnp.float32),
            pltpu.VMEM((HCH, W, RW), jnp.float32),
            pltpu.SemaphoreType.DMA,
            pltpu.SemaphoreType.DMA,
            pltpu.SemaphoreType.DMA,
            pltpu.SemaphoreType.DMA,
        ],
    )(_body)
    out_t = k(in_t, rt_pad)
    return jnp.transpose(out_t, (2, 0, 1, 3))

# --- scband reference (transcript-rebuilt; emitter-appended) ---
"""Pipeline reference for scband-routing-mask-layer-30640296689906 (READ-ONLY COPY).

The authoritative reference and input builder live on the scoring server;
editing this copy changes nothing except your own understanding.
"""

import jax, jax.numpy as jnp
import numpy as np

ROUTES = 8

def setup_inputs(seed: int = 0) -> dict:
    key = jax.random.key(seed)
    k1, k2 = jax.random.split(key)
    inputs = jax.random.normal(k1, (32, 28, 28, 768), dtype=jnp.float32)
    routing_inputs = jax.random.normal(k2, (32, ROUTES), dtype=jnp.float32)
    return {"inputs": inputs, "routing_inputs": routing_inputs}


def reference(inputs, routing_inputs):
    # inputs: [B, H, W, C], routing_inputs: [B, routes]
    routes = ROUTES
    C = inputs.shape[-1]
    route_width = C // routes
    # argmax route per batch element
    route = jnp.argmax(routing_inputs, axis=-1)  # [B], int
    # one_hot(route) repeated route_width times along channel axis selects the
    # contiguous channel block [route*route_width, (route+1)*route_width).
    # Equivalent faithful gather of those channels:
    idx = route[:, None] * route_width + jnp.arange(route_width, dtype=route.dtype)[None, :]  # [B, rw]
    # gather along channel axis (axis=3) per batch element
    x = jnp.take_along_axis(inputs, idx[:, None, None, :], axis=3)  # [B, H, W, rw]
    return x

if __name__ == "__main__":
    import jax
    _d = setup_inputs()
    print(jax.jit(kernel)(*tuple(_d.values())))

</pallas_src>

<mosaic_0001>
#map = affine_map<(d0, d1) -> (0, 0, 0, 0)>
#map1 = affine_map<(d0, d1) -> (0, 0)>
module attributes {stable_mosaic.version = 14 : i64} {
  func.func @_body(%arg0: i32, %arg1: i32, %arg2: memref<28x28x32x768xf32, #tpu.memory_space<hbm>>, %arg3: memref<32x16xf32, #tpu.memory_space<hbm>>, %arg4: memref<28x28x32x96xf32, #tpu.memory_space<hbm>>, %arg5: memref<16xf32, #tpu.memory_space<vmem>>, %arg6: memref<4x28x256xf32, #tpu.memory_space<vmem>>, %arg7: memref<4x28x256xf32, #tpu.memory_space<vmem>>, %arg8: memref<4x28x96xf32, #tpu.memory_space<vmem>>, %arg9: memref<4x28x96xf32, #tpu.memory_space<vmem>>, %arg10: memref<!tpu.dma_semaphore, #tpu.memory_space<semaphore_mem>>, %arg11: memref<!tpu.dma_semaphore, #tpu.memory_space<semaphore_mem>>, %arg12: memref<!tpu.dma_semaphore, #tpu.memory_space<semaphore_mem>>, %arg13: memref<!tpu.dma_semaphore, #tpu.memory_space<semaphore_mem>>) attributes {dimension_semantics = [#tpu.dimension_semantics<core_parallel>, #tpu.dimension_semantics<subcore_parallel>], iteration_bounds = array<i64: 2, 16>, scalar_prefetch = 0 : i64, scratch_operands = 9 : i64, tpu.core_type = #tpu.core_type<sc_vector_subcore>, window_params = [{transform_indices = #map}, {transform_indices = #map1}, {transform_indices = #map}]} {
    %mul3A = arith.constant 2 : i32
    %mul3A_0 = arith.muli %arg1, %mul3A : i32
    %add3A = arith.addi %mul3A_0, %arg0 : i32
    "tpu.region"() ({
      %run_scoped3A = tpu.sem_alloc : memref<!tpu.dma_semaphore, #tpu.memory_space<semaphore_mem>>
      %dma_start3A_368 = arith.constant 0 : i32
      %dma_start3A_369 = tpu.memref_slice %arg3[%add3A, %dma_start3A_368] : memref<32x16xf32, #tpu.memory_space<hbm>> -> memref<1x16xf32, #tpu.memory_space<hbm>>
      %dma_start3A_370 = tpu.memref_squeeze %dma_start3A_369 : memref<1x16xf32, #tpu.memory_space<hbm>> -> memref<16xf32, #tpu.memory_space<hbm>>
      %dma_start3A_371 = arith.constant 0 : i32
      %dma_start3A_372 = tpu.memref_slice %arg3[%add3A, %dma_start3A_371] : memref<32x16xf32, #tpu.memory_space<hbm>> -> memref<1x16xf32, #tpu.memory_space<hbm>>
      %dma_start3A_373 = tpu.memref_squeeze %dma_start3A_372 : memref<1x16xf32, #tpu.memory_space<hbm>> -> memref<16xf32, #tpu.memory_space<hbm>>
      tpu.enqueue_dma source(%dma_start3A_373 : memref<16xf32, #tpu.memory_space<hbm>>) target(%arg5 : memref<16xf32, #tpu.memory_space<vmem>>) target_semaphore(%run_scoped3A : memref<!tpu.dma_semaphore, #tpu.memory_space<semaphore_mem>>)
      %dma_wait3A_374 = arith.constant 0 : i32
      %dma_wait3A_375 = tpu.memref_slice %arg3[%add3A, %dma_wait3A_374] : memref<32x16xf32, #tpu.memory_space<hbm>> -> memref<1x16xf32, #tpu.memory_space<hbm>>
      %dma_wait3A_376 = tpu.memref_squeeze %dma_wait3A_375 : memref<1x16xf32, #tpu.memory_space<hbm>> -> memref<16xf32, #tpu.memory_space<hbm>>
      %dma_wait3A_377 = arith.constant 0 : i32
      %dma_wait3A_378 = tpu.memref_slice %arg3[%add3A, %dma_wait3A_377] : memref<32x16xf32, #tpu.memory_space<hbm>> -> memref<1x16xf32, #tpu.memory_space<hbm>>
      %dma_wait3A_379 = tpu.memref_squeeze %dma_wait3A_378 : memref<1x16xf32, #tpu.memory_space<hbm>> -> memref<16xf32, #tpu.memory_space<hbm>>
      tpu.wait_dma2 semaphore(%run_scoped3A : memref<!tpu.dma_semaphore, #tpu.memory_space<semaphore_mem>>) src(%dma_wait3A_379 : memref<16xf32, #tpu.memory_space<hbm>>) dst(%arg5 : memref<16xf32, #tpu.memory_space<vmem>>)
      tpu.yield
    }) : () -> ()
    %get3A = arith.constant 0 : index
    %get3A_1 = tpu.vector_load %arg5[%get3A] {strides = array<i32>} : memref<16xf32, #tpu.memory_space<vmem>>, vector<16xf32>,
    %get3A_2 = vector.shape_cast %get3A_1 : vector<16xf32> to vector<16xf32>
    %slice3A = vector.extract_strided_slice %get3A_2 {offsets = [0], sizes = [1], strides = [1]} : vector<16xf32> to vector<1xf32>
    %squeeze3A = vector.extract %slice3A[0] : f32 from vector<1xf32>
    %slice3A_3 = vector.extract_strided_slice %get3A_2 {offsets = [1], sizes = [1], strides = [1]} : vector<16xf32> to vector<1xf32>
    %squeeze3A_4 = vector.extract %slice3A_3[0] : f32 from vector<1xf32>
    %gt3A = arith.cmpf ogt, %squeeze3A_4, %squeeze3A : f32
    %select_n3A = arith.select %gt3A, %squeeze3A_4, %squeeze3A : f32
    %jit3A = arith.constant 1 : i32
    %jit3A_5 = arith.constant 0 : i32
    %select_n3A_6 = arith.select %gt3A, %jit3A, %jit3A_5 : i32
    %slice3A_7 = vector.extract_strided_slice %get3A_2 {offsets = [2], sizes = [1], strides = [1]} : vector<16xf32> to vector<1xf32>
    %squeeze3A_8 = vector.extract %slice3A_7[0] : f32 from vector<1xf32>
    %gt3A_9 = arith.cmpf ogt, %squeeze3A_8, %select_n3A : f32
    %select_n3A_10 = arith.select %gt3A_9, %squeeze3A_8, %select_n3A : f32
    %jit3A_11 = arith.constant 2 : i32
    %select_n3A_12 = arith.select %gt3A_9, %jit3A_11, %select_n3A_6 : i32
    %slice3A_13 = vector.extract_strided_slice %get3A_2 {offsets = [3], sizes = [1], strides = [1]} : vector<16xf32> to vector<1xf32>
    %squeeze3A_14 = vector.extract %slice3A_13[0] : f32 from vector<1xf32>
    %gt3A_15 = arith.cmpf ogt, %squeeze3A_14, %select_n3A_10 : f32
    %select_n3A_16 = arith.select %gt3A_15, %squeeze3A_14, %select_n3A_10 : f32
    %jit3A_17 = arith.constant 3 : i32
    %select_n3A_18 = arith.select %gt3A_15, %jit3A_17, %select_n3A_12 : i32
    %slice3A_19 = vector.extract_strided_slice %get3A_2 {offsets = [4], sizes = [1], strides = [1]} : vector<16xf32> to vector<1xf32>
    %squeeze3A_20 = vector.extract %slice3A_19[0] : f32 from vector<1xf32>
    %gt3A_21 = arith.cmpf ogt, %squeeze3A_20, %select_n3A_16 : f32
    %select_n3A_22 = arith.select %gt3A_21, %squeeze3A_20, %select_n3A_16 : f32
    %jit3A_23 = arith.constant 4 : i32
    %select_n3A_24 = arith.select %gt3A_21, %jit3A_23, %select_n3A_18 : i32
    %slice3A_25 = vector.extract_strided_slice %get3A_2 {offsets = [5], sizes = [1], strides = [1]} : vector<16xf32> to vector<1xf32>
    %squeeze3A_26 = vector.extract %slice3A_25[0] : f32 from vector<1xf32>
    %gt3A_27 = arith.cmpf ogt, %squeeze3A_26, %select_n3A_22 : f32
    %select_n3A_28 = arith.select %gt3A_27, %squeeze3A_26, %select_n3A_22 : f32
    %jit3A_29 = arith.constant 5 : i32
    %select_n3A_30 = arith.select %gt3A_27, %jit3A_29, %select_n3A_24 : i32
    %slice3A_31 = vector.extract_strided_slice %get3A_2 {offsets = [6], sizes = [1], strides = [1]} : vector<16xf32> to vector<1xf32>
    %squeeze3A_32 = vector.extract %slice3A_31[0] : f32 from vector<1xf32>
    %gt3A_33 = arith.cmpf ogt, %squeeze3A_32, %select_n3A_28 : f32
    %select_n3A_34 = arith.select %gt3A_33, %squeeze3A_32, %select_n3A_28 : f32
    %jit3A_35 = arith.constant 6 : i32
    %select_n3A_36 = arith.select %gt3A_33, %jit3A_35, %select_n3A_30 : i32
    %slice3A_37 = vector.extract_strided_slice %get3A_2 {offsets = [7], sizes = [1], strides = [1]} : vector<16xf32> to vector<1xf32>
    %squeeze3A_38 = vector.extract %slice3A_37[0] : f32 from vector<1xf32>
    %gt3A_39 = arith.cmpf ogt, %squeeze3A_38, %select_n3A_34 : f32
    %select_n3A_40 = arith.select %gt3A_39, %squeeze3A_38, %select_n3A_34 : f32
    %jit3A_41 = arith.constant 7 : i32
    %select_n3A_42 = arith.select %gt3A_39, %jit3A_41, %select_n3A_36 : i32
    %mul3A_43 = arith.constant 3 : i32
    %mul3A_44 = arith.muli %mul3A_43, %select_n3A_42 : i32
    %jit3A_45 = arith.constant 4 : i32
    %div3A = arith.divsi %mul3A_44, %jit3A_45 : i32
    %sign3A = arith.constant 0 : i32
    %sign3A_46 = arith.cmpi sgt, %mul3A_44, %sign3A : i32
    %sign3A_47 = arith.extui %sign3A_46 : i1 to i32
    %sign3A_48 = arith.constant 0 : i32
    %sign3A_49 = arith.cmpi slt, %mul3A_44, %sign3A_48 : i32
    %sign3A_50 = arith.extui %sign3A_49 : i1 to i32
    %sign3A_51 = arith.subi %sign3A_47, %sign3A_50 : i32
    %sign3A_52 = arith.constant 0 : i32
    %sign3A_53 = arith.cmpi sgt, %jit3A_45, %sign3A_52 : i32
    %sign3A_54 = arith.extui %sign3A_53 : i1 to i32
    %sign3A_55 = arith.constant 0 : i32
    %sign3A_56 = arith.cmpi slt, %jit3A_45, %sign3A_55 : i32
    %sign3A_57 = arith.extui %sign3A_56 : i1 to i32
    %sign3A_58 = arith.subi %sign3A_54, %sign3A_57 : i32
    %ne3A = arith.cmpi ne, %sign3A_51, %sign3A_58 : i32
    %rem3A = arith.remsi %mul3A_44, %jit3A_45 : i32
    %ne3A_59 = arith.constant 0 : i32
    %ne3A_60 = arith.cmpi ne, %rem3A, %ne3A_59 : i32
    %and3A = arith.andi %ne3A, %ne3A_60 : i1
    %sub3A = arith.constant 1 : i32
    %sub3A_61 = arith.subi %div3A, %sub3A : i32
    %select_n3A_62 = arith.select %and3A, %sub3A_61, %div3A : i32
    %min3A = arith.constant 4 : i32
    %min3A_63 = arith.minsi %select_n3A_62, %min3A : i32
    %mul3A_64 = arith.constant 128 : i32
    %mul3A_65 = arith.muli %min3A_63, %mul3A_64 : i32
    %multiple_of3A = tpu.assume_multiple %mul3A_65, 128 : i32
    %mul3A_66 = arith.constant 96 : i32
    %mul3A_67 = arith.muli %select_n3A_42, %mul3A_66 : i32
    %sub3A_68 = arith.subi %mul3A_67, %multiple_of3A : i32
    %multiple_of3A_69 = tpu.assume_multiple %sub3A_68, 16 : i32
    %dma_start3A = arith.constant 0 : i32
    %dma_start3A_70 = arith.constant 0 : i32
    %dma_start3A_71 = tpu.memref_slice %arg2[%dma_start3A, %dma_start3A_70, %add3A, %multiple_of3A] : memref<28x28x32x768xf32, #tpu.memory_space<hbm>> -> memref<4x28x1x256xf32, #tpu.memory_space<hbm>>
    %dma_start3A_72 = tpu.memref_squeeze %dma_start3A_71 : memref<4x28x1x256xf32, #tpu.memory_space<hbm>> -> memref<4x28x256xf32, #tpu.memory_space<hbm>>
    %dma_start3A_73 = arith.constant 0 : i32
    %dma_start3A_74 = arith.constant 0 : i32
    %dma_start3A_75 = tpu.memref_slice %arg2[%dma_start3A_73, %dma_start3A_74, %add3A, %multiple_of3A] : memref<28x28x32x768xf32, #tpu.memory_space<hbm>> -> memref<4x28x1x256xf32, #tpu.memory_space<hbm>>
    %dma_start3A_76 = tpu.memref_squeeze %dma_start3A_75 : memref<4x28x1x256xf32, #tpu.memory_space<hbm>> -> memref<4x28x256xf32, #tpu.memory_space<hbm>>
    tpu.enqueue_dma source(%dma_start3A_76 : memref<4x28x256xf32, #tpu.memory_space<hbm>>) target(%arg6 : memref<4x28x256xf32, #tpu.memory_space<vmem>>) target_semaphore(%arg10 : memref<!tpu.dma_semaphore, #tpu.memory_space<semaphore_mem>>)
    %dma_start3A_77 = arith.constant 4 : i32
    %dma_start3A_78 = arith.constant 0 : i32
    %dma_start3A_79 = tpu.memref_slice %arg2[%dma_start3A_77, %dma_start3A_78, %add3A, %multiple_of3A] : memref<28x28x32x768xf32, #tpu.memory_space<hbm>> -> memref<4x28x1x256xf32, #tpu.memory_space<hbm>>
    %dma_start3A_80 = tpu.memref_squeeze %dma_start3A_79 : memref<4x28x1x256xf32, #tpu.memory_space<hbm>> -> memref<4x28x256xf32, #tpu.memory_space<hbm>>
    %dma_start3A_81 = arith.constant 4 : i32
    %dma_start3A_82 = arith.constant 0 : i32
    %dma_start3A_83 = tpu.memref_slice %arg2[%dma_start3A_81, %dma_start3A_82, %add3A, %multiple_of3A] : memref<28x28x32x768xf32, #tpu.memory_space<hbm>> -> memref<4x28x1x256xf32, #tpu.memory_space<hbm>>
    %dma_start3A_84 = tpu.memref_squeeze %dma_start3A_83 : memref<4x28x1x256xf32, #tpu.memory_space<hbm>> -> memref<4x28x256xf32, #tpu.memory_space<hbm>>
    tpu.enqueue_dma source(%dma_start3A_84 : memref<4x28x256xf32, #tpu.memory_space<hbm>>) target(%arg7 : memref<4x28x256xf32, #tpu.memory_space<vmem>>) target_semaphore(%arg11 : memref<!tpu.dma_semaphore, #tpu.memory_space<semaphore_mem>>)
    %dma_wait3A = arith.constant 0 : i32
    %dma_wait3A_85 = arith.constant 0 : i32
    %dma_wait3A_86 = tpu.memref_slice %arg2[%dma_wait3A, %dma_wait3A_85, %add3A, %multiple_of3A] : memref<28x28x32x768xf32, #tpu.memory_space<hbm>> -> memref<4x28x1x256xf32, #tpu.memory_space<hbm>>
    %dma_wait3A_87 = tpu.memref_squeeze %dma_wait3A_86 : memref<4x28x1x256xf32, #tpu.memory_space<hbm>> -> memref<4x28x256xf32, #tpu.memory_space<hbm>>
    %dma_wait3A_88 = arith.constant 0 : i32
    %dma_wait3A_89 = arith.constant 0 : i32
    %dma_wait3A_90 = tpu.memref_slice %arg2[%dma_wait3A_88, %dma_wait3A_89, %add3A, %multiple_of3A] : memref<28x28x32x768xf32, #tpu.memory_space<hbm>> -> memref<4x28x1x256xf32, #tpu.memory_space<hbm>>
    %dma_wait3A_91 = tpu.memref_squeeze %dma_wait3A_90 : memref<4x28x1x256xf32, #tpu.memory_space<hbm>> -> memref<4x28x256xf32, #tpu.memory_space<hbm>>
    tpu.wait_dma2 semaphore(%arg10 : memref<!tpu.dma_semaphore, #tpu.memory_space<semaphore_mem>>) src(%dma_wait3A_91 : memref<4x28x256xf32, #tpu.memory_space<hbm>>) dst(%arg6 : memref<4x28x256xf32, #tpu.memory_space<vmem>>)
    %scan3A = arith.constant 0 : i32
    %scan3A_92 = arith.constant 0 : i32
    %scan3A_93 = arith.constant 4 : i32
    %scan3A_94 = arith.addi %scan3A_92, %scan3A_93 : i32
    %scan3A_95 = arith.constant 1 : i32
    %scan3A_96 = scf.for %scan3A_368 = %scan3A_92 to %scan3A_94 step %scan3A_95 iter_args(%scan3A_369 = %scan3A) -> (i32)  : i32 {
      %scan3A_370 = arith.constant 0 : i32
      %scan3A_371 = arith.constant 0 : i32
      %scan3A_372 = arith.constant 28 : i32
      %scan3A_373 = arith.addi %scan3A_371, %scan3A_372 : i32
      %scan3A_374 = arith.constant 1 : i32
      %scan3A_375 = scf.for %scan3A_377 = %scan3A_371 to %scan3A_373 step %scan3A_374 iter_args(%scan3A_378 = %scan3A_370) -> (i32)  : i32 {
        %add3A_379 = arith.constant 0 : i32
        %add3A_380 = arith.addi %multiple_of3A_69, %add3A_379 : i32
        %get3A_381 = arith.index_cast %scan3A_368 : i32 to index
        %get3A_382 = arith.index_cast %scan3A_377 : i32 to index
        %get3A_383 = arith.index_cast %add3A_380 : i32 to index
        %get3A_384 = tpu.vector_load %arg6[%get3A_381, %get3A_382, %get3A_383] {strides = array<i32>} : memref<4x28x256xf32, #tpu.memory_space<vmem>>, vector<1x1x16xf32>,
        %get3A_385 = vector.shape_cast %get3A_384 : vector<1x1x16xf32> to vector<16xf32>
        %swap3A = arith.index_cast %scan3A_368 : i32 to index
        %swap3A_386 = arith.index_cast %scan3A_377 : i32 to index
        %swap3A_387 = arith.constant 0 : index
        %swap3A_388 = tpu.vector_load %arg8[%swap3A, %swap3A_386, %swap3A_387] {strides = array<i32>} : memref<4x28x96xf32, #tpu.memory_space<vmem>>, vector<1x1x16xf32>,
        %swap3A_389 = vector.shape_cast %swap3A_388 : vector<1x1x16xf32> to vector<16xf32>
        %swap3A_390 = vector.shape_cast %get3A_385 : vector<16xf32> to vector<1x1x16xf32>
        tpu.vector_store %arg8[%swap3A, %swap3A_386, %swap3A_387], %swap3A_390 {strides = array<i32>} : memref<4x28x96xf32, #tpu.memory_space<vmem>>, vector<1x1x16xf32>,
        %add3A_391 = arith.constant 16 : i32
        %add3A_392 = arith.addi %multiple_of3A_69, %add3A_391 : i32
        %get3A_393 = arith.index_cast %scan3A_368 : i32 to index
        %get3A_394 = arith.index_cast %scan3A_377 : i32 to index
        %get3A_395 = arith.index_cast %add3A_392 : i32 to index
        %get3A_396 = tpu.vector_load %arg6[%get3A_393, %get3A_394, %get3A_395] {strides = array<i32>} : memref<4x28x256xf32, #tpu.memory_space<vmem>>, vector<1x1x16xf32>,
        %get3A_397 = vector.shape_cast %get3A_396 : vector<1x1x16xf32> to vector<16xf32>
        %swap3A_398 = arith.index_cast %scan3A_368 : i32 to index
        %swap3A_399 = arith.index_cast %scan3A_377 : i32 to index
        %swap3A_400 = arith.constant 16 : index
        %swap3A_401 = tpu.vector_load %arg8[%swap3A_398, %swap3A_399, %swap3A_400] {strides = array<i32>} : memref<4x28x96xf32, #tpu.memory_space<vmem>>, vector<1x1x16xf32>,
        %swap3A_402 = vector.shape_cast %swap3A_401 : vector<1x1x16xf32> to vector<16xf32>
        %swap3A_403 = vector.shape_cast %get3A_397 : vector<16xf32> to vector<1x1x16xf32>
        tpu.vector_store %arg8[%swap3A_398, %swap3A_399, %swap3A_400], %swap3A_403 {strides = array<i32>} : memref<4x28x96xf32, #tpu.memory_space<vmem>>, vector<1x1x16xf32>,
        %add3A_404 = arith.constant 32 : i32
        %add3A_405 = arith.addi %multiple_of3A_69, %add3A_404 : i32
        %get3A_406 = arith.index_cast %scan3A_368 : i32 to index
        %get3A_407 = arith.index_cast %scan3A_377 : i32 to index
        %get3A_408 = arith.index_cast %add3A_405 : i32 to index
        %get3A_409 = tpu.vector_load %arg6[%get3A_406, %get3A_407, %get3A_408] {strides = array<i32>} : memref<4x28x256xf32, #tpu.memory_space<vmem>>, vector<1x1x16xf32>,
        %get3A_410 = vector.shape_cast %get3A_409 : vector<1x1x16xf32> to vector<16xf32>
        %swap3A_411 = arith.index_cast %scan3A_368 : i32 to index
        %swap3A_412 = arith.index_cast %scan3A_377 : i32 to index
        %swap3A_413 = arith.constant 32 : index
        %swap3A_414 = tpu.vector_load %arg8[%swap3A_411, %swap3A_412, %swap3A_413] {strides = array<i32>} : memref<4x28x96xf32, #tpu.memory_space<vmem>>, vector<1x1x16xf32>,
        %swap3A_415 = vector.shape_cast %swap3A_414 : vector<1x1x16xf32> to vector<16xf32>
        %swap3A_416 = vector.shape_cast %get3A_410 : vector<16xf32> to vector<1x1x16xf32>
        tpu.vector_store %arg8[%swap3A_411, %swap3A_412, %swap3A_413], %swap3A_416 {strides = array<i32>} : memref<4x28x96xf32, #tpu.memory_space<vmem>>, vector<1x1x16xf32>,
        %add3A_417 = arith.constant 48 : i32
        %add3A_418 = arith.addi %multiple_of3A_69, %add3A_417 : i32
        %get3A_419 = arith.index_cast %scan3A_368 : i32 to index
        %get3A_420 = arith.index_cast %scan3A_377 : i32 to index
        %get3A_421 = arith.index_cast %add3A_418 : i32 to index
        %get3A_422 = tpu.vector_load %arg6[%get3A_419, %get3A_420, %get3A_421] {strides = array<i32>} : memref<4x28x256xf32, #tpu.memory_space<vmem>>, vector<1x1x16xf32>,
        %get3A_423 = vector.shape_cast %get3A_422 : vector<1x1x16xf32> to vector<16xf32>
        %swap3A_424 = arith.index_cast %scan3A_368 : i32 to index
        %swap3A_425 = arith.index_cast %scan3A_377 : i32 to index
        %swap3A_426 = arith.constant 48 : index
        %swap3A_427 = tpu.vector_load %arg8[%swap3A_424, %swap3A_425, %swap3A_426] {strides = array<i32>} : memref<4x28x96xf32, #tpu.memory_space<vmem>>, vector<1x1x16xf32>,
        %swap3A_428 = vector.shape_cast %swap3A_427 : vector<1x1x16xf32> to vector<16xf32>
        %swap3A_429 = vector.shape_cast %get3A_423 : vector<16xf32> to vector<1x1x16xf32>
        tpu.vector_store %arg8[%swap3A_424, %swap3A_425, %swap3A_426], %swap3A_429 {strides = array<i32>} : memref<4x28x96xf32, #tpu.memory_space<vmem>>, vector<1x1x16xf32>,
        %add3A_430 = arith.constant 64 : i32
        %add3A_431 = arith.addi %multiple_of3A_69, %add3A_430 : i32
        %get3A_432 = arith.index_cast %scan3A_368 : i32 to index
        %get3A_433 = arith.index_cast %scan3A_377 : i32 to index
        %get3A_434 = arith.index_cast %add3A_431 : i32 to index
        %get3A_435 = tpu.vector_load %arg6[%get3A_432, %get3A_433, %get3A_434] {strides = array<i32>} : memref<4x28x256xf32, #tpu.memory_space<vmem>>, vector<1x1x16xf32>,
        %get3A_436 = vector.shape_cast %get3A_435 : vector<1x1x16xf32> to vector<16xf32>
        %swap3A_437 = arith.index_cast %scan3A_368 : i32 to index
        %swap3A_438 = arith.index_cast %scan3A_377 : i32 to index
        %swap3A_439 = arith.constant 64 : index
        %swap3A_440 = tpu.vector_load %arg8[%swap3A_437, %swap3A_438, %swap3A_439] {strides = array<i32>} : memref<4x28x96xf32, #tpu.memory_space<vmem>>, vector<1x1x16xf32>,
        %swap3A_441 = vector.shape_cast %swap3A_440 : vector<1x1x16xf32> to vector<16xf32>
        %swap3A_442 = vector.shape_cast %get3A_436 : vector<16xf32> to vector<1x1x16xf32>
        tpu.vector_store %arg8[%swap3A_437, %swap3A_438, %swap3A_439], %swap3A_442 {strides = array<i32>} : memref<4x28x96xf32, #tpu.memory_space<vmem>>, vector<1x1x16xf32>,
        %add3A_443 = arith.constant 80 : i32
        %add3A_444 = arith.addi %multiple_of3A_69, %add3A_443 : i32
        %get3A_445 = arith.index_cast %scan3A_368 : i32 to index
        %get3A_446 = arith.index_cast %scan3A_377 : i32 to index
        %get3A_447 = arith.index_cast %add3A_444 : i32 to index
        %get3A_448 = tpu.vector_load %arg6[%get3A_445, %get3A_446, %get3A_447] {strides = array<i32>} : memref<4x28x256xf32, #tpu.memory_space<vmem>>, vector<1x1x16xf32>,
        %get3A_449 = vector.shape_cast %get3A_448 : vector<1x1x16xf32> to vector<16xf32>
        %swap3A_450 = arith.index_cast %scan3A_368 : i32 to index
        %swap3A_451 = arith.index_cast %scan3A_377 : i32 to index
        %swap3A_452 = arith.constant 80 : index
        %swap3A_453 = tpu.vector_load %arg8[%swap3A_450, %swap3A_451, %swap3A_452] {strides = array<i32>} : memref<4x28x96xf32, #tpu.memory_space<vmem>>, vector<1x1x16xf32>,
        %swap3A_454 = vector.shape_cast %swap3A_453 : vector<1x1x16xf32> to vector<16xf32>
        %swap3A_455 = vector.shape_cast %get3A_449 : vector<16xf32> to vector<1x1x16xf32>
        tpu.vector_store %arg8[%swap3A_450, %swap3A_451, %swap3A_452], %swap3A_455 {strides = array<i32>} : memref<4x28x96xf32, #tpu.memory_space<vmem>>, vector<1x1x16xf32>,
        %scan3A_456 = arith.constant 0 : i32
        scf.yield %scan3A_456 : i32
      }
      %scan3A_376 = arith.constant 28 : i32
      scf.yield %scan3A_375 : i32
    }
    %scan3A_97 = arith.constant 4 : i32
    %dma_start3A_98 = arith.constant 0 : i32
    %dma_start3A_99 = arith.constant 0 : i32
    %dma_start3A_100 = arith.constant 0 : i32
    %dma_start3A_101 = tpu.memref_slice %arg4[%dma_start3A_98, %dma_start3A_99, %add3A, %dma_start3A_100] : memref<28x28x32x96xf32, #tpu.memory_space<hbm>> -> memref<4x28x1x96xf32, #tpu.memory_space<hbm>>
    %dma_start3A_102 = tpu.memref_squeeze %dma_start3A_101 : memref<4x28x1x96xf32, #tpu.memory_space<hbm>> -> memref<4x28x96xf32, #tpu.memory_space<hbm>>
    %dma_start3A_103 = arith.constant 0 : i32
    %dma_start3A_104 = arith.constant 0 : i32
    %dma_start3A_105 = arith.constant 0 : i32
    %dma_start3A_106 = tpu.memref_slice %arg4[%dma_start3A_103, %dma_start3A_104, %add3A, %dma_start3A_105] : memref<28x28x32x96xf32, #tpu.memory_space<hbm>> -> memref<4x28x1x96xf32, #tpu.memory_space<hbm>>
    %dma_start3A_107 = tpu.memref_squeeze %dma_start3A_106 : memref<4x28x1x96xf32, #tpu.memory_space<hbm>> -> memref<4x28x96xf32, #tpu.memory_space<hbm>>
    tpu.enqueue_dma source(%arg8 : memref<4x28x96xf32, #tpu.memory_space<vmem>>) target(%dma_start3A_107 : memref<4x28x96xf32, #tpu.memory_space<hbm>>) target_semaphore(%arg12 : memref<!tpu.dma_semaphore, #tpu.memory_space<semaphore_mem>>)
    %dma_start3A_108 = arith.constant 8 : i32
    %dma_start3A_109 = arith.constant 0 : i32
    %dma_start3A_110 = tpu.memref_slice %arg2[%dma_start3A_108, %dma_start3A_109, %add3A, %multiple_of3A] : memref<28x28x32x768xf32, #tpu.memory_space<hbm>> -> memref<4x28x1x256xf32, #tpu.memory_space<hbm>>
    %dma_start3A_111 = tpu.memref_squeeze %dma_start3A_110 : memref<4x28x1x256xf32, #tpu.memory_space<hbm>> -> memref<4x28x256xf32, #tpu.memory_space<hbm>>
    %dma_start3A_112 = arith.constant 8 : i32
    %dma_start3A_113 = arith.constant 0 : i32
    %dma_start3A_114 = tpu.memref_slice %arg2[%dma_start3A_112, %dma_start3A_113, %add3A, %multiple_of3A] : memref<28x28x32x768xf32, #tpu.memory_space<hbm>> -> memref<4x28x1x256xf32, #tpu.memory_space<hbm>>
    %dma_start3A_115 = tpu.memref_squeeze %dma_start3A_114 : memref<4x28x1x256xf32, #tpu.memory_space<hbm>> -> memref<4x28x256xf32, #tpu.memory_space<hbm>>
    tpu.enqueue_dma source(%dma_start3A_115 : memref<4x28x256xf32, #tpu.memory_space<hbm>>) target(%arg6 : memref<4x28x256xf32, #tpu.memory_space<vmem>>) target_semaphore(%arg10 : memref<!tpu.dma_semaphore, #tpu.memory_space<semaphore_mem>>)
    %dma_wait3A_116 = arith.constant 4 : i32
    %dma_wait3A_117 = arith.constant 0 : i32
    %dma_wait3A_118 = tpu.memref_slice %arg2[%dma_wait3A_116, %dma_wait3A_117, %add3A, %multiple_of3A] : memref<28x28x32x768xf32, #tpu.memory_space<hbm>> -> memref<4x28x1x256xf32, #tpu.memory_space<hbm>>
    %dma_wait3A_119 = tpu.memref_squeeze %dma_wait3A_118 : memref<4x28x1x256xf32, #tpu.memory_space<hbm>> -> memref<4x28x256xf32, #tpu.memory_space<hbm>>
    %dma_wait3A_120 = arith.constant 4 : i32
    %dma_wait3A_121 = arith.constant 0 : i32
    %dma_wait3A_122 = tpu.memref_slice %arg2[%dma_wait3A_120, %dma_wait3A_121, %add3A, %multiple_of3A] : memref<28x28x32x768xf32, #tpu.memory_space<hbm>> -> memref<4x28x1x256xf32, #tpu.memory_space<hbm>>
    %dma_wait3A_123 = tpu.memref_squeeze %dma_wait3A_122 : memref<4x28x1x256xf32, #tpu.memory_space<hbm>> -> memref<4x28x256xf32, #tpu.memory_space<hbm>>
    tpu.wait_dma2 semaphore(%arg11 : memref<!tpu.dma_semaphore, #tpu.memory_space<semaphore_mem>>) src(%dma_wait3A_123 : memref<4x28x256xf32, #tpu.memory_space<hbm>>) dst(%arg7 : memref<4x28x256xf32, #tpu.memory_space<vmem>>)
    %scan3A_124 = arith.constant 0 : i32
    %scan3A_125 = arith.constant 0 : i32
    %scan3A_126 = arith.constant 4 : i32
    %scan3A_127 = arith.addi %scan3A_125, %scan3A_126 : i32
    %scan3A_128 = arith.constant 1 : i32
    %scan3A_129 = scf.for %scan3A_368 = %scan3A_125 to %scan3A_127 step %scan3A_128 iter_args(%scan3A_369 = %scan3A_124) -> (i32)  : i32 {
      %scan3A_370 = arith.constant 0 : i32
      %scan3A_371 = arith.constant 0 : i32
      %scan3A_372 = arith.constant 28 : i32
      %scan3A_373 = arith.addi %scan3A_371, %scan3A_372 : i32
      %scan3A_374 = arith.constant 1 : i32
      %scan3A_375 = scf.for %scan3A_377 = %scan3A_371 to %scan3A_373 step %scan3A_374 iter_args(%scan3A_378 = %scan3A_370) -> (i32)  : i32 {
        %add3A_379 = arith.constant 0 : i32
        %add3A_380 = arith.addi %multiple_of3A_69, %add3A_379 : i32
        %get3A_381 = arith.index_cast %scan3A_368 : i32 to index
        %get3A_382 = arith.index_cast %scan3A_377 : i32 to index
        %get3A_383 = arith.index_cast %add3A_380 : i32 to index
        %get3A_384 = tpu.vector_load %arg7[%get3A_381, %get3A_382, %get3A_383] {strides = array<i32>} : memref<4x28x256xf32, #tpu.memory_space<vmem>>, vector<1x1x16xf32>,
        %get3A_385 = vector.shape_cast %get3A_384 : vector<1x1x16xf32> to vector<16xf32>
        %swap3A = arith.index_cast %scan3A_368 : i32 to index
        %swap3A_386 = arith.index_cast %scan3A_377 : i32 to index
        %swap3A_387 = arith.constant 0 : index
        %swap3A_388 = tpu.vector_load %arg9[%swap3A, %swap3A_386, %swap3A_387] {strides = array<i32>} : memref<4x28x96xf32, #tpu.memory_space<vmem>>, vector<1x1x16xf32>,
        %swap3A_389 = vector.shape_cast %swap3A_388 : vector<1x1x16xf32> to vector<16xf32>
        %swap3A_390 = vector.shape_cast %get3A_385 : vector<16xf32> to vector<1x1x16xf32>
        tpu.vector_store %arg9[%swap3A, %swap3A_386, %swap3A_387], %swap3A_390 {strides = array<i32>} : memref<4x28x96xf32, #tpu.memory_space<vmem>>, vector<1x1x16xf32>,
        %add3A_391 = arith.constant 16 : i32
        %add3A_392 = arith.addi %multiple_of3A_69, %add3A_391 : i32
        %get3A_393 = arith.index_cast %scan3A_368 : i32 to index
        %get3A_394 = arith.index_cast %scan3A_377 : i32 to index
        %get3A_395 = arith.index_cast %add3A_392 : i32 to index
        %get3A_396 = tpu.vector_load %arg7[%get3A_393, %get3A_394, %get3A_395] {strides = array<i32>} : memref<4x28x256xf32, #tpu.memory_space<vmem>>, vector<1x1x16xf32>,
        %get3A_397 = vector.shape_cast %get3A_396 : vector<1x1x16xf32> to vector<16xf32>
        %swap3A_398 = arith.index_cast %scan3A_368 : i32 to index
        %swap3A_399 = arith.index_cast %scan3A_377 : i32 to index
        %swap3A_400 = arith.constant 16 : index
        %swap3A_401 = tpu.vector_load %arg9[%swap3A_398, %swap3A_399, %swap3A_400] {strides = array<i32>} : memref<4x28x96xf32, #tpu.memory_space<vmem>>, vector<1x1x16xf32>,
        %swap3A_402 = vector.shape_cast %swap3A_401 : vector<1x1x16xf32> to vector<16xf32>
        %swap3A_403 = vector.shape_cast %get3A_397 : vector<16xf32> to vector<1x1x16xf32>
        tpu.vector_store %arg9[%swap3A_398, %swap3A_399, %swap3A_400], %swap3A_403 {strides = array<i32>} : memref<4x28x96xf32, #tpu.memory_space<vmem>>, vector<1x1x16xf32>,
        %add3A_404 = arith.constant 32 : i32
        %add3A_405 = arith.addi %multiple_of3A_69, %add3A_404 : i32
        %get3A_406 = arith.index_cast %scan3A_368 : i32 to index
        %get3A_407 = arith.index_cast %scan3A_377 : i32 to index
        %get3A_408 = arith.index_cast %add3A_405 : i32 to index
        %get3A_409 = tpu.vector_load %arg7[%get3A_406, %get3A_407, %get3A_408] {strides = array<i32>} : memref<4x28x256xf32, #tpu.memory_space<vmem>>, vector<1x1x16xf32>,
        %get3A_410 = vector.shape_cast %get3A_409 : vector<1x1x16xf32> to vector<16xf32>
        %swap3A_411 = arith.index_cast %scan3A_368 : i32 to index
        %swap3A_412 = arith.index_cast %scan3A_377 : i32 to index
        %swap3A_413 = arith.constant 32 : index
        %swap3A_414 = tpu.vector_load %arg9[%swap3A_411, %swap3A_412, %swap3A_413] {strides = array<i32>} : memref<4x28x96xf32, #tpu.memory_space<vmem>>, vector<1x1x16xf32>,
        %swap3A_415 = vector.shape_cast %swap3A_414 : vector<1x1x16xf32> to vector<16xf32>
        %swap3A_416 = vector.shape_cast %get3A_410 : vector<16xf32> to vector<1x1x16xf32>
        tpu.vector_store %arg9[%swap3A_411, %swap3A_412, %swap3A_413], %swap3A_416 {strides = array<i32>} : memref<4x28x96xf32, #tpu.memory_space<vmem>>, vector<1x1x16xf32>,
        %add3A_417 = arith.constant 48 : i32
        %add3A_418 = arith.addi %multiple_of3A_69, %add3A_417 : i32
        %get3A_419 = arith.index_cast %scan3A_368 : i32 to index
        %get3A_420 = arith.index_cast %scan3A_377 : i32 to index
        %get3A_421 = arith.index_cast %add3A_418 : i32 to index
        %get3A_422 = tpu.vector_load %arg7[%get3A_419, %get3A_420, %get3A_421] {strides = array<i32>} : memref<4x28x256xf32, #tpu.memory_space<vmem>>, vector<1x1x16xf32>,
        %get3A_423 = vector.shape_cast %get3A_422 : vector<1x1x16xf32> to vector<16xf32>
        %swap3A_424 = arith.index_cast %scan3A_368 : i32 to index
        %swap3A_425 = arith.index_cast %scan3A_377 : i32 to index
        %swap3A_426 = arith.constant 48 : index
        %swap3A_427 = tpu.vector_load %arg9[%swap3A_424, %swap3A_425, %swap3A_426] {strides = array<i32>} : memref<4x28x96xf32, #tpu.memory_space<vmem>>, vector<1x1x16xf32>,
        %swap3A_428 = vector.shape_cast %swap3A_427 : vector<1x1x16xf32> to vector<16xf32>
        %swap3A_429 = vector.shape_cast %get3A_423 : vector<16xf32> to vector<1x1x16xf32>
        tpu.vector_store %arg9[%swap3A_424, %swap3A_425, %swap3A_426], %swap3A_429 {strides = array<i32>} : memref<4x28x96xf32, #tpu.memory_space<vmem>>, vector<1x1x16xf32>,
        %add3A_430 = arith.constant 64 : i32
        %add3A_431 = arith.addi %multiple_of3A_69, %add3A_430 : i32
        %get3A_432 = arith.index_cast %scan3A_368 : i32 to index
        %get3A_433 = arith.index_cast %scan3A_377 : i32 to index
        %get3A_434 = arith.index_cast %add3A_431 : i32 to index
        %get3A_435 = tpu.vector_load %arg7[%get3A_432, %get3A_433, %get3A_434] {strides = array<i32>} : memref<4x28x256xf32, #tpu.memory_space<vmem>>, vector<1x1x16xf32>,
        %get3A_436 = vector.shape_cast %get3A_435 : vector<1x1x16xf32> to vector<16xf32>
        %swap3A_437 = arith.index_cast %scan3A_368 : i32 to index
        %swap3A_438 = arith.index_cast %scan3A_377 : i32 to index
        %swap3A_439 = arith.constant 64 : index
        %swap3A_440 = tpu.vector_load %arg9[%swap3A_437, %swap3A_438, %swap3A_439] {strides = array<i32>} : memref<4x28x96xf32, #tpu.memory_space<vmem>>, vector<1x1x16xf32>,
        %swap3A_441 = vector.shape_cast %swap3A_440 : vector<1x1x16xf32> to vector<16xf32>
        %swap3A_442 = vector.shape_cast %get3A_436 : vector<16xf32> to vector<1x1x16xf32>
        tpu.vector_store %arg9[%swap3A_437, %swap3A_438, %swap3A_439], %swap3A_442 {strides = array<i32>} : memref<4x28x96xf32, #tpu.memory_space<vmem>>, vector<1x1x16xf32>,
        %add3A_443 = arith.constant 80 : i32
        %add3A_444 = arith.addi %multiple_of3A_69, %add3A_443 : i32
        %get3A_445 = arith.index_cast %scan3A_368 : i32 to index
        %get3A_446 = arith.index_cast %scan3A_377 : i32 to index
        %get3A_447 = arith.index_cast %add3A_444 : i32 to index
        %get3A_448 = tpu.vector_load %arg7[%get3A_445, %get3A_446, %get3A_447] {strides = array<i32>} : memref<4x28x256xf32, #tpu.memory_space<vmem>>, vector<1x1x16xf32>,
        %get3A_449 = vector.shape_cast %get3A_448 : vector<1x1x16xf32> to vector<16xf32>
        %swap3A_450 = arith.index_cast %scan3A_368 : i32 to index
        %swap3A_451 = arith.index_cast %scan3A_377 : i32 to index
        %swap3A_452 = arith.constant 80 : index
        %swap3A_453 = tpu.vector_load %arg9[%swap3A_450, %swap3A_451, %swap3A_452] {strides = array<i32>} : memref<4x28x96xf32, #tpu.memory_space<vmem>>, vector<1x1x16xf32>,
        %swap3A_454 = vector.shape_cast %swap3A_453 : vector<1x1x16xf32> to vector<16xf32>
        %swap3A_455 = vector.shape_cast %get3A_449 : vector<16xf32> to vector<1x1x16xf32>
        tpu.vector_store %arg9[%swap3A_450, %swap3A_451, %swap3A_452], %swap3A_455 {strides = array<i32>} : memref<4x28x96xf32, #tpu.memory_space<vmem>>, vector<1x1x16xf32>,
        %scan3A_456 = arith.constant 0 : i32
        scf.yield %scan3A_456 : i32
      }
      %scan3A_376 = arith.constant 28 : i32
      scf.yield %scan3A_375 : i32
    }
    %scan3A_130 = arith.constant 4 : i32
    %dma_start3A_131 = arith.constant 4 : i32
    %dma_start3A_132 = arith.constant 0 : i32
    %dma_start3A_133 = arith.constant 0 : i32
    %dma_start3A_134 = tpu.memref_slice %arg4[%dma_start3A_131, %dma_start3A_132, %add3A, %dma_start3A_133] : memref<28x28x32x96xf32, #tpu.memory_space<hbm>> -> memref<4x28x1x96xf32, #tpu.memory_space<hbm>>
    %dma_start3A_135 = tpu.memref_squeeze %dma_start3A_134 : memref<4x28x1x96xf32, #tpu.memory_space<hbm>> -> memref<4x28x96xf32, #tpu.memory_space<hbm>>
    %dma_start3A_136 = arith.constant 4 : i32
    %dma_start3A_137 = arith.constant 0 : i32
    %dma_start3A_138 = arith.constant 0 : i32
    %dma_start3A_139 = tpu.memref_slice %arg4[%dma_start3A_136, %dma_start3A_137, %add3A, %dma_start3A_138] : memref<28x28x32x96xf32, #tpu.memory_space<hbm>> -> memref<4x28x1x96xf32, #tpu.memory_space<hbm>>
    %dma_start3A_140 = tpu.memref_squeeze %dma_start3A_139 : memref<4x28x1x96xf32, #tpu.memory_space<hbm>> -> memref<4x28x96xf32, #tpu.memory_space<hbm>>
    tpu.enqueue_dma source(%arg9 : memref<4x28x96xf32, #tpu.memory_space<vmem>>) target(%dma_start3A_140 : memref<4x28x96xf32, #tpu.memory_space<hbm>>) target_semaphore(%arg13 : memref<!tpu.dma_semaphore, #tpu.memory_space<semaphore_mem>>)
    %dma_start3A_141 = arith.constant 12 : i32
    %dma_start3A_142 = arith.constant 0 : i32
    %dma_start3A_143 = tpu.memref_slice %arg2[%dma_start3A_141, %dma_start3A_142, %add3A, %multiple_of3A] : memref<28x28x32x768xf32, #tpu.memory_space<hbm>> -> memref<4x28x1x256xf32, #tpu.memory_space<hbm>>
    %dma_start3A_144 = tpu.memref_squeeze %dma_start3A_143 : memref<4x28x1x256xf32, #tpu.memory_space<hbm>> -> memref<4x28x256xf32, #tpu.memory_space<hbm>>
    %dma_start3A_145 = arith.constant 12 : i32
    %dma_start3A_146 = arith.constant 0 : i32
    %dma_start3A_147 = tpu.memref_slice %arg2[%dma_start3A_145, %dma_start3A_146, %add3A, %multiple_of3A] : memref<28x28x32x768xf32, #tpu.memory_space<hbm>> -> memref<4x28x1x256xf32, #tpu.memory_space<hbm>>
    %dma_start3A_148 = tpu.memref_squeeze %dma_start3A_147 : memref<4x28x1x256xf32, #tpu.memory_space<hbm>> -> memref<4x28x256xf32, #tpu.memory_space<hbm>>
    tpu.enqueue_dma source(%dma_start3A_148 : memref<4x28x256xf32, #tpu.memory_space<hbm>>) target(%arg7 : memref<4x28x256xf32, #tpu.memory_space<vmem>>) target_semaphore(%arg11 : memref<!tpu.dma_semaphore, #tpu.memory_space<semaphore_mem>>)
    %dma_wait3A_149 = arith.constant 8 : i32
    %dma_wait3A_150 = arith.constant 0 : i32
    %dma_wait3A_151 = tpu.memref_slice %arg2[%dma_wait3A_149, %dma_wait3A_150, %add3A, %multiple_of3A] : memref<28x28x32x768xf32, #tpu.memory_space<hbm>> -> memref<4x28x1x256xf32, #tpu.memory_space<hbm>>
    %dma_wait3A_152 = tpu.memref_squeeze %dma_wait3A_151 : memref<4x28x1x256xf32, #tpu.memory_space<hbm>> -> memref<4x28x256xf32, #tpu.memory_space<hbm>>
    %dma_wait3A_153 = arith.constant 8 : i32
    %dma_wait3A_154 = arith.constant 0 : i32
    %dma_wait3A_155 = tpu.memref_slice %arg2[%dma_wait3A_153, %dma_wait3A_154, %add3A, %multiple_of3A] : memref<28x28x32x768xf32, #tpu.memory_space<hbm>> -> memref<4x28x1x256xf32, #tpu.memory_space<hbm>>
    %dma_wait3A_156 = tpu.memref_squeeze %dma_wait3A_155 : memref<4x28x1x256xf32, #tpu.memory_space<hbm>> -> memref<4x28x256xf32, #tpu.memory_space<hbm>>
    tpu.wait_dma2 semaphore(%arg10 : memref<!tpu.dma_semaphore, #tpu.memory_space<semaphore_mem>>) src(%dma_wait3A_156 : memref<4x28x256xf32, #tpu.memory_space<hbm>>) dst(%arg6 : memref<4x28x256xf32, #tpu.memory_space<vmem>>)
    %dma_wait3A_157 = arith.constant 0 : i32
    %dma_wait3A_158 = arith.constant 0 : i32
    %dma_wait3A_159 = arith.constant 0 : i32
    %dma_wait3A_160 = tpu.memref_slice %arg4[%dma_wait3A_157, %dma_wait3A_158, %add3A, %dma_wait3A_159] : memref<28x28x32x96xf32, #tpu.memory_space<hbm>> -> memref<4x28x1x96xf32, #tpu.memory_space<hbm>>
    %dma_wait3A_161 = tpu.memref_squeeze %dma_wait3A_160 : memref<4x28x1x96xf32, #tpu.memory_space<hbm>> -> memref<4x28x96xf32, #tpu.memory_space<hbm>>
    %dma_wait3A_162 = arith.constant 0 : i32
    %dma_wait3A_163 = arith.constant 0 : i32
    %dma_wait3A_164 = arith.constant 0 : i32
    %dma_wait3A_165 = tpu.memref_slice %arg4[%dma_wait3A_162, %dma_wait3A_163, %add3A, %dma_wait3A_164] : memref<28x28x32x96xf32, #tpu.memory_space<hbm>> -> memref<4x28x1x96xf32, #tpu.memory_space<hbm>>
    %dma_wait3A_166 = tpu.memref_squeeze %dma_wait3A_165 : memref<4x28x1x96xf32, #tpu.memory_space<hbm>> -> memref<4x28x96xf32, #tpu.memory_space<hbm>>
    tpu.wait_dma2 semaphore(%arg12 : memref<!tpu.dma_semaphore, #tpu.memory_space<semaphore_mem>>) src(%arg8 : memref<4x28x96xf32, #tpu.memory_space<vmem>>) dst(%dma_wait3A_166 : memref<4x28x96xf32, #tpu.memory_space<hbm>>)
    %scan3A_167 = arith.constant 0 : i32
    %scan3A_168 = arith.constant 0 : i32
    %scan3A_169 = arith.constant 4 : i32
    %scan3A_170 = arith.addi %scan3A_168, %scan3A_169 : i32
    %scan3A_171 = arith.constant 1 : i32
    %scan3A_172 = scf.for %scan3A_368 = %scan3A_168 to %scan3A_170 step %scan3A_171 iter_args(%scan3A_369 = %scan3A_167) -> (i32)  : i32 {
      %scan3A_370 = arith.constant 0 : i32
      %scan3A_371 = arith.constant 0 : i32
      %scan3A_372 = arith.constant 28 : i32
      %scan3A_373 = arith.addi %scan3A_371, %scan3A_372 : i32
      %scan3A_374 = arith.constant 1 : i32
      %scan3A_375 = scf.for %scan3A_377 = %scan3A_371 to %scan3A_373 step %scan3A_374 iter_args(%scan3A_378 = %scan3A_370) -> (i32)  : i32 {
        %add3A_379 = arith.constant 0 : i32
        %add3A_380 = arith.addi %multiple_of3A_69, %add3A_379 : i32
        %get3A_381 = arith.index_cast %scan3A_368 : i32 to index
        %get3A_382 = arith.index_cast %scan3A_377 : i32 to index
        %get3A_383 = arith.index_cast %add3A_380 : i32 to index
        %get3A_384 = tpu.vector_load %arg6[%get3A_381, %get3A_382, %get3A_383] {strides = array<i32>} : memref<4x28x256xf32, #tpu.memory_space<vmem>>, vector<1x1x16xf32>,
        %get3A_385 = vector.shape_cast %get3A_384 : vector<1x1x16xf32> to vector<16xf32>
        %swap3A = arith.index_cast %scan3A_368 : i32 to index
        %swap3A_386 = arith.index_cast %scan3A_377 : i32 to index
        %swap3A_387 = arith.constant 0 : index
        %swap3A_388 = tpu.vector_load %arg8[%swap3A, %swap3A_386, %swap3A_387] {strides = array<i32>} : memref<4x28x96xf32, #tpu.memory_space<vmem>>, vector<1x1x16xf32>,
        %swap3A_389 = vector.shape_cast %swap3A_388 : vector<1x1x16xf32> to vector<16xf32>
        %swap3A_390 = vector.shape_cast %get3A_385 : vector<16xf32> to vector<1x1x16xf32>
        tpu.vector_store %arg8[%swap3A, %swap3A_386, %swap3A_387], %swap3A_390 {strides = array<i32>} : memref<4x28x96xf32, #tpu.memory_space<vmem>>, vector<1x1x16xf32>,
        %add3A_391 = arith.constant 16 : i32
        %add3A_392 = arith.addi %multiple_of3A_69, %add3A_391 : i32
        %get3A_393 = arith.index_cast %scan3A_368 : i32 to index
        %get3A_394 = arith.index_cast %scan3A_377 : i32 to index
        %get3A_395 = arith.index_cast %add3A_392 : i32 to index
        %get3A_396 = tpu.vector_load %arg6[%get3A_393, %get3A_394, %get3A_395] {strides = array<i32>} : memref<4x28x256xf32, #tpu.memory_space<vmem>>, vector<1x1x16xf32>,
        %get3A_397 = vector.shape_cast %get3A_396 : vector<1x1x16xf32> to vector<16xf32>
        %swap3A_398 = arith.index_cast %scan3A_368 : i32 to index
        %swap3A_399 = arith.index_cast %scan3A_377 : i32 to index
        %swap3A_400 = arith.constant 16 : index
        %swap3A_401 = tpu.vector_load %arg8[%swap3A_398, %swap3A_399, %swap3A_400] {strides = array<i32>} : memref<4x28x96xf32, #tpu.memory_space<vmem>>, vector<1x1x16xf32>,
        %swap3A_402 = vector.shape_cast %swap3A_401 : vector<1x1x16xf32> to vector<16xf32>
        %swap3A_403 = vector.shape_cast %get3A_397 : vector<16xf32> to vector<1x1x16xf32>
        tpu.vector_store %arg8[%swap3A_398, %swap3A_399, %swap3A_400], %swap3A_403 {strides = array<i32>} : memref<4x28x96xf32, #tpu.memory_space<vmem>>, vector<1x1x16xf32>,
        %add3A_404 = arith.constant 32 : i32
        %add3A_405 = arith.addi %multiple_of3A_69, %add3A_404 : i32
        %get3A_406 = arith.index_cast %scan3A_368 : i32 to index
        %get3A_407 = arith.index_cast %scan3A_377 : i32 to index
        %get3A_408 = arith.index_cast %add3A_405 : i32 to index
        %get3A_409 = tpu.vector_load %arg6[%get3A_406, %get3A_407, %get3A_408] {strides = array<i32>} : memref<4x28x256xf32, #tpu.memory_space<vmem>>, vector<1x1x16xf32>,
        %get3A_410 = vector.shape_cast %get3A_409 : vector<1x1x16xf32> to vector<16xf32>
        %swap3A_411 = arith.index_cast %scan3A_368 : i32 to index
        %swap3A_412 = arith.index_cast %scan3A_377 : i32 to index
        %swap3A_413 = arith.constant 32 : index
        %swap3A_414 = tpu.vector_load %arg8[%swap3A_411, %swap3A_412, %swap3A_413] {strides = array<i32>} : memref<4x28x96xf32, #tpu.memory_space<vmem>>, vector<1x1x16xf32>,
        %swap3A_415 = vector.shape_cast %swap3A_414 : vector<1x1x16xf32> to vector<16xf32>
        %swap3A_416 = vector.shape_cast %get3A_410 : vector<16xf32> to vector<1x1x16xf32>
        tpu.vector_store %arg8[%swap3A_411, %swap3A_412, %swap3A_413], %swap3A_416 {strides = array<i32>} : memref<4x28x96xf32, #tpu.memory_space<vmem>>, vector<1x1x16xf32>,
        %add3A_417 = arith.constant 48 : i32
        %add3A_418 = arith.addi %multiple_of3A_69, %add3A_417 : i32
        %get3A_419 = arith.index_cast %scan3A_368 : i32 to index
        %get3A_420 = arith.index_cast %scan3A_377 : i32 to index
        %get3A_421 = arith.index_cast %add3A_418 : i32 to index
        %get3A_422 = tpu.vector_load %arg6[%get3A_419, %get3A_420, %get3A_421] {strides = array<i32>} : memref<4x28x256xf32, #tpu.memory_space<vmem>>, vector<1x1x16xf32>,
        %get3A_423 = vector.shape_cast %get3A_422 : vector<1x1x16xf32> to vector<16xf32>
        %swap3A_424 = arith.index_cast %scan3A_368 : i32 to index
        %swap3A_425 = arith.index_cast %scan3A_377 : i32 to index
        %swap3A_426 = arith.constant 48 : index
        %swap3A_427 = tpu.vector_load %arg8[%swap3A_424, %swap3A_425, %swap3A_426] {strides = array<i32>} : memref<4x28x96xf32, #tpu.memory_space<vmem>>, vector<1x1x16xf32>,
        %swap3A_428 = vector.shape_cast %swap3A_427 : vector<1x1x16xf32> to vector<16xf32>
        %swap3A_429 = vector.shape_cast %get3A_423 : vector<16xf32> to vector<1x1x16xf32>
        tpu.vector_store %arg8[%swap3A_424, %swap3A_425, %swap3A_426], %swap3A_429 {strides = array<i32>} : memref<4x28x96xf32, #tpu.memory_space<vmem>>, vector<1x1x16xf32>,
        %add3A_430 = arith.constant 64 : i32
        %add3A_431 = arith.addi %multiple_of3A_69, %add3A_430 : i32
        %get3A_432 = arith.index_cast %scan3A_368 : i32 to index
        %get3A_433 = arith.index_cast %scan3A_377 : i32 to index
        %get3A_434 = arith.index_cast %add3A_431 : i32 to index
        %get3A_435 = tpu.vector_load %arg6[%get3A_432, %get3A_433, %get3A_434] {strides = array<i32>} : memref<4x28x256xf32, #tpu.memory_space<vmem>>, vector<1x1x16xf32>,
        %get3A_436 = vector.shape_cast %get3A_435 : vector<1x1x16xf32> to vector<16xf32>
        %swap3A_437 = arith.index_cast %scan3A_368 : i32 to index
        %swap3A_438 = arith.index_cast %scan3A_377 : i32 to index
        %swap3A_439 = arith.constant 64 : index
        %swap3A_440 = tpu.vector_load %arg8[%swap3A_437, %swap3A_438, %swap3A_439] {strides = array<i32>} : memref<4x28x96xf32, #tpu.memory_space<vmem>>, vector<1x1x16xf32>,
        %swap3A_441 = vector.shape_cast %swap3A_440 : vector<1x1x16xf32> to vector<16xf32>
        %swap3A_442 = vector.shape_cast %get3A_436 : vector<16xf32> to vector<1x1x16xf32>
        tpu.vector_store %arg8[%swap3A_437, %swap3A_438, %swap3A_439], %swap3A_442 {strides = array<i32>} : memref<4x28x96xf32, #tpu.memory_space<vmem>>, vector<1x1x16xf32>,
        %add3A_443 = arith.constant 80 : i32
        %add3A_444 = arith.addi %multiple_of3A_69, %add3A_443 : i32
        %get3A_445 = arith.index_cast %scan3A_368 : i32 to index
        %get3A_446 = arith.index_cast %scan3A_377 : i32 to index
        %get3A_447 = arith.index_cast %add3A_444 : i32 to index
        %get3A_448 = tpu.vector_load %arg6[%get3A_445, %get3A_446, %get3A_447] {strides = array<i32>} : memref<4x28x256xf32, #tpu.memory_space<vmem>>, vector<1x1x16xf32>,
        %get3A_449 = vector.shape_cast %get3A_448 : vector<1x1x16xf32> to vector<16xf32>
        %swap3A_450 = arith.index_cast %scan3A_368 : i32 to index
        %swap3A_451 = arith.index_cast %scan3A_377 : i32 to index
        %swap3A_452 = arith.constant 80 : index
        %swap3A_453 = tpu.vector_load %arg8[%swap3A_450, %swap3A_451, %swap3A_452] {strides = array<i32>} : memref<4x28x96xf32, #tpu.memory_space<vmem>>, vector<1x1x16xf32>,
        %swap3A_454 = vector.shape_cast %swap3A_453 : vector<1x1x16xf32> to vector<16xf32>
        %swap3A_455 = vector.shape_cast %get3A_449 : vector<16xf32> to vector<1x1x16xf32>
        tpu.vector_store %arg8[%swap3A_450, %swap3A_451, %swap3A_452], %swap3A_455 {strides = array<i32>} : memref<4x28x96xf32, #tpu.memory_space<vmem>>, vector<1x1x16xf32>,
        %scan3A_456 = arith.constant 0 : i32
        scf.yield %scan3A_456 : i32
      }
      %scan3A_376 = arith.constant 28 : i32
      scf.yield %scan3A_375 : i32
    }
    %scan3A_173 = arith.constant 4 : i32
    %dma_start3A_174 = arith.constant 8 : i32
    %dma_start3A_175 = arith.constant 0 : i32
    %dma_start3A_176 = arith.constant 0 : i32
    %dma_start3A_177 = tpu.memref_slice %arg4[%dma_start3A_174, %dma_start3A_175, %add3A, %dma_start3A_176] : memref<28x28x32x96xf32, #tpu.memory_space<hbm>> -> memref<4x28x1x96xf32, #tpu.memory_space<hbm>>
    %dma_start3A_178 = tpu.memref_squeeze %dma_start3A_177 : memref<4x28x1x96xf32, #tpu.memory_space<hbm>> -> memref<4x28x96xf32, #tpu.memory_space<hbm>>
    %dma_start3A_179 = arith.constant 8 : i32
    %dma_start3A_180 = arith.constant 0 : i32
    %dma_start3A_181 = arith.constant 0 : i32
    %dma_start3A_182 = tpu.memref_slice %arg4[%dma_start3A_179, %dma_start3A_180, %add3A, %dma_start3A_181] : memref<28x28x32x96xf32, #tpu.memory_space<hbm>> -> memref<4x28x1x96xf32, #tpu.memory_space<hbm>>
    %dma_start3A_183 = tpu.memref_squeeze %dma_start3A_182 : memref<4x28x1x96xf32, #tpu.memory_space<hbm>> -> memref<4x28x96xf32, #tpu.memory_space<hbm>>
    tpu.enqueue_dma source(%arg8 : memref<4x28x96xf32, #tpu.memory_space<vmem>>) target(%dma_start3A_183 : memref<4x28x96xf32, #tpu.memory_space<hbm>>) target_semaphore(%arg12 : memref<!tpu.dma_semaphore, #tpu.memory_space<semaphore_mem>>)
    %dma_start3A_184 = arith.constant 16 : i32
    %dma_start3A_185 = arith.constant 0 : i32
    %dma_start3A_186 = tpu.memref_slice %arg2[%dma_start3A_184, %dma_start3A_185, %add3A, %multiple_of3A] : memref<28x28x32x768xf32, #tpu.memory_space<hbm>> -> memref<4x28x1x256xf32, #tpu.memory_space<hbm>>
    %dma_start3A_187 = tpu.memref_squeeze %dma_start3A_186 : memref<4x28x1x256xf32, #tpu.memory_space<hbm>> -> memref<4x28x256xf32, #tpu.memory_space<hbm>>
    %dma_start3A_188 = arith.constant 16 : i32
    %dma_start3A_189 = arith.constant 0 : i32
    %dma_start3A_190 = tpu.memref_slice %arg2[%dma_start3A_188, %dma_start3A_189, %add3A, %multiple_of3A] : memref<28x28x32x768xf32, #tpu.memory_space<hbm>> -> memref<4x28x1x256xf32, #tpu.memory_space<hbm>>
    %dma_start3A_191 = tpu.memref_squeeze %dma_start3A_190 : memref<4x28x1x256xf32, #tpu.memory_space<hbm>> -> memref<4x28x256xf32, #tpu.memory_space<hbm>>
    tpu.enqueue_dma source(%dma_start3A_191 : memref<4x28x256xf32, #tpu.memory_space<hbm>>) target(%arg6 : memref<4x28x256xf32, #tpu.memory_space<vmem>>) target_semaphore(%arg10 : memref<!tpu.dma_semaphore, #tpu.memory_space<semaphore_mem>>)
    %dma_wait3A_192 = arith.constant 12 : i32
    %dma_wait3A_193 = arith.constant 0 : i32
    %dma_wait3A_194 = tpu.memref_slice %arg2[%dma_wait3A_192, %dma_wait3A_193, %add3A, %multiple_of3A] : memref<28x28x32x768xf32, #tpu.memory_space<hbm>> -> memref<4x28x1x256xf32, #tpu.memory_space<hbm>>
    %dma_wait3A_195 = tpu.memref_squeeze %dma_wait3A_194 : memref<4x28x1x256xf32, #tpu.memory_space<hbm>> -> memref<4x28x256xf32, #tpu.memory_space<hbm>>
    %dma_wait3A_196 = arith.constant 12 : i32
    %dma_wait3A_197 = arith.constant 0 : i32
    %dma_wait3A_198 = tpu.memref_slice %arg2[%dma_wait3A_196, %dma_wait3A_197, %add3A, %multiple_of3A] : memref<28x28x32x768xf32, #tpu.memory_space<hbm>> -> memref<4x28x1x256xf32, #tpu.memory_space<hbm>>
    %dma_wait3A_199 = tpu.memref_squeeze %dma_wait3A_198 : memref<4x28x1x256xf32, #tpu.memory_space<hbm>> -> memref<4x28x256xf32, #tpu.memory_space<hbm>>
    tpu.wait_dma2 semaphore(%arg11 : memref<!tpu.dma_semaphore, #tpu.memory_space<semaphore_mem>>) src(%dma_wait3A_199 : memref<4x28x256xf32, #tpu.memory_space<hbm>>) dst(%arg7 : memref<4x28x256xf32, #tpu.memory_space<vmem>>)
    %dma_wait3A_200 = arith.constant 4 : i32
    %dma_wait3A_201 = arith.constant 0 : i32
    %dma_wait3A_202 = arith.constant 0 : i32
    %dma_wait3A_203 = tpu.memref_slice %arg4[%dma_wait3A_200, %dma_wait3A_201, %add3A, %dma_wait3A_202] : memref<28x28x32x96xf32, #tpu.memory_space<hbm>> -> memref<4x28x1x96xf32, #tpu.memory_space<hbm>>
    %dma_wait3A_204 = tpu.memref_squeeze %dma_wait3A_203 : memref<4x28x1x96xf32, #tpu.memory_space<hbm>> -> memref<4x28x96xf32, #tpu.memory_space<hbm>>
    %dma_wait3A_205 = arith.constant 4 : i32
    %dma_wait3A_206 = arith.constant 0 : i32
    %dma_wait3A_207 = arith.constant 0 : i32
    %dma_wait3A_208 = tpu.memref_slice %arg4[%dma_wait3A_205, %dma_wait3A_206, %add3A, %dma_wait3A_207] : memref<28x28x32x96xf32, #tpu.memory_space<hbm>> -> memref<4x28x1x96xf32, #tpu.memory_space<hbm>>
    %dma_wait3A_209 = tpu.memref_squeeze %dma_wait3A_208 : memref<4x28x1x96xf32, #tpu.memory_space<hbm>> -> memref<4x28x96xf32, #tpu.memory_space<hbm>>
    tpu.wait_dma2 semaphore(%arg13 : memref<!tpu.dma_semaphore, #tpu.memory_space<semaphore_mem>>) src(%arg9 : memref<4x28x96xf32, #tpu.memory_space<vmem>>) dst(%dma_wait3A_209 : memref<4x28x96xf32, #tpu.memory_space<hbm>>)
    %scan3A_210 = arith.constant 0 : i32
    %scan3A_211 = arith.constant 0 : i32
    %scan3A_212 = arith.constant 4 : i32
    %scan3A_213 = arith.addi %scan3A_211, %scan3A_212 : i32
    %scan3A_214 = arith.constant 1 : i32
    %scan3A_215 = scf.for %scan3A_368 = %scan3A_211 to %scan3A_213 step %scan3A_214 iter_args(%scan3A_369 = %scan3A_210) -> (i32)  : i32 {
      %scan3A_370 = arith.constant 0 : i32
      %scan3A_371 = arith.constant 0 : i32
      %scan3A_372 = arith.constant 28 : i32
      %scan3A_373 = arith.addi %scan3A_371, %scan3A_372 : i32
      %scan3A_374 = arith.constant 1 : i32
      %scan3A_375 = scf.for %scan3A_377 = %scan3A_371 to %scan3A_373 step %scan3A_374 iter_args(%scan3A_378 = %scan3A_370) -> (i32)  : i32 {
        %add3A_379 = arith.constant 0 : i32
        %add3A_380 = arith.addi %multiple_of3A_69, %add3A_379 : i32
        %get3A_381 = arith.index_cast %scan3A_368 : i32 to index
        %get3A_382 = arith.index_cast %scan3A_377 : i32 to index
        %get3A_383 = arith.index_cast %add3A_380 : i32 to index
        %get3A_384 = tpu.vector_load %arg7[%get3A_381, %get3A_382, %get3A_383] {strides = array<i32>} : memref<4x28x256xf32, #tpu.memory_space<vmem>>, vector<1x1x16xf32>,
        %get3A_385 = vector.shape_cast %get3A_384 : vector<1x1x16xf32> to vector<16xf32>
        %swap3A = arith.index_cast %scan3A_368 : i32 to index
        %swap3A_386 = arith.index_cast %scan3A_377 : i32 to index
        %swap3A_387 = arith.constant 0 : index
        %swap3A_388 = tpu.vector_load %arg9[%swap3A, %swap3A_386, %swap3A_387] {strides = array<i32>} : memref<4x28x96xf32, #tpu.memory_space<vmem>>, vector<1x1x16xf32>,
        %swap3A_389 = vector.shape_cast %swap3A_388 : vector<1x1x16xf32> to vector<16xf32>
        %swap3A_390 = vector.shape_cast %get3A_385 : vector<16xf32> to vector<1x1x16xf32>
        tpu.vector_store %arg9[%swap3A, %swap3A_386, %swap3A_387], %swap3A_390 {strides = array<i32>} : memref<4x28x96xf32, #tpu.memory_space<vmem>>, vector<1x1x16xf32>,
        %add3A_391 = arith.constant 16 : i32
        %add3A_392 = arith.addi %multiple_of3A_69, %add3A_391 : i32
        %get3A_393 = arith.index_cast %scan3A_368 : i32 to index
        %get3A_394 = arith.index_cast %scan3A_377 : i32 to index
        %get3A_395 = arith.index_cast %add3A_392 : i32 to index
        %get3A_396 = tpu.vector_load %arg7[%get3A_393, %get3A_394, %get3A_395] {strides = array<i32>} : memref<4x28x256xf32, #tpu.memory_space<vmem>>, vector<1x1x16xf32>,
        %get3A_397 = vector.shape_cast %get3A_396 : vector<1x1x16xf32> to vector<16xf32>
        %swap3A_398 = arith.index_cast %scan3A_368 : i32 to index
        %swap3A_399 = arith.index_cast %scan3A_377 : i32 to index
        %swap3A_400 = arith.constant 16 : index
        %swap3A_401 = tpu.vector_load %arg9[%swap3A_398, %swap3A_399, %swap3A_400] {strides = array<i32>} : memref<4x28x96xf32, #tpu.memory_space<vmem>>, vector<1x1x16xf32>,
        %swap3A_402 = vector.shape_cast %swap3A_401 : vector<1x1x16xf32> to vector<16xf32>
        %swap3A_403 = vector.shape_cast %get3A_397 : vector<16xf32> to vector<1x1x16xf32>
        tpu.vector_store %arg9[%swap3A_398, %swap3A_399, %swap3A_400], %swap3A_403 {strides = array<i32>} : memref<4x28x96xf32, #tpu.memory_space<vmem>>, vector<1x1x16xf32>,
        %add3A_404 = arith.constant 32 : i32
        %add3A_405 = arith.addi %multiple_of3A_69, %add3A_404 : i32
        %get3A_406 = arith.index_cast %scan3A_368 : i32 to index
        %get3A_407 = arith.index_cast %scan3A_377 : i32 to index
        %get3A_408 = arith.index_cast %add3A_405 : i32 to index
        %get3A_409 = tpu.vector_load %arg7[%get3A_406, %get3A_407, %get3A_408] {strides = array<i32>} : memref<4x28x256xf32, #tpu.memory_space<vmem>>, vector<1x1x16xf32>,
        %get3A_410 = vector.shape_cast %get3A_409 : vector<1x1x16xf32> to vector<16xf32>
        %swap3A_411 = arith.index_cast %scan3A_368 : i32 to index
        %swap3A_412 = arith.index_cast %scan3A_377 : i32 to index
        %swap3A_413 = arith.constant 32 : index
        %swap3A_414 = tpu.vector_load %arg9[%swap3A_411, %swap3A_412, %swap3A_413] {strides = array<i32>} : memref<4x28x96xf32, #tpu.memory_space<vmem>>, vector<1x1x16xf32>,
        %swap3A_415 = vector.shape_cast %swap3A_414 : vector<1x1x16xf32> to vector<16xf32>
        %swap3A_416 = vector.shape_cast %get3A_410 : vector<16xf32> to vector<1x1x16xf32>
        tpu.vector_store %arg9[%swap3A_411, %swap3A_412, %swap3A_413], %swap3A_416 {strides = array<i32>} : memref<4x28x96xf32, #tpu.memory_space<vmem>>, vector<1x1x16xf32>,
        %add3A_417 = arith.constant 48 : i32
        %add3A_418 = arith.addi %multiple_of3A_69, %add3A_417 : i32
        %get3A_419 = arith.index_cast %scan3A_368 : i32 to index
        %get3A_420 = arith.index_cast %scan3A_377 : i32 to index
        %get3A_421 = arith.index_cast %add3A_418 : i32 to index
        %get3A_422 = tpu.vector_load %arg7[%get3A_419, %get3A_420, %get3A_421] {strides = array<i32>} : memref<4x28x256xf32, #tpu.memory_space<vmem>>, vector<1x1x16xf32>,
        %get3A_423 = vector.shape_cast %get3A_422 : vector<1x1x16xf32> to vector<16xf32>
        %swap3A_424 = arith.index_cast %scan3A_368 : i32 to index
        %swap3A_425 = arith.index_cast %scan3A_377 : i32 to index
        %swap3A_426 = arith.constant 48 : index
        %swap3A_427 = tpu.vector_load %arg9[%swap3A_424, %swap3A_425, %swap3A_426] {strides = array<i32>} : memref<4x28x96xf32, #tpu.memory_space<vmem>>, vector<1x1x16xf32>,
        %swap3A_428 = vector.shape_cast %swap3A_427 : vector<1x1x16xf32> to vector<16xf32>
        %swap3A_429 = vector.shape_cast %get3A_423 : vector<16xf32> to vector<1x1x16xf32>
        tpu.vector_store %arg9[%swap3A_424, %swap3A_425, %swap3A_426], %swap3A_429 {strides = array<i32>} : memref<4x28x96xf32, #tpu.memory_space<vmem>>, vector<1x1x16xf32>,
        %add3A_430 = arith.constant 64 : i32
        %add3A_431 = arith.addi %multiple_of3A_69, %add3A_430 : i32
        %get3A_432 = arith.index_cast %scan3A_368 : i32 to index
        %get3A_433 = arith.index_cast %scan3A_377 : i32 to index
        %get3A_434 = arith.index_cast %add3A_431 : i32 to index
        %get3A_435 = tpu.vector_load %arg7[%get3A_432, %get3A_433, %get3A_434] {strides = array<i32>} : memref<4x28x256xf32, #tpu.memory_space<vmem>>, vector<1x1x16xf32>,
        %get3A_436 = vector.shape_cast %get3A_435 : vector<1x1x16xf32> to vector<16xf32>
        %swap3A_437 = arith.index_cast %scan3A_368 : i32 to index
        %swap3A_438 = arith.index_cast %scan3A_377 : i32 to index
        %swap3A_439 = arith.constant 64 : index
        %swap3A_440 = tpu.vector_load %arg9[%swap3A_437, %swap3A_438, %swap3A_439] {strides = array<i32>} : memref<4x28x96xf32, #tpu.memory_space<vmem>>, vector<1x1x16xf32>,
        %swap3A_441 = vector.shape_cast %swap3A_440 : vector<1x1x16xf32> to vector<16xf32>
        %swap3A_442 = vector.shape_cast %get3A_436 : vector<16xf32> to vector<1x1x16xf32>
        tpu.vector_store %arg9[%swap3A_437, %swap3A_438, %swap3A_439], %swap3A_442 {strides = array<i32>} : memref<4x28x96xf32, #tpu.memory_space<vmem>>, vector<1x1x16xf32>,
        %add3A_443 = arith.constant 80 : i32
        %add3A_444 = arith.addi %multiple_of3A_69, %add3A_443 : i32
        %get3A_445 = arith.index_cast %scan3A_368 : i32 to index
        %get3A_446 = arith.index_cast %scan3A_377 : i32 to index
        %get3A_447 = arith.index_cast %add3A_444 : i32 to index
        %get3A_448 = tpu.vector_load %arg7[%get3A_445, %get3A_446, %get3A_447] {strides = array<i32>} : memref<4x28x256xf32, #tpu.memory_space<vmem>>, vector<1x1x16xf32>,
        %get3A_449 = vector.shape_cast %get3A_448 : vector<1x1x16xf32> to vector<16xf32>
        %swap3A_450 = arith.index_cast %scan3A_368 : i32 to index
        %swap3A_451 = arith.index_cast %scan3A_377 : i32 to index
        %swap3A_452 = arith.constant 80 : index
        %swap3A_453 = tpu.vector_load %arg9[%swap3A_450, %swap3A_451, %swap3A_452] {strides = array<i32>} : memref<4x28x96xf32, #tpu.memory_space<vmem>>, vector<1x1x16xf32>,
        %swap3A_454 = vector.shape_cast %swap3A_453 : vector<1x1x16xf32> to vector<16xf32>
        %swap3A_455 = vector.shape_cast %get3A_449 : vector<16xf32> to vector<1x1x16xf32>
        tpu.vector_store %arg9[%swap3A_450, %swap3A_451, %swap3A_452], %swap3A_455 {strides = array<i32>} : memref<4x28x96xf32, #tpu.memory_space<vmem>>, vector<1x1x16xf32>,
        %scan3A_456 = arith.constant 0 : i32
        scf.yield %scan3A_456 : i32
      }
      %scan3A_376 = arith.constant 28 : i32
      scf.yield %scan3A_375 : i32
    }
    %scan3A_216 = arith.constant 4 : i32
    %dma_start3A_217 = arith.constant 12 : i32
    %dma_start3A_218 = arith.constant 0 : i32
    %dma_start3A_219 = arith.constant 0 : i32
    %dma_start3A_220 = tpu.memref_slice %arg4[%dma_start3A_217, %dma_start3A_218, %add3A, %dma_start3A_219] : memref<28x28x32x96xf32, #tpu.memory_space<hbm>> -> memref<4x28x1x96xf32, #tpu.memory_space<hbm>>
    %dma_start3A_221 = tpu.memref_squeeze %dma_start3A_220 : memref<4x28x1x96xf32, #tpu.memory_space<hbm>> -> memref<4x28x96xf32, #tpu.memory_space<hbm>>
    %dma_start3A_222 = arith.constant 12 : i32
    %dma_start3A_223 = arith.constant 0 : i32
    %dma_start3A_224 = arith.constant 0 : i32
    %dma_start3A_225 = tpu.memref_slice %arg4[%dma_start3A_222, %dma_start3A_223, %add3A, %dma_start3A_224] : memref<28x28x32x96xf32, #tpu.memory_space<hbm>> -> memref<4x28x1x96xf32, #tpu.memory_space<hbm>>
    %dma_start3A_226 = tpu.memref_squeeze %dma_start3A_225 : memref<4x28x1x96xf32, #tpu.memory_space<hbm>> -> memref<4x28x96xf32, #tpu.memory_space<hbm>>
    tpu.enqueue_dma source(%arg9 : memref<4x28x96xf32, #tpu.memory_space<vmem>>) target(%dma_start3A_226 : memref<4x28x96xf32, #tpu.memory_space<hbm>>) target_semaphore(%arg13 : memref<!tpu.dma_semaphore, #tpu.memory_space<semaphore_mem>>)
    %dma_start3A_227 = arith.constant 20 : i32
    %dma_start3A_228 = arith.constant 0 : i32
    %dma_start3A_229 = tpu.memref_slice %arg2[%dma_start3A_227, %dma_start3A_228, %add3A, %multiple_of3A] : memref<28x28x32x768xf32, #tpu.memory_space<hbm>> -> memref<4x28x1x256xf32, #tpu.memory_space<hbm>>
    %dma_start3A_230 = tpu.memref_squeeze %dma_start3A_229 : memref<4x28x1x256xf32, #tpu.memory_space<hbm>> -> memref<4x28x256xf32, #tpu.memory_space<hbm>>
    %dma_start3A_231 = arith.constant 20 : i32
    %dma_start3A_232 = arith.constant 0 : i32
    %dma_start3A_233 = tpu.memref_slice %arg2[%dma_start3A_231, %dma_start3A_232, %add3A, %multiple_of3A] : memref<28x28x32x768xf32, #tpu.memory_space<hbm>> -> memref<4x28x1x256xf32, #tpu.memory_space<hbm>>
    %dma_start3A_234 = tpu.memref_squeeze %dma_start3A_233 : memref<4x28x1x256xf32, #tpu.memory_space<hbm>> -> memref<4x28x256xf32, #tpu.memory_space<hbm>>
    tpu.enqueue_dma source(%dma_start3A_234 : memref<4x28x256xf32, #tpu.memory_space<hbm>>) target(%arg7 : memref<4x28x256xf32, #tpu.memory_space<vmem>>) target_semaphore(%arg11 : memref<!tpu.dma_semaphore, #tpu.memory_space<semaphore_mem>>)
    %dma_wait3A_235 = arith.constant 16 : i32
    %dma_wait3A_236 = arith.constant 0 : i32
    %dma_wait3A_237 = tpu.memref_slice %arg2[%dma_wait3A_235, %dma_wait3A_236, %add3A, %multiple_of3A] : memref<28x28x32x768xf32, #tpu.memory_space<hbm>> -> memref<4x28x1x256xf32, #tpu.memory_space<hbm>>
    %dma_wait3A_238 = tpu.memref_squeeze %dma_wait3A_237 : memref<4x28x1x256xf32, #tpu.memory_space<hbm>> -> memref<4x28x256xf32, #tpu.memory_space<hbm>>
    %dma_wait3A_239 = arith.constant 16 : i32
    %dma_wait3A_240 = arith.constant 0 : i32
    %dma_wait3A_241 = tpu.memref_slice %arg2[%dma_wait3A_239, %dma_wait3A_240, %add3A, %multiple_of3A] : memref<28x28x32x768xf32, #tpu.memory_space<hbm>> -> memref<4x28x1x256xf32, #tpu.memory_space<hbm>>
    %dma_wait3A_242 = tpu.memref_squeeze %dma_wait3A_241 : memref<4x28x1x256xf32, #tpu.memory_space<hbm>> -> memref<4x28x256xf32, #tpu.memory_space<hbm>>
    tpu.wait_dma2 semaphore(%arg10 : memref<!tpu.dma_semaphore, #tpu.memory_space<semaphore_mem>>) src(%dma_wait3A_242 : memref<4x28x256xf32, #tpu.memory_space<hbm>>) dst(%arg6 : memref<4x28x256xf32, #tpu.memory_space<vmem>>)
    %dma_wait3A_243 = arith.constant 8 : i32
    %dma_wait3A_244 = arith.constant 0 : i32
    %dma_wait3A_245 = arith.constant 0 : i32
    %dma_wait3A_246 = tpu.memref_slice %arg4[%dma_wait3A_243, %dma_wait3A_244, %add3A, %dma_wait3A_245] : memref<28x28x32x96xf32, #tpu.memory_space<hbm>> -> memref<4x28x1x96xf32, #tpu.memory_space<hbm>>
    %dma_wait3A_247 = tpu.memref_squeeze %dma_wait3A_246 : memref<4x28x1x96xf32, #tpu.memory_space<hbm>> -> memref<4x28x96xf32, #tpu.memory_space<hbm>>
    %dma_wait3A_248 = arith.constant 8 : i32
    %dma_wait3A_249 = arith.constant 0 : i32
    %dma_wait3A_250 = arith.constant 0 : i32
    %dma_wait3A_251 = tpu.memref_slice %arg4[%dma_wait3A_248, %dma_wait3A_249, %add3A, %dma_wait3A_250] : memref<28x28x32x96xf32, #tpu.memory_space<hbm>> -> memref<4x28x1x96xf32, #tpu.memory_space<hbm>>
    %dma_wait3A_252 = tpu.memref_squeeze %dma_wait3A_251 : memref<4x28x1x96xf32, #tpu.memory_space<hbm>> -> memref<4x28x96xf32, #tpu.memory_space<hbm>>
    tpu.wait_dma2 semaphore(%arg12 : memref<!tpu.dma_semaphore, #tpu.memory_space<semaphore_mem>>) src(%arg8 : memref<4x28x96xf32, #tpu.memory_space<vmem>>) dst(%dma_wait3A_252 : memref<4x28x96xf32, #tpu.memory_space<hbm>>)
    %scan3A_253 = arith.constant 0 : i32
    %scan3A_254 = arith.constant 0 : i32
    %scan3A_255 = arith.constant 4 : i32
    %scan3A_256 = arith.addi %scan3A_254, %scan3A_255 : i32
    %scan3A_257 = arith.constant 1 : i32
    %scan3A_258 = scf.for %scan3A_368 = %scan3A_254 to %scan3A_256 step %scan3A_257 iter_args(%scan3A_369 = %scan3A_253) -> (i32)  : i32 {
      %scan3A_370 = arith.constant 0 : i32
      %scan3A_371 = arith.constant 0 : i32
      %scan3A_372 = arith.constant 28 : i32
      %scan3A_373 = arith.addi %scan3A_371, %scan3A_372 : i32
      %scan3A_374 = arith.constant 1 : i32
      %scan3A_375 = scf.for %scan3A_377 = %scan3A_371 to %scan3A_373 step %scan3A_374 iter_args(%scan3A_378 = %scan3A_370) -> (i32)  : i32 {
        %add3A_379 = arith.constant 0 : i32
        %add3A_380 = arith.addi %multiple_of3A_69, %add3A_379 : i32
        %get3A_381 = arith.index_cast %scan3A_368 : i32 to index
        %get3A_382 = arith.index_cast %scan3A_377 : i32 to index
        %get3A_383 = arith.index_cast %add3A_380 : i32 to index
        %get3A_384 = tpu.vector_load %arg6[%get3A_381, %get3A_382, %get3A_383] {strides = array<i32>} : memref<4x28x256xf32, #tpu.memory_space<vmem>>, vector<1x1x16xf32>,
        %get3A_385 = vector.shape_cast %get3A_384 : vector<1x1x16xf32> to vector<16xf32>
        %swap3A = arith.index_cast %scan3A_368 : i32 to index
        %swap3A_386 = arith.index_cast %scan3A_377 : i32 to index
        %swap3A_387 = arith.constant 0 : index
        %swap3A_388 = tpu.vector_load %arg8[%swap3A, %swap3A_386, %swap3A_387] {strides = array<i32>} : memref<4x28x96xf32, #tpu.memory_space<vmem>>, vector<1x1x16xf32>,
        %swap3A_389 = vector.shape_cast %swap3A_388 : vector<1x1x16xf32> to vector<16xf32>
        %swap3A_390 = vector.shape_cast %get3A_385 : vector<16xf32> to vector<1x1x16xf32>
        tpu.vector_store %arg8[%swap3A, %swap3A_386, %swap3A_387], %swap3A_390 {strides = array<i32>} : memref<4x28x96xf32, #tpu.memory_space<vmem>>, vector<1x1x16xf32>,
        %add3A_391 = arith.constant 16 : i32
        %add3A_392 = arith.addi %multiple_of3A_69, %add3A_391 : i32
        %get3A_393 = arith.index_cast %scan3A_368 : i32 to index
        %get3A_394 = arith.index_cast %scan3A_377 : i32 to index
        %get3A_395 = arith.index_cast %add3A_392 : i32 to index
        %get3A_396 = tpu.vector_load %arg6[%get3A_393, %get3A_394, %get3A_395] {strides = array<i32>} : memref<4x28x256xf32, #tpu.memory_space<vmem>>, vector<1x1x16xf32>,
        %get3A_397 = vector.shape_cast %get3A_396 : vector<1x1x16xf32> to vector<16xf32>
        %swap3A_398 = arith.index_cast %scan3A_368 : i32 to index
        %swap3A_399 = arith.index_cast %scan3A_377 : i32 to index
        %swap3A_400 = arith.constant 16 : index
        %swap3A_401 = tpu.vector_load %arg8[%swap3A_398, %swap3A_399, %swap3A_400] {strides = array<i32>} : memref<4x28x96xf32, #tpu.memory_space<vmem>>, vector<1x1x16xf32>,
        %swap3A_402 = vector.shape_cast %swap3A_401 : vector<1x1x16xf32> to vector<16xf32>
        %swap3A_403 = vector.shape_cast %get3A_397 : vector<16xf32> to vector<1x1x16xf32>
        tpu.vector_store %arg8[%swap3A_398, %swap3A_399, %swap3A_400], %swap3A_403 {strides = array<i32>} : memref<4x28x96xf32, #tpu.memory_space<vmem>>, vector<1x1x16xf32>,
        %add3A_404 = arith.constant 32 : i32
        %add3A_405 = arith.addi %multiple_of3A_69, %add3A_404 : i32
        %get3A_406 = arith.index_cast %scan3A_368 : i32 to index
        %get3A_407 = arith.index_cast %scan3A_377 : i32 to index
        %get3A_408 = arith.index_cast %add3A_405 : i32 to index
        %get3A_409 = tpu.vector_load %arg6[%get3A_406, %get3A_407, %get3A_408] {strides = array<i32>} : memref<4x28x256xf32, #tpu.memory_space<vmem>>, vector<1x1x16xf32>,
        %get3A_410 = vector.shape_cast %get3A_409 : vector<1x1x16xf32> to vector<16xf32>
        %swap3A_411 = arith.index_cast %scan3A_368 : i32 to index
        %swap3A_412 = arith.index_cast %scan3A_377 : i32 to index
        %swap3A_413 = arith.constant 32 : index
        %swap3A_414 = tpu.vector_load %arg8[%swap3A_411, %swap3A_412, %swap3A_413] {strides = array<i32>} : memref<4x28x96xf32, #tpu.memory_space<vmem>>, vector<1x1x16xf32>,
        %swap3A_415 = vector.shape_cast %swap3A_414 : vector<1x1x16xf32> to vector<16xf32>
        %swap3A_416 = vector.shape_cast %get3A_410 : vector<16xf32> to vector<1x1x16xf32>
        tpu.vector_store %arg8[%swap3A_411, %swap3A_412, %swap3A_413], %swap3A_416 {strides = array<i32>} : memref<4x28x96xf32, #tpu.memory_space<vmem>>, vector<1x1x16xf32>,
        %add3A_417 = arith.constant 48 : i32
        %add3A_418 = arith.addi %multiple_of3A_69, %add3A_417 : i32
        %get3A_419 = arith.index_cast %scan3A_368 : i32 to index
        %get3A_420 = arith.index_cast %scan3A_377 : i32 to index
        %get3A_421 = arith.index_cast %add3A_418 : i32 to index
        %get3A_422 = tpu.vector_load %arg6[%get3A_419, %get3A_420, %get3A_421] {strides = array<i32>} : memref<4x28x256xf32, #tpu.memory_space<vmem>>, vector<1x1x16xf32>,
        %get3A_423 = vector.shape_cast %get3A_422 : vector<1x1x16xf32> to vector<16xf32>
        %swap3A_424 = arith.index_cast %scan3A_368 : i32 to index
        %swap3A_425 = arith.index_cast %scan3A_377 : i32 to index
        %swap3A_426 = arith.constant 48 : index
        %swap3A_427 = tpu.vector_load %arg8[%swap3A_424, %swap3A_425, %swap3A_426] {strides = array<i32>} : memref<4x28x96xf32, #tpu.memory_space<vmem>>, vector<1x1x16xf32>,
        %swap3A_428 = vector.shape_cast %swap3A_427 : vector<1x1x16xf32> to vector<16xf32>
        %swap3A_429 = vector.shape_cast %get3A_423 : vector<16xf32> to vector<1x1x16xf32>
        tpu.vector_store %arg8[%swap3A_424, %swap3A_425, %swap3A_426], %swap3A_429 {strides = array<i32>} : memref<4x28x96xf32, #tpu.memory_space<vmem>>, vector<1x1x16xf32>,
        %add3A_430 = arith.constant 64 : i32
        %add3A_431 = arith.addi %multiple_of3A_69, %add3A_430 : i32
        %get3A_432 = arith.index_cast %scan3A_368 : i32 to index
        %get3A_433 = arith.index_cast %scan3A_377 : i32 to index
        %get3A_434 = arith.index_cast %add3A_431 : i32 to index
        %get3A_435 = tpu.vector_load %arg6[%get3A_432, %get3A_433, %get3A_434] {strides = array<i32>} : memref<4x28x256xf32, #tpu.memory_space<vmem>>, vector<1x1x16xf32>,
        %get3A_436 = vector.shape_cast %get3A_435 : vector<1x1x16xf32> to vector<16xf32>
        %swap3A_437 = arith.index_cast %scan3A_368 : i32 to index
        %swap3A_438 = arith.index_cast %scan3A_377 : i32 to index
        %swap3A_439 = arith.constant 64 : index
        %swap3A_440 = tpu.vector_load %arg8[%swap3A_437, %swap3A_438, %swap3A_439] {strides = array<i32>} : memref<4x28x96xf32, #tpu.memory_space<vmem>>, vector<1x1x16xf32>,
        %swap3A_441 = vector.shape_cast %swap3A_440 : vector<1x1x16xf32> to vector<16xf32>
        %swap3A_442 = vector.shape_cast %get3A_436 : vector<16xf32> to vector<1x1x16xf32>
        tpu.vector_store %arg8[%swap3A_437, %swap3A_438, %swap3A_439], %swap3A_442 {strides = array<i32>} : memref<4x28x96xf32, #tpu.memory_space<vmem>>, vector<1x1x16xf32>,
        %add3A_443 = arith.constant 80 : i32
        %add3A_444 = arith.addi %multiple_of3A_69, %add3A_443 : i32
        %get3A_445 = arith.index_cast %scan3A_368 : i32 to index
        %get3A_446 = arith.index_cast %scan3A_377 : i32 to index
        %get3A_447 = arith.index_cast %add3A_444 : i32 to index
        %get3A_448 = tpu.vector_load %arg6[%get3A_445, %get3A_446, %get3A_447] {strides = array<i32>} : memref<4x28x256xf32, #tpu.memory_space<vmem>>, vector<1x1x16xf32>,
        %get3A_449 = vector.shape_cast %get3A_448 : vector<1x1x16xf32> to vector<16xf32>
        %swap3A_450 = arith.index_cast %scan3A_368 : i32 to index
        %swap3A_451 = arith.index_cast %scan3A_377 : i32 to index
        %swap3A_452 = arith.constant 80 : index
        %swap3A_453 = tpu.vector_load %arg8[%swap3A_450, %swap3A_451, %swap3A_452] {strides = array<i32>} : memref<4x28x96xf32, #tpu.memory_space<vmem>>, vector<1x1x16xf32>,
        %swap3A_454 = vector.shape_cast %swap3A_453 : vector<1x1x16xf32> to vector<16xf32>
        %swap3A_455 = vector.shape_cast %get3A_449 : vector<16xf32> to vector<1x1x16xf32>
        tpu.vector_store %arg8[%swap3A_450, %swap3A_451, %swap3A_452], %swap3A_455 {strides = array<i32>} : memref<4x28x96xf32, #tpu.memory_space<vmem>>, vector<1x1x16xf32>,
        %scan3A_456 = arith.constant 0 : i32
        scf.yield %scan3A_456 : i32
      }
      %scan3A_376 = arith.constant 28 : i32
      scf.yield %scan3A_375 : i32
    }
    %scan3A_259 = arith.constant 4 : i32
    %dma_start3A_260 = arith.constant 16 : i32
    %dma_start3A_261 = arith.constant 0 : i32
    %dma_start3A_262 = arith.constant 0 : i32
    %dma_start3A_263 = tpu.memref_slice %arg4[%dma_start3A_260, %dma_start3A_261, %add3A, %dma_start3A_262] : memref<28x28x32x96xf32, #tpu.memory_space<hbm>> -> memref<4x28x1x96xf32, #tpu.memory_space<hbm>>
    %dma_start3A_264 = tpu.memref_squeeze %dma_start3A_263 : memref<4x28x1x96xf32, #tpu.memory_space<hbm>> -> memref<4x28x96xf32, #tpu.memory_space<hbm>>
    %dma_start3A_265 = arith.constant 16 : i32
    %dma_start3A_266 = arith.constant 0 : i32
    %dma_start3A_267 = arith.constant 0 : i32
    %dma_start3A_268 = tpu.memref_slice %arg4[%dma_start3A_265, %dma_start3A_266, %add3A, %dma_start3A_267] : memref<28x28x32x96xf32, #tpu.memory_space<hbm>> -> memref<4x28x1x96xf32, #tpu.memory_space<hbm>>
    %dma_start3A_269 = tpu.memref_squeeze %dma_start3A_268 : memref<4x28x1x96xf32, #tpu.memory_space<hbm>> -> memref<4x28x96xf32, #tpu.memory_space<hbm>>
    tpu.enqueue_dma source(%arg8 : memref<4x28x96xf32, #tpu.memory_space<vmem>>) target(%dma_start3A_269 : memref<4x28x96xf32, #tpu.memory_space<hbm>>) target_semaphore(%arg12 : memref<!tpu.dma_semaphore, #tpu.memory_space<semaphore_mem>>)
    %dma_start3A_270 = arith.constant 24 : i32
    %dma_start3A_271 = arith.constant 0 : i32
    %dma_start3A_272 = tpu.memref_slice %arg2[%dma_start3A_270, %dma_start3A_271, %add3A, %multiple_of3A] : memref<28x28x32x768xf32, #tpu.memory_space<hbm>> -> memref<4x28x1x256xf32, #tpu.memory_space<hbm>>
    %dma_start3A_273 = tpu.memref_squeeze %dma_start3A_272 : memref<4x28x1x256xf32, #tpu.memory_space<hbm>> -> memref<4x28x256xf32, #tpu.memory_space<hbm>>
    %dma_start3A_274 = arith.constant 24 : i32
    %dma_start3A_275 = arith.constant 0 : i32
    %dma_start3A_276 = tpu.memref_slice %arg2[%dma_start3A_274, %dma_start3A_275, %add3A, %multiple_of3A] : memref<28x28x32x768xf32, #tpu.memory_space<hbm>> -> memref<4x28x1x256xf32, #tpu.memory_space<hbm>>
    %dma_start3A_277 = tpu.memref_squeeze %dma_start3A_276 : memref<4x28x1x256xf32, #tpu.memory_space<hbm>> -> memref<4x28x256xf32, #tpu.memory_space<hbm>>
    tpu.enqueue_dma source(%dma_start3A_277 : memref<4x28x256xf32, #tpu.memory_space<hbm>>) target(%arg6 : memref<4x28x256xf32, #tpu.memory_space<vmem>>) target_semaphore(%arg10 : memref<!tpu.dma_semaphore, #tpu.memory_space<semaphore_mem>>)
    %dma_wait3A_278 = arith.constant 20 : i32
    %dma_wait3A_279 = arith.constant 0 : i32
    %dma_wait3A_280 = tpu.memref_slice %arg2[%dma_wait3A_278, %dma_wait3A_279, %add3A, %multiple_of3A] : memref<28x28x32x768xf32, #tpu.memory_space<hbm>> -> memref<4x28x1x256xf32, #tpu.memory_space<hbm>>
    %dma_wait3A_281 = tpu.memref_squeeze %dma_wait3A_280 : memref<4x28x1x256xf32, #tpu.memory_space<hbm>> -> memref<4x28x256xf32, #tpu.memory_space<hbm>>
    %dma_wait3A_282 = arith.constant 20 : i32
    %dma_wait3A_283 = arith.constant 0 : i32
    %dma_wait3A_284 = tpu.memref_slice %arg2[%dma_wait3A_282, %dma_wait3A_283, %add3A, %multiple_of3A] : memref<28x28x32x768xf32, #tpu.memory_space<hbm>> -> memref<4x28x1x256xf32, #tpu.memory_space<hbm>>
    %dma_wait3A_285 = tpu.memref_squeeze %dma_wait3A_284 : memref<4x28x1x256xf32, #tpu.memory_space<hbm>> -> memref<4x28x256xf32, #tpu.memory_space<hbm>>
    tpu.wait_dma2 semaphore(%arg11 : memref<!tpu.dma_semaphore, #tpu.memory_space<semaphore_mem>>) src(%dma_wait3A_285 : memref<4x28x256xf32, #tpu.memory_space<hbm>>) dst(%arg7 : memref<4x28x256xf32, #tpu.memory_space<vmem>>)
    %dma_wait3A_286 = arith.constant 12 : i32
    %dma_wait3A_287 = arith.constant 0 : i32
    %dma_wait3A_288 = arith.constant 0 : i32
    %dma_wait3A_289 = tpu.memref_slice %arg4[%dma_wait3A_286, %dma_wait3A_287, %add3A, %dma_wait3A_288] : memref<28x28x32x96xf32, #tpu.memory_space<hbm>> -> memref<4x28x1x96xf32, #tpu.memory_space<hbm>>
    %dma_wait3A_290 = tpu.memref_squeeze %dma_wait3A_289 : memref<4x28x1x96xf32, #tpu.memory_space<hbm>> -> memref<4x28x96xf32, #tpu.memory_space<hbm>>
    %dma_wait3A_291 = arith.constant 12 : i32
    %dma_wait3A_292 = arith.constant 0 : i32
    %dma_wait3A_293 = arith.constant 0 : i32
    %dma_wait3A_294 = tpu.memref_slice %arg4[%dma_wait3A_291, %dma_wait3A_292, %add3A, %dma_wait3A_293] : memref<28x28x32x96xf32, #tpu.memory_space<hbm>> -> memref<4x28x1x96xf32, #tpu.memory_space<hbm>>
    %dma_wait3A_295 = tpu.memref_squeeze %dma_wait3A_294 : memref<4x28x1x96xf32, #tpu.memory_space<hbm>> -> memref<4x28x96xf32, #tpu.memory_space<hbm>>
    tpu.wait_dma2 semaphore(%arg13 : memref<!tpu.dma_semaphore, #tpu.memory_space<semaphore_mem>>) src(%arg9 : memref<4x28x96xf32, #tpu.memory_space<vmem>>) dst(%dma_wait3A_295 : memref<4x28x96xf32, #tpu.memory_space<hbm>>)
    %scan3A_296 = arith.constant 0 : i32
    %scan3A_297 = arith.constant 0 : i32
    %scan3A_298 = arith.constant 4 : i32
    %scan3A_299 = arith.addi %scan3A_297, %scan3A_298 : i32
    %scan3A_300 = arith.constant 1 : i32
    %scan3A_301 = scf.for %scan3A_368 = %scan3A_297 to %scan3A_299 step %scan3A_300 iter_args(%scan3A_369 = %scan3A_296) -> (i32)  : i32 {
      %scan3A_370 = arith.constant 0 : i32
      %scan3A_371 = arith.constant 0 : i32
      %scan3A_372 = arith.constant 28 : i32
      %scan3A_373 = arith.addi %scan3A_371, %scan3A_372 : i32
      %scan3A_374 = arith.constant 1 : i32
      %scan3A_375 = scf.for %scan3A_377 = %scan3A_371 to %scan3A_373 step %scan3A_374 iter_args(%scan3A_378 = %scan3A_370) -> (i32)  : i32 {
        %add3A_379 = arith.constant 0 : i32
        %add3A_380 = arith.addi %multiple_of3A_69, %add3A_379 : i32
        %get3A_381 = arith.index_cast %scan3A_368 : i32 to index
        %get3A_382 = arith.index_cast %scan3A_377 : i32 to index
        %get3A_383 = arith.index_cast %add3A_380 : i32 to index
        %get3A_384 = tpu.vector_load %arg7[%get3A_381, %get3A_382, %get3A_383] {strides = array<i32>} : memref<4x28x256xf32, #tpu.memory_space<vmem>>, vector<1x1x16xf32>,
        %get3A_385 = vector.shape_cast %get3A_384 : vector<1x1x16xf32> to vector<16xf32>
        %swap3A = arith.index_cast %scan3A_368 : i32 to index
        %swap3A_386 = arith.index_cast %scan3A_377 : i32 to index
        %swap3A_387 = arith.constant 0 : index
        %swap3A_388 = tpu.vector_load %arg9[%swap3A, %swap3A_386, %swap3A_387] {strides = array<i32>} : memref<4x28x96xf32, #tpu.memory_space<vmem>>, vector<1x1x16xf32>,
        %swap3A_389 = vector.shape_cast %swap3A_388 : vector<1x1x16xf32> to vector<16xf32>
        %swap3A_390 = vector.shape_cast %get3A_385 : vector<16xf32> to vector<1x1x16xf32>
        tpu.vector_store %arg9[%swap3A, %swap3A_386, %swap3A_387], %swap3A_390 {strides = array<i32>} : memref<4x28x96xf32, #tpu.memory_space<vmem>>, vector<1x1x16xf32>,
        %add3A_391 = arith.constant 16 : i32
        %add3A_392 = arith.addi %multiple_of3A_69, %add3A_391 : i32
        %get3A_393 = arith.index_cast %scan3A_368 : i32 to index
        %get3A_394 = arith.index_cast %scan3A_377 : i32 to index
        %get3A_395 = arith.index_cast %add3A_392 : i32 to index
        %get3A_396 = tpu.vector_load %arg7[%get3A_393, %get3A_394, %get3A_395] {strides = array<i32>} : memref<4x28x256xf32, #tpu.memory_space<vmem>>, vector<1x1x16xf32>,
        %get3A_397 = vector.shape_cast %get3A_396 : vector<1x1x16xf32> to vector<16xf32>
        %swap3A_398 = arith.index_cast %scan3A_368 : i32 to index
        %swap3A_399 = arith.index_cast %scan3A_377 : i32 to index
        %swap3A_400 = arith.constant 16 : index
        %swap3A_401 = tpu.vector_load %arg9[%swap3A_398, %swap3A_399, %swap3A_400] {strides = array<i32>} : memref<4x28x96xf32, #tpu.memory_space<vmem>>, vector<1x1x16xf32>,
        %swap3A_402 = vector.shape_cast %swap3A_401 : vector<1x1x16xf32> to vector<16xf32>
        %swap3A_403 = vector.shape_cast %get3A_397 : vector<16xf32> to vector<1x1x16xf32>
        tpu.vector_store %arg9[%swap3A_398, %swap3A_399, %swap3A_400], %swap3A_403 {strides = array<i32>} : memref<4x28x96xf32, #tpu.memory_space<vmem>>, vector<1x1x16xf32>,
        %add3A_404 = arith.constant 32 : i32
        %add3A_405 = arith.addi %multiple_of3A_69, %add3A_404 : i32
        %get3A_406 = arith.index_cast %scan3A_368 : i32 to index
        %get3A_407 = arith.index_cast %scan3A_377 : i32 to index
        %get3A_408 = arith.index_cast %add3A_405 : i32 to index
        %get3A_409 = tpu.vector_load %arg7[%get3A_406, %get3A_407, %get3A_408] {strides = array<i32>} : memref<4x28x256xf32, #tpu.memory_space<vmem>>, vector<1x1x16xf32>,
        %get3A_410 = vector.shape_cast %get3A_409 : vector<1x1x16xf32> to vector<16xf32>
        %swap3A_411 = arith.index_cast %scan3A_368 : i32 to index
        %swap3A_412 = arith.index_cast %scan3A_377 : i32 to index
        %swap3A_413 = arith.constant 32 : index
        %swap3A_414 = tpu.vector_load %arg9[%swap3A_411, %swap3A_412, %swap3A_413] {strides = array<i32>} : memref<4x28x96xf32, #tpu.memory_space<vmem>>, vector<1x1x16xf32>,
        %swap3A_415 = vector.shape_cast %swap3A_414 : vector<1x1x16xf32> to vector<16xf32>
        %swap3A_416 = vector.shape_cast %get3A_410 : vector<16xf32> to vector<1x1x16xf32>
        tpu.vector_store %arg9[%swap3A_411, %swap3A_412, %swap3A_413], %swap3A_416 {strides = array<i32>} : memref<4x28x96xf32, #tpu.memory_space<vmem>>, vector<1x1x16xf32>,
        %add3A_417 = arith.constant 48 : i32
        %add3A_418 = arith.addi %multiple_of3A_69, %add3A_417 : i32
        %get3A_419 = arith.index_cast %scan3A_368 : i32 to index
        %get3A_420 = arith.index_cast %scan3A_377 : i32 to index
        %get3A_421 = arith.index_cast %add3A_418 : i32 to index
        %get3A_422 = tpu.vector_load %arg7[%get3A_419, %get3A_420, %get3A_421] {strides = array<i32>} : memref<4x28x256xf32, #tpu.memory_space<vmem>>, vector<1x1x16xf32>,
        %get3A_423 = vector.shape_cast %get3A_422 : vector<1x1x16xf32> to vector<16xf32>
        %swap3A_424 = arith.index_cast %scan3A_368 : i32 to index
        %swap3A_425 = arith.index_cast %scan3A_377 : i32 to index
        %swap3A_426 = arith.constant 48 : index
        %swap3A_427 = tpu.vector_load %arg9[%swap3A_424, %swap3A_425, %swap3A_426] {strides = array<i32>} : memref<4x28x96xf32, #tpu.memory_space<vmem>>, vector<1x1x16xf32>,
        %swap3A_428 = vector.shape_cast %swap3A_427 : vector<1x1x16xf32> to vector<16xf32>
        %swap3A_429 = vector.shape_cast %get3A_423 : vector<16xf32> to vector<1x1x16xf32>
        tpu.vector_store %arg9[%swap3A_424, %swap3A_425, %swap3A_426], %swap3A_429 {strides = array<i32>} : memref<4x28x96xf32, #tpu.memory_space<vmem>>, vector<1x1x16xf32>,
        %add3A_430 = arith.constant 64 : i32
        %add3A_431 = arith.addi %multiple_of3A_69, %add3A_430 : i32
        %get3A_432 = arith.index_cast %scan3A_368 : i32 to index
        %get3A_433 = arith.index_cast %scan3A_377 : i32 to index
        %get3A_434 = arith.index_cast %add3A_431 : i32 to index
        %get3A_435 = tpu.vector_load %arg7[%get3A_432, %get3A_433, %get3A_434] {strides = array<i32>} : memref<4x28x256xf32, #tpu.memory_space<vmem>>, vector<1x1x16xf32>,
        %get3A_436 = vector.shape_cast %get3A_435 : vector<1x1x16xf32> to vector<16xf32>
        %swap3A_437 = arith.index_cast %scan3A_368 : i32 to index
        %swap3A_438 = arith.index_cast %scan3A_377 : i32 to index
        %swap3A_439 = arith.constant 64 : index
        %swap3A_440 = tpu.vector_load %arg9[%swap3A_437, %swap3A_438, %swap3A_439] {strides = array<i32>} : memref<4x28x96xf32, #tpu.memory_space<vmem>>, vector<1x1x16xf32>,
        %swap3A_441 = vector.shape_cast %swap3A_440 : vector<1x1x16xf32> to vector<16xf32>
        %swap3A_442 = vector.shape_cast %get3A_436 : vector<16xf32> to vector<1x1x16xf32>
        tpu.vector_store %arg9[%swap3A_437, %swap3A_438, %swap3A_439], %swap3A_442 {strides = array<i32>} : memref<4x28x96xf32, #tpu.memory_space<vmem>>, vector<1x1x16xf32>,
        %add3A_443 = arith.constant 80 : i32
        %add3A_444 = arith.addi %multiple_of3A_69, %add3A_443 : i32
        %get3A_445 = arith.index_cast %scan3A_368 : i32 to index
        %get3A_446 = arith.index_cast %scan3A_377 : i32 to index
        %get3A_447 = arith.index_cast %add3A_444 : i32 to index
        %get3A_448 = tpu.vector_load %arg7[%get3A_445, %get3A_446, %get3A_447] {strides = array<i32>} : memref<4x28x256xf32, #tpu.memory_space<vmem>>, vector<1x1x16xf32>,
        %get3A_449 = vector.shape_cast %get3A_448 : vector<1x1x16xf32> to vector<16xf32>
        %swap3A_450 = arith.index_cast %scan3A_368 : i32 to index
        %swap3A_451 = arith.index_cast %scan3A_377 : i32 to index
        %swap3A_452 = arith.constant 80 : index
        %swap3A_453 = tpu.vector_load %arg9[%swap3A_450, %swap3A_451, %swap3A_452] {strides = array<i32>} : memref<4x28x96xf32, #tpu.memory_space<vmem>>, vector<1x1x16xf32>,
        %swap3A_454 = vector.shape_cast %swap3A_453 : vector<1x1x16xf32> to vector<16xf32>
        %swap3A_455 = vector.shape_cast %get3A_449 : vector<16xf32> to vector<1x1x16xf32>
        tpu.vector_store %arg9[%swap3A_450, %swap3A_451, %swap3A_452], %swap3A_455 {strides = array<i32>} : memref<4x28x96xf32, #tpu.memory_space<vmem>>, vector<1x1x16xf32>,
        %scan3A_456 = arith.constant 0 : i32
        scf.yield %scan3A_456 : i32
      }
      %scan3A_376 = arith.constant 28 : i32
      scf.yield %scan3A_375 : i32
    }
    %scan3A_302 = arith.constant 4 : i32
    %dma_start3A_303 = arith.constant 20 : i32
    %dma_start3A_304 = arith.constant 0 : i32
    %dma_start3A_305 = arith.constant 0 : i32
    %dma_start3A_306 = tpu.memref_slice %arg4[%dma_start3A_303, %dma_start3A_304, %add3A, %dma_start3A_305] : memref<28x28x32x96xf32, #tpu.memory_space<hbm>> -> memref<4x28x1x96xf32, #tpu.memory_space<hbm>>
    %dma_start3A_307 = tpu.memref_squeeze %dma_start3A_306 : memref<4x28x1x96xf32, #tpu.memory_space<hbm>> -> memref<4x28x96xf32, #tpu.memory_space<hbm>>
    %dma_start3A_308 = arith.constant 20 : i32
    %dma_start3A_309 = arith.constant 0 : i32
    %dma_start3A_310 = arith.constant 0 : i32
    %dma_start3A_311 = tpu.memref_slice %arg4[%dma_start3A_308, %dma_start3A_309, %add3A, %dma_start3A_310] : memref<28x28x32x96xf32, #tpu.memory_space<hbm>> -> memref<4x28x1x96xf32, #tpu.memory_space<hbm>>
    %dma_start3A_312 = tpu.memref_squeeze %dma_start3A_311 : memref<4x28x1x96xf32, #tpu.memory_space<hbm>> -> memref<4x28x96xf32, #tpu.memory_space<hbm>>
    tpu.enqueue_dma source(%arg9 : memref<4x28x96xf32, #tpu.memory_space<vmem>>) target(%dma_start3A_312 : memref<4x28x96xf32, #tpu.memory_space<hbm>>) target_semaphore(%arg13 : memref<!tpu.dma_semaphore, #tpu.memory_space<semaphore_mem>>)
    %dma_wait3A_313 = arith.constant 24 : i32
    %dma_wait3A_314 = arith.constant 0 : i32
    %dma_wait3A_315 = tpu.memref_slice %arg2[%dma_wait3A_313, %dma_wait3A_314, %add3A, %multiple_of3A] : memref<28x28x32x768xf32, #tpu.memory_space<hbm>> -> memref<4x28x1x256xf32, #tpu.memory_space<hbm>>
    %dma_wait3A_316 = tpu.memref_squeeze %dma_wait3A_315 : memref<4x28x1x256xf32, #tpu.memory_space<hbm>> -> memref<4x28x256xf32, #tpu.memory_space<hbm>>
    %dma_wait3A_317 = arith.constant 24 : i32
    %dma_wait3A_318 = arith.constant 0 : i32
    %dma_wait3A_319 = tpu.memref_slice %arg2[%dma_wait3A_317, %dma_wait3A_318, %add3A, %multiple_of3A] : memref<28x28x32x768xf32, #tpu.memory_space<hbm>> -> memref<4x28x1x256xf32, #tpu.memory_space<hbm>>
    %dma_wait3A_320 = tpu.memref_squeeze %dma_wait3A_319 : memref<4x28x1x256xf32, #tpu.memory_space<hbm>> -> memref<4x28x256xf32, #tpu.memory_space<hbm>>
    tpu.wait_dma2 semaphore(%arg10 : memref<!tpu.dma_semaphore, #tpu.memory_space<semaphore_mem>>) src(%dma_wait3A_320 : memref<4x28x256xf32, #tpu.memory_space<hbm>>) dst(%arg6 : memref<4x28x256xf32, #tpu.memory_space<vmem>>)
    %dma_wait3A_321 = arith.constant 16 : i32
    %dma_wait3A_322 = arith.constant 0 : i32
    %dma_wait3A_323 = arith.constant 0 : i32
    %dma_wait3A_324 = tpu.memref_slice %arg4[%dma_wait3A_321, %dma_wait3A_322, %add3A, %dma_wait3A_323] : memref<28x28x32x96xf32, #tpu.memory_space<hbm>> -> memref<4x28x1x96xf32, #tpu.memory_space<hbm>>
    %dma_wait3A_325 = tpu.memref_squeeze %dma_wait3A_324 : memref<4x28x1x96xf32, #tpu.memory_space<hbm>> -> memref<4x28x96xf32, #tpu.memory_space<hbm>>
    %dma_wait3A_326 = arith.constant 16 : i32
    %dma_wait3A_327 = arith.constant 0 : i32
    %dma_wait3A_328 = arith.constant 0 : i32
    %dma_wait3A_329 = tpu.memref_slice %arg4[%dma_wait3A_326, %dma_wait3A_327, %add3A, %dma_wait3A_328] : memref<28x28x32x96xf32, #tpu.memory_space<hbm>> -> memref<4x28x1x96xf32, #tpu.memory_space<hbm>>
    %dma_wait3A_330 = tpu.memref_squeeze %dma_wait3A_329 : memref<4x28x1x96xf32, #tpu.memory_space<hbm>> -> memref<4x28x96xf32, #tpu.memory_space<hbm>>
    tpu.wait_dma2 semaphore(%arg12 : memref<!tpu.dma_semaphore, #tpu.memory_space<semaphore_mem>>) src(%arg8 : memref<4x28x96xf32, #tpu.memory_space<vmem>>) dst(%dma_wait3A_330 : memref<4x28x96xf32, #tpu.memory_space<hbm>>)
    %scan3A_331 = arith.constant 0 : i32
    %scan3A_332 = arith.constant 0 : i32
    %scan3A_333 = arith.constant 4 : i32
    %scan3A_334 = arith.addi %scan3A_332, %scan3A_333 : i32
    %scan3A_335 = arith.constant 1 : i32
    %scan3A_336 = scf.for %scan3A_368 = %scan3A_332 to %scan3A_334 step %scan3A_335 iter_args(%scan3A_369 = %scan3A_331) -> (i32)  : i32 {
      %scan3A_370 = arith.constant 0 : i32
      %scan3A_371 = arith.constant 0 : i32
      %scan3A_372 = arith.constant 28 : i32
      %scan3A_373 = arith.addi %scan3A_371, %scan3A_372 : i32
      %scan3A_374 = arith.constant 1 : i32
      %scan3A_375 = scf.for %scan3A_377 = %scan3A_371 to %scan3A_373 step %scan3A_374 iter_args(%scan3A_378 = %scan3A_370) -> (i32)  : i32 {
        %add3A_379 = arith.constant 0 : i32
        %add3A_380 = arith.addi %multiple_of3A_69, %add3A_379 : i32
        %get3A_381 = arith.index_cast %scan3A_368 : i32 to index
        %get3A_382 = arith.index_cast %scan3A_377 : i32 to index
        %get3A_383 = arith.index_cast %add3A_380 : i32 to index
        %get3A_384 = tpu.vector_load %arg6[%get3A_381, %get3A_382, %get3A_383] {strides = array<i32>} : memref<4x28x256xf32, #tpu.memory_space<vmem>>, vector<1x1x16xf32>,
        %get3A_385 = vector.shape_cast %get3A_384 : vector<1x1x16xf32> to vector<16xf32>
        %swap3A = arith.index_cast %scan3A_368 : i32 to index
        %swap3A_386 = arith.index_cast %scan3A_377 : i32 to index
        %swap3A_387 = arith.constant 0 : index
        %swap3A_388 = tpu.vector_load %arg8[%swap3A, %swap3A_386, %swap3A_387] {strides = array<i32>} : memref<4x28x96xf32, #tpu.memory_space<vmem>>, vector<1x1x16xf32>,
        %swap3A_389 = vector.shape_cast %swap3A_388 : vector<1x1x16xf32> to vector<16xf32>
        %swap3A_390 = vector.shape_cast %get3A_385 : vector<16xf32> to vector<1x1x16xf32>
        tpu.vector_store %arg8[%swap3A, %swap3A_386, %swap3A_387], %swap3A_390 {strides = array<i32>} : memref<4x28x96xf32, #tpu.memory_space<vmem>>, vector<1x1x16xf32>,
        %add3A_391 = arith.constant 16 : i32
        %add3A_392 = arith.addi %multiple_of3A_69, %add3A_391 : i32
        %get3A_393 = arith.index_cast %scan3A_368 : i32 to index
        %get3A_394 = arith.index_cast %scan3A_377 : i32 to index
        %get3A_395 = arith.index_cast %add3A_392 : i32 to index
        %get3A_396 = tpu.vector_load %arg6[%get3A_393, %get3A_394, %get3A_395] {strides = array<i32>} : memref<4x28x256xf32, #tpu.memory_space<vmem>>, vector<1x1x16xf32>,
        %get3A_397 = vector.shape_cast %get3A_396 : vector<1x1x16xf32> to vector<16xf32>
        %swap3A_398 = arith.index_cast %scan3A_368 : i32 to index
        %swap3A_399 = arith.index_cast %scan3A_377 : i32 to index
        %swap3A_400 = arith.constant 16 : index
        %swap3A_401 = tpu.vector_load %arg8[%swap3A_398, %swap3A_399, %swap3A_400] {strides = array<i32>} : memref<4x28x96xf32, #tpu.memory_space<vmem>>, vector<1x1x16xf32>,
        %swap3A_402 = vector.shape_cast %swap3A_401 : vector<1x1x16xf32> to vector<16xf32>
        %swap3A_403 = vector.shape_cast %get3A_397 : vector<16xf32> to vector<1x1x16xf32>
        tpu.vector_store %arg8[%swap3A_398, %swap3A_399, %swap3A_400], %swap3A_403 {strides = array<i32>} : memref<4x28x96xf32, #tpu.memory_space<vmem>>, vector<1x1x16xf32>,
        %add3A_404 = arith.constant 32 : i32
        %add3A_405 = arith.addi %multiple_of3A_69, %add3A_404 : i32
        %get3A_406 = arith.index_cast %scan3A_368 : i32 to index
        %get3A_407 = arith.index_cast %scan3A_377 : i32 to index
        %get3A_408 = arith.index_cast %add3A_405 : i32 to index
        %get3A_409 = tpu.vector_load %arg6[%get3A_406, %get3A_407, %get3A_408] {strides = array<i32>} : memref<4x28x256xf32, #tpu.memory_space<vmem>>, vector<1x1x16xf32>,
        %get3A_410 = vector.shape_cast %get3A_409 : vector<1x1x16xf32> to vector<16xf32>
        %swap3A_411 = arith.index_cast %scan3A_368 : i32 to index
        %swap3A_412 = arith.index_cast %scan3A_377 : i32 to index
        %swap3A_413 = arith.constant 32 : index
        %swap3A_414 = tpu.vector_load %arg8[%swap3A_411, %swap3A_412, %swap3A_413] {strides = array<i32>} : memref<4x28x96xf32, #tpu.memory_space<vmem>>, vector<1x1x16xf32>,
        %swap3A_415 = vector.shape_cast %swap3A_414 : vector<1x1x16xf32> to vector<16xf32>
        %swap3A_416 = vector.shape_cast %get3A_410 : vector<16xf32> to vector<1x1x16xf32>
        tpu.vector_store %arg8[%swap3A_411, %swap3A_412, %swap3A_413], %swap3A_416 {strides = array<i32>} : memref<4x28x96xf32, #tpu.memory_space<vmem>>, vector<1x1x16xf32>,
        %add3A_417 = arith.constant 48 : i32
        %add3A_418 = arith.addi %multiple_of3A_69, %add3A_417 : i32
        %get3A_419 = arith.index_cast %scan3A_368 : i32 to index
        %get3A_420 = arith.index_cast %scan3A_377 : i32 to index
        %get3A_421 = arith.index_cast %add3A_418 : i32 to index
        %get3A_422 = tpu.vector_load %arg6[%get3A_419, %get3A_420, %get3A_421] {strides = array<i32>} : memref<4x28x256xf32, #tpu.memory_space<vmem>>, vector<1x1x16xf32>,
        %get3A_423 = vector.shape_cast %get3A_422 : vector<1x1x16xf32> to vector<16xf32>
        %swap3A_424 = arith.index_cast %scan3A_368 : i32 to index
        %swap3A_425 = arith.index_cast %scan3A_377 : i32 to index
        %swap3A_426 = arith.constant 48 : index
        %swap3A_427 = tpu.vector_load %arg8[%swap3A_424, %swap3A_425, %swap3A_426] {strides = array<i32>} : memref<4x28x96xf32, #tpu.memory_space<vmem>>, vector<1x1x16xf32>,
        %swap3A_428 = vector.shape_cast %swap3A_427 : vector<1x1x16xf32> to vector<16xf32>
        %swap3A_429 = vector.shape_cast %get3A_423 : vector<16xf32> to vector<1x1x16xf32>
        tpu.vector_store %arg8[%swap3A_424, %swap3A_425, %swap3A_426], %swap3A_429 {strides = array<i32>} : memref<4x28x96xf32, #tpu.memory_space<vmem>>, vector<1x1x16xf32>,
        %add3A_430 = arith.constant 64 : i32
        %add3A_431 = arith.addi %multiple_of3A_69, %add3A_430 : i32
        %get3A_432 = arith.index_cast %scan3A_368 : i32 to index
        %get3A_433 = arith.index_cast %scan3A_377 : i32 to index
        %get3A_434 = arith.index_cast %add3A_431 : i32 to index
        %get3A_435 = tpu.vector_load %arg6[%get3A_432, %get3A_433, %get3A_434] {strides = array<i32>} : memref<4x28x256xf32, #tpu.memory_space<vmem>>, vector<1x1x16xf32>,
        %get3A_436 = vector.shape_cast %get3A_435 : vector<1x1x16xf32> to vector<16xf32>
        %swap3A_437 = arith.index_cast %scan3A_368 : i32 to index
        %swap3A_438 = arith.index_cast %scan3A_377 : i32 to index
        %swap3A_439 = arith.constant 64 : index
        %swap3A_440 = tpu.vector_load %arg8[%swap3A_437, %swap3A_438, %swap3A_439] {strides = array<i32>} : memref<4x28x96xf32, #tpu.memory_space<vmem>>, vector<1x1x16xf32>,
        %swap3A_441 = vector.shape_cast %swap3A_440 : vector<1x1x16xf32> to vector<16xf32>
        %swap3A_442 = vector.shape_cast %get3A_436 : vector<16xf32> to vector<1x1x16xf32>
        tpu.vector_store %arg8[%swap3A_437, %swap3A_438, %swap3A_439], %swap3A_442 {strides = array<i32>} : memref<4x28x96xf32, #tpu.memory_space<vmem>>, vector<1x1x16xf32>,
        %add3A_443 = arith.constant 80 : i32
        %add3A_444 = arith.addi %multiple_of3A_69, %add3A_443 : i32
        %get3A_445 = arith.index_cast %scan3A_368 : i32 to index
        %get3A_446 = arith.index_cast %scan3A_377 : i32 to index
        %get3A_447 = arith.index_cast %add3A_444 : i32 to index
        %get3A_448 = tpu.vector_load %arg6[%get3A_445, %get3A_446, %get3A_447] {strides = array<i32>} : memref<4x28x256xf32, #tpu.memory_space<vmem>>, vector<1x1x16xf32>,
        %get3A_449 = vector.shape_cast %get3A_448 : vector<1x1x16xf32> to vector<16xf32>
        %swap3A_450 = arith.index_cast %scan3A_368 : i32 to index
        %swap3A_451 = arith.index_cast %scan3A_377 : i32 to index
        %swap3A_452 = arith.constant 80 : index
        %swap3A_453 = tpu.vector_load %arg8[%swap3A_450, %swap3A_451, %swap3A_452] {strides = array<i32>} : memref<4x28x96xf32, #tpu.memory_space<vmem>>, vector<1x1x16xf32>,
        %swap3A_454 = vector.shape_cast %swap3A_453 : vector<1x1x16xf32> to vector<16xf32>
        %swap3A_455 = vector.shape_cast %get3A_449 : vector<16xf32> to vector<1x1x16xf32>
        tpu.vector_store %arg8[%swap3A_450, %swap3A_451, %swap3A_452], %swap3A_455 {strides = array<i32>} : memref<4x28x96xf32, #tpu.memory_space<vmem>>, vector<1x1x16xf32>,
        %scan3A_456 = arith.constant 0 : i32
        scf.yield %scan3A_456 : i32
      }
      %scan3A_376 = arith.constant 28 : i32
      scf.yield %scan3A_375 : i32
    }
    %scan3A_337 = arith.constant 4 : i32
    %dma_start3A_338 = arith.constant 24 : i32
    %dma_start3A_339 = arith.constant 0 : i32
    %dma_start3A_340 = arith.constant 0 : i32
    %dma_start3A_341 = tpu.memref_slice %arg4[%dma_start3A_338, %dma_start3A_339, %add3A, %dma_start3A_340] : memref<28x28x32x96xf32, #tpu.memory_space<hbm>> -> memref<4x28x1x96xf32, #tpu.memory_space<hbm>>
    %dma_start3A_342 = tpu.memref_squeeze %dma_start3A_341 : memref<4x28x1x96xf32, #tpu.memory_space<hbm>> -> memref<4x28x96xf32, #tpu.memory_space<hbm>>
    %dma_start3A_343 = arith.constant 24 : i32
    %dma_start3A_344 = arith.constant 0 : i32
    %dma_start3A_345 = arith.constant 0 : i32
    %dma_start3A_346 = tpu.memref_slice %arg4[%dma_start3A_343, %dma_start3A_344, %add3A, %dma_start3A_345] : memref<28x28x32x96xf32, #tpu.memory_space<hbm>> -> memref<4x28x1x96xf32, #tpu.memory_space<hbm>>
    %dma_start3A_347 = tpu.memref_squeeze %dma_start3A_346 : memref<4x28x1x96xf32, #tpu.memory_space<hbm>> -> memref<4x28x96xf32, #tpu.memory_space<hbm>>
    tpu.enqueue_dma source(%arg8 : memref<4x28x96xf32, #tpu.memory_space<vmem>>) target(%dma_start3A_347 : memref<4x28x96xf32, #tpu.memory_space<hbm>>) target_semaphore(%arg12 : memref<!tpu.dma_semaphore, #tpu.memory_space<semaphore_mem>>)
    %dma_wait3A_348 = arith.constant 20 : i32
    %dma_wait3A_349 = arith.constant 0 : i32
    %dma_wait3A_350 = arith.constant 0 : i32
    %dma_wait3A_351 = tpu.memref_slice %arg4[%dma_wait3A_348, %dma_wait3A_349, %add3A, %dma_wait3A_350] : memref<28x28x32x96xf32, #tpu.memory_space<hbm>> -> memref<4x28x1x96xf32, #tpu.memory_space<hbm>>
    %dma_wait3A_352 = tpu.memref_squeeze %dma_wait3A_351 : memref<4x28x1x96xf32, #tpu.memory_space<hbm>> -> memref<4x28x96xf32, #tpu.memory_space<hbm>>
    %dma_wait3A_353 = arith.constant 20 : i32
    %dma_wait3A_354 = arith.constant 0 : i32
    %dma_wait3A_355 = arith.constant 0 : i32
    %dma_wait3A_356 = tpu.memref_slice %arg4[%dma_wait3A_353, %dma_wait3A_354, %add3A, %dma_wait3A_355] : memref<28x28x32x96xf32, #tpu.memory_space<hbm>> -> memref<4x28x1x96xf32, #tpu.memory_space<hbm>>
    %dma_wait3A_357 = tpu.memref_squeeze %dma_wait3A_356 : memref<4x28x1x96xf32, #tpu.memory_space<hbm>> -> memref<4x28x96xf32, #tpu.memory_space<hbm>>
    tpu.wait_dma2 semaphore(%arg13 : memref<!tpu.dma_semaphore, #tpu.memory_space<semaphore_mem>>) src(%arg9 : memref<4x28x96xf32, #tpu.memory_space<vmem>>) dst(%dma_wait3A_357 : memref<4x28x96xf32, #tpu.memory_space<hbm>>)
    %dma_wait3A_358 = arith.constant 24 : i32
    %dma_wait3A_359 = arith.constant 0 : i32
    %dma_wait3A_360 = arith.constant 0 : i32
    %dma_wait3A_361 = tpu.memref_slice %arg4[%dma_wait3A_358, %dma_wait3A_359, %add3A, %dma_wait3A_360] : memref<28x28x32x96xf32, #tpu.memory_space<hbm>> -> memref<4x28x1x96xf32, #tpu.memory_space<hbm>>
    %dma_wait3A_362 = tpu.memref_squeeze %dma_wait3A_361 : memref<4x28x1x96xf32, #tpu.memory_space<hbm>> -> memref<4x28x96xf32, #tpu.memory_space<hbm>>
    %dma_wait3A_363 = arith.constant 24 : i32
    %dma_wait3A_364 = arith.constant 0 : i32
    %dma_wait3A_365 = arith.constant 0 : i32
    %dma_wait3A_366 = tpu.memref_slice %arg4[%dma_wait3A_363, %dma_wait3A_364, %add3A, %dma_wait3A_365] : memref<28x28x32x96xf32, #tpu.memory_space<hbm>> -> memref<4x28x1x96xf32, #tpu.memory_space<hbm>>
    %dma_wait3A_367 = tpu.memref_squeeze %dma_wait3A_366 : memref<4x28x1x96xf32, #tpu.memory_space<hbm>> -> memref<4x28x96xf32, #tpu.memory_space<hbm>>
    tpu.wait_dma2 semaphore(%arg12 : memref<!tpu.dma_semaphore, #tpu.memory_space<semaphore_mem>>) src(%arg8 : memref<4x28x96xf32, #tpu.memory_space<vmem>>) dst(%dma_wait3A_367 : memref<4x28x96xf32, #tpu.memory_space<hbm>>)
    return
  }
}

</mosaic_0001>

<sc_bundles>
// kernel: kernel.3.cloned.1.call-start
scs
__scs_entry_jumppad:
0x0: {  	(pc) =	sbr.rel $0x88, $3  }
0x1: {  	(tag) =	ssettag $0x0;
	lr =	simm.s32 $0x1  }
0x2: {  	[smem:$0x3F9F] =	sst lr;
	_ =	strace $0xD0000000  }
0x3: {  	_ = 	snop  }
0x4: {  	_ = 	snop  }
0x5: {  	_ = 	snop  }
0x6: {  	_ = 	snop  }
0x7: {  	_ = 	snop  }
__scs_overlays_trampoline_lowered:
0x8: {  	[smem:$0x3FAE] =	sst s0  }
0x9: {  	[smem:$0x3FAF] =	sst s1  }
0xa: {  	[smem:$0x3FB0] =	sst s2  }
0xb: {  	[smem:$0x3FB1] =	sst s3  }
0xc: {  	[smem:$0x3FB2] =	sst s4  }
0xd: {  	[smem:$0x3FB3] =	sst s5  }
0xe: {  	[smem:$0x3FB4] =	sst s6  }
0xf: {  	[smem:$0x3FB5] =	sst s7  }
0x10: {  	[smem:$0x3FB6] =	sst s8  }
0x11: {  	[smem:$0x3FB7] =	sst s9;
	s0 =	simm.s32 @!p0 $0x0  }
0x12: {  	s1 =	sld [smem:$0x3F9D];
	s0 =	simm.s32 @p0 $0x1  }
0x13: {  	[smem:$0x3FB8] =	sst s0;
	s0 =	simm.s32 @!p1 $0x0  }
0x14: {  	s2 =	sld [smem:$0x3F9C];
	s0 =	simm.s32 @p1 $0x1  }
0x15: {  	[smem:$0x3FB9] =	sst s0;
	s0 =	simm.s32 @!p2 $0x0  }
0x16: {  	s3 =	sld [smem:$0x3FDB];
	s0 =	simm.s32 @p2 $0x1  }
0x17: {  	s4 =	simm.s32 $0x1BF5;
	[smem:$0x3FBB] =	sst s0  }
0x18: {  	s0 =	sld [smem:$0x3F9E];
	_ =	swait.ge [sflag:s4], $0x0  }
0x19: {  	s7 =	sld [smem:$0x3F9F]  }
0x1a: {  	s8 =	sadd.s32 $0xFFFFE003, lr  }
0x1b: {  	s9 =	sadd.s32 $0xFFFFFEF7, lr;
	s5 =	simm.s32 $0xFFFFFFFF;
	p2 =	slt.u32 s8, $0xFFFFF086  }
0x1c: {  	p1 =	slt.u32 s9, $0xF7A;
	s5 =	simm.s32 @!p2 $0x0  }
0x1d: {  	s5 =	simm.s32 @p1 $0x1;
	p0 =	seq.s32 s7, s2  }
0x1e: {  	s7 =	smul.u32 @!p0 $0xF7A, s2;
	p2 =	seq.s32 @!p0 s5, $0x0  }
0x1f: {  	s9 =	smul.u32 $0xF7A, s1;
	s8 =	simm.s32 @!p0 $0x1BF5;
	p2 =	por !p2, p0  }
0x20: {  	[sflag:s8] =	ssyncset.s32 @!p0 $0xFFFFF086;
	s6 =	sadd.s32 @!p0 s3, s7;
	s7 =	simm.s32 @!p0 $0x108  }
0x21: {  	s3 =	sadd.s32 s3, s9;
	s6 =	sadd.s32 @!p0 $0x88, s6;
	s7 =	simm.s32 @p2 $0x1082  }
0x22: {  	[simem:s7], [sflag:s8] =	dma.local @!p0 [hbm:s6], $0xF7A  }
0x23: {  	s9 =	sor.u32 $0xD0000000, s2;
	s6 =	simm.s32 $0x108;
	_ =	swait.ge @!p0 [sflag:s8], $0x0  }
0x24: {  	s3 =	sadd.s32 $0x88, s3;
	s6 =	simm.s32 @!p1 $0x1082;
	[sflag:s4] =	ssyncset.s32 $0xFFFFF086  }
0x25: {  	[simem:s6], [sflag:s4] =	dma.local [hbm:s3], $0xF7A  }
0x26: {  	[smem:$0x3F9F] =	sst s1;
	(tag) =	ssettag s2;
	_ =	strace s9  }
0x27: {  	s1 =	sld [smem:$0x3FAF]  }
0x28: {  	s2 =	sld [smem:$0x3FB0]  }
0x29: {  	s4 =	sld [smem:$0x3FB2]  }
0x2a: {  	p0 =	seq.s32 s5, $0x0;
	s5 =	sld [smem:$0x3FB3]  }
0x2b: {  	s6 =	sld [smem:$0x3FB4]  }
0x2c: {  	s7 =	sld [smem:$0x3FB5]  }
0x2d: {  	s3 =	simm.s32 $0x108;
	s8 =	sld [smem:$0x3FB6]  }
0x2e: {  	s3 =	simm.s32 @!p0 $0x1082;
	s9 =	sld [smem:$0x3FB7]  }
0x2f: {  	lr =	sadd.s32 s0, s3;
	s0 =	sld [smem:$0x3FAE]  }
0x30: {  	s3 =	sld [smem:$0x3FB1]  }
0x31: {  	[smem:$0x3FBA] =	sst s10  }
0x32: {  	s10 =	sld [smem:$0x3FB8];
	_ =	sdelay $0x3  }
0x33: {  	p0 =	seq.s32 s10, $0x1;
	s10 =	sld [smem:$0x3FBA];
	_ =	sdelay $0x3  }
0x34: {  	[smem:$0x3FBA] =	sst s10  }
0x35: {  	s10 =	sld [smem:$0x3FB9];
	_ =	sdelay $0x3  }
0x36: {  	p1 =	seq.s32 s10, $0x1;
	s10 =	sld [smem:$0x3FBA];
	_ =	sdelay $0x3  }
0x37: {  	[smem:$0x3FBA] =	sst s10  }
0x38: {  	s10 =	sld [smem:$0x3FBB]  }
0x39: {  	_ = 	snop;
	(pc) =	sbr.ind lr, $3  }
0x3a: {  	_ = 	snop  }
0x3b: {  	_ = 	snop  }
0x3c: {  	p2 =	seq.s32 s10, $0x1;
	s10 =	sld [smem:$0x3FBA]  }
0x3d: {  	_ =	shalt  }
0x3e: {  	_ =	shalt  }
0x3f: {  	_ =	shalt  }
0x40: {  	_ =	shalt  }
0x41: {  	_ =	shalt  }
0x42: {  	_ =	shalt  }
0x43: {  	_ =	shalt  }
0x44: {  	_ =	shalt  }
0x45: {  	_ =	shalt  }
0x46: {  	_ =	shalt  }
0x47: {  	_ =	shalt  }
0x48: {  	_ =	shalt  }
0x49: {  	_ =	shalt  }
0x4a: {  	_ =	shalt  }
0x4b: {  	_ =	shalt  }
0x4c: {  	_ =	shalt  }
0x4d: {  	_ =	shalt  }
0x4e: {  	_ =	shalt  }
0x4f: {  	_ =	shalt  }
0x50: {  	_ =	shalt  }
0x51: {  	_ =	shalt  }
0x52: {  	_ =	shalt  }
0x53: {  	_ =	shalt  }
0x54: {  	_ =	shalt  }
0x55: {  	_ =	shalt  }
0x56: {  	_ =	shalt  }
0x57: {  	_ =	shalt  }
0x58: {  	_ =	shalt  }
0x59: {  	_ =	shalt  }
0x5a: {  	_ =	shalt  }
0x5b: {  	_ =	shalt  }
0x5c: {  	_ =	shalt  }
0x5d: {  	_ =	shalt  }
0x5e: {  	_ =	shalt  }
0x5f: {  	_ =	shalt  }
0x60: {  	_ =	shalt  }
0x61: {  	_ =	shalt  }
0x62: {  	_ =	shalt  }
0x63: {  	_ =	shalt  }
0x64: {  	_ =	shalt  }
0x65: {  	_ =	shalt  }
0x66: {  	_ =	shalt  }
0x67: {  	_ =	shalt  }
0x68: {  	_ =	shalt  }
0x69: {  	_ =	shalt  }
0x6a: {  	_ =	shalt  }
0x6b: {  	_ =	shalt  }
0x6c: {  	_ =	shalt  }
0x6d: {  	_ =	shalt  }
0x6e: {  	_ =	shalt  }
0x6f: {  	_ =	shalt  }
0x70: {  	_ =	shalt  }
0x71: {  	_ =	shalt  }
0x72: {  	_ =	shalt  }
0x73: {  	_ =	shalt  }
0x74: {  	_ =	shalt  }
0x75: {  	_ =	shalt  }
0x76: {  	_ =	shalt  }
0x77: {  	_ =	shalt  }
0x78: {  	_ =	shalt  }
0x79: {  	_ =	shalt  }
0x7a: {  	_ =	shalt  }
0x7b: {  	_ =	shalt  }
0x7c: {  	_ =	shalt  }
0x7d: {  	_ =	shalt  }
0x7e: {  	_ =	shalt  }
0x7f: {  	_ =	shalt  }
0x80: {  	_ =	shalt  }
0x81: {  	_ =	shalt  }
0x82: {  	_ =	shalt  }
0x83: {  	_ =	shalt  }
0x84: {  	_ =	shalt  }
0x85: {  	_ =	shalt  }
0x86: {  	_ =	shalt  }
0x87: {  	_ =	shalt  }
.Lfunc_end0:
.L_simem_size_0:
called_computation_lowered:
.L_overlay_start_0:
0x88: {  	s2 =	sld [smem:$0x3FD9]  }
0x89: {  	s3 =	sld [smem:$0x3FFE];
	_ =	sdelay $0x1  }
0x8a: {  	s1 =	srdreg.scid  }
0x8b: {  	s0 =	sand.u32 $0x1, s1  }
0x8c: {  	s17 =	sshll.u32 s0, $0xA;
	s2 =	sadd.s32 s3, s2  }
0x8d: {  	s2 =	sadd.s32 s2, s17  }
0x8e: {  	[smem:$0x3FC6] =	sst s2  }
0x8f: {  	_ = 	snop  }
0x90: {  	s2 =	sld [smem:$0x3FC9]  }
0x91: {  	s18 =	sld [smem:$0x3FD0];
	(tm) =	ssettm $0x1  }
0x92: {  	s4 =	sld [smem:$0x3FFB];
	_ =	sdelay $0x3  }
0x93: {  	_ =	strace s4  }
0x94: {  	s4 =	sld [smem:$0x3FFC];
	_ =	sdelay $0x3  }
0x95: {  	_ =	strace s4  }
0x96: {  	s4 =	sld [smem:$0x3FFD];
	_ =	sdelay $0x3  }
0x97: {  	_ =	strace s4  }
0x98: {  	_ =	strace $0x8FFFFFFF  }
0x99: {  	s19 =	sld [smem:$0x3FDB];
	_ =	sdelay $0x1  }
0x9a: {  	s5 =	simm.s32 $_scs_section_size  }
0x9b: {  	s6 =	simm.s32 $_size__tile_overlayer_lowered;
	s7 =	simm.s32 $_tile_overlayer_lowered  }
0x9c: {  	s22 =	simm.s32 $0x1BFF;
	s21 =	sshll.u32 s7, $0x1;
	s4 =	sadd.s32 s5, s19  }
0x9d: {  	s8 =	simm.s32 $0x0;
	s20 =	sshll.u32 s6, $0x1;
	s6 =	sadd.s32 s21, s4  }
0x9e: {  	[timem:s8], [sflag:s22] =	dma.local [hbm:s6], s20  }
0x9f: {  	_ =	swait.ge [sflag:s22], s20  }
0xa0: {  	s5 =	ssub.s32 $0x0, s20;
	[sflag:s22] =	ssyncset.done $0x0  }
0xa1: {  	[sflag:s22] =	ssyncadd.s32 s5;
	_ =	sdelay $0x1  }
0xa2: {  	s23 =	simm.s32 $0x1B8B  }
0xa3: {  	_ =	swait.ge [sflag:s23], $0x1  }
0xa4: {  	[sflag:s23] =	ssyncset.done $0x0  }
0xa5: {  	s25 =	simm.s32 $0x1B8E;
	s24 =	sld [smem:$0x3FFE];
	[sflag:s23] =	ssyncadd.s32 $0xFFFFFFFF  }
0xa6: {  	s26 =	simm.s32 $execute0_lowered;
	[smem:$0x3FD2] =	sst s25  }
0xa7: {  	s6 =	sshll.u32 s26, $0x1;
	_ =	strace $0x80000046;
	[dreg:$0x1] =	wrdreg $0xFFFFFFFF  }
0xa8: {  	s28 =	simm.s32 $_size_execute0_lowered;
	s4 =	sadd.s32 s4, s6;
	[dreg:$0x0] =	wrdreg $0x0  }
0xa9: {  	s6 =	sshll.u32 s28, $0x1;
	[dreg:$0x2] =	wrdreg s4  }
0xaa: {  	[dreg:$0x3] =	wrdreg s6  }
0xab: {  	[dreg:$0x4] =	wrdreg $0xC0  }
0xac: {  	_ =	task [dreg:s8], $0x5FFFF  }
0xad: {  	[dreg:$0x1] =	wrdreg $0xFFFFFFFF  }
0xae: {  	[dreg:$0x0] =	wrdreg $0x60  }
0xaf: {  	[dreg:$0x2] =	wrdreg s2  }
0xb0: {  	[dreg:$0x3] =	wrdreg s24  }
0xb1: {  	[dreg:$0x4] =	wrdreg s18  }
0xb2: {  	[dreg:$0x5] =	wrdreg $0x9  }
0xb3: {  	_ =	task.clear_ibuf [dreg:s8], $0x6FFFF;
	_ =	strace $0x90000046  }
0xb4: {  	s29 =	simm.s32 $0x9;
	_ =	strace $0x80000048  }
0xb5: {  	_ =	swait.ge [sflag:s29], $0x1  }
0xb6: {  	[sflag:s29] =	ssyncadd.s32 $0xFFFFFFFF  }
0xb7: {  	_ =	strace $0x90000048  }
0xb8: {  	_ =	sfence  }
0xb9: {  	s30 =	sld [smem:$0x0];
	_ =	sdelay $0x2  }
0xba: {  	s31 =	sshll.u32 s1, $0xD;
	s1 =	sshrl.u32 s1, $0x2  }
0xbb: {  	s3 =	sand.u32 $0x4000, s31;
	s1 =	sadd.s32 s1, s30  }
0xbc: {  	s0 =	sor.u32 s3, s0;
	s1 =	sshll.u32 s1, $0x11  }
0xbd: {  	s0 =	sor.u32 s1, s0  }
0xbe: {  	s0 =	sadd.s32 $0x8F2B, s0  }
0xbf: {  	[sflag:s0] =	ssyncadd.remote.s32 $0x1  }
0xc0: {  	_ =	sfence.sel $0xFFFF  }
0xc1: {  	[dreg:$0x0] =	wrdreg $0xFFFFFFFF;
	(pc) =	sbr.abs _section_cstart, $3  }
0xc2: {  	[dreg:$0x1] =	wrdreg $0xFFFFFFFF  }
0xc3: {  	_ =	task.clear_ibuf [dreg:s8], $0x2FFFF;
	_ =	strace $0x9FFFFFFF  }
0xc4: {  	(tm) =	ssettm $0x7FFFFFFF  }
0xc5: {  	_ =	shalt  }
tec
execute0_lowered:
.L_overlay_start_1:
0x0: {  	(tag) =	ssettag $0x1  }
0x1: {  	s0 =	rddreg [dreg:$0x1]  }
0x2: {  	s1 =	rddreg [dreg:$0x2];
	s2 =	srdreg.scid  }
0x3: {  	s4 =	stileid.u32;
	s7 =	simm.s32 $0x0;
	s2 =	sand.u32 $0x1, s2  }
0x4: {  	s3 =	sshll.u32 s4, $0x8;
	s4 =	sshrl.u32 s4, $0x2;
	s5 =	sshll.u32 s2, $0x7  }
0x5: {  	s3 =	sand.u32 $0x300, s3;
	s6 =	sshll.u32 s4, $0xA;
	s4 =	smul.u32 $0x1800, s4  }
0x6: {  	s17 =	simm.s32 $0x480;
	s16 =	simm.s32 $0x2;
	s3 =	sor.u32 s5, s3  }
0x7: {  	[smem:$0x7FF] =	sst s7;
	s2 =	ssub.s32 $0x2, s2;
	s19 =	sor.u32 s3, s4  }
0x8: {  	_ =	strace $0x80000047;
	s20 =	sor.u32 $0x2A0000, s19;
	[dreg:$0xc] =	wrdreg s19  }
0x9: {  	s18 =	sshrl.u32 s2, $0x1;
	s21 =	sor.u32 $0x540000, s19;
	[dreg:$0xd] =	wrdreg s20  }
0xa: {  	s5 =	sor.u32 s6, s3;
	s23 =	sor.u32 $0x7E0000, s19;
	[dreg:$0xe] =	wrdreg s21  }
0xb: {  	s2 =	ssub.s32 s2, s18;
	s25 =	sor.u32 $0xA80000, s19;
	[dreg:$0x10] =	wrdreg s23  }
0xc: {  	s5 =	sshrl.u32 s5, $0x3;
	s28 =	sor.u32 $0xD20000, s19;
	[dreg:$0x12] =	wrdreg s25  }
0xd: {  	s31 =	smax.u32 s2, $0x1;
	s0 =	sadd.s32 s5, s0;
	[dreg:$0x14] =	wrdreg s28  }
0xe: {  	s6 =	sadd.s32 s1, s5;
	[dreg:$0x18] =	wrdreg s31;
	s0 =	sadd.s32 $0x400, s0  }
0xf: {  	s7 =	simm.s32 $0x1000;
	s22 =	sadd.s32 $0xE000, s6;
	[dreg:$0xb] =	wrdreg s0  }
0x10: {  	s21 =	simm.s32 $0x1;
	s24 =	sadd.s32 $0x1C000, s6;
	[dreg:$0xf] =	wrdreg s22  }
0x11: {  	s23 =	simm.s32 $0x80;
	s26 =	sadd.s32 $0x2A000, s6;
	[dreg:$0x11] =	wrdreg s24  }
0x12: {  	s5 =	simm.s32 $0x4;
	s29 =	sadd.s32 $0x38000, s6;
	[dreg:$0x13] =	wrdreg s26  }
0x13: {  	s20 =	simm.s32 $0x0;
	s30 =	sadd.s32 $0x46000, s6;
	[dreg:$0x15] =	wrdreg s29  }
0x14: {  	s18 =	sadd.s32 $0x54000, s6;
	s0 =	sor.u32 $0xFC0000, s19;
	[dreg:$0x17] =	wrdreg s30  }
0x15: {  	s22 =	simm.s32 $0x6000;
	s19 =	simm.s32 $0x3;
	[dreg:$0x16] =	wrdreg s0  }
.LBB2_1:
0x16: {  	s0 =	simm.s32 $0x0;
	s1 =	rddreg [dreg:$0xb];
	s3 =	simm.s32 $0x5  }
0x17: {  	[tilespmem:s0], [sflag:$0x5] =	stream.linear.gather [hbm4b:s1+s0], $0x80, $0x38;
	[tilespmem:$0x18080] =	vst v63  }
0x18: {  	_ =	swait.ge [sflag:s3], $0x80  }
0x19: {  	[sflag:s3] =	ssyncset.done $0x0  }
0x1a: {  	[sflag:s3] =	ssyncadd.s32 $0xFFFFFF80  }
0x1b: {  	v0 =	vld [tilespmem:$0x0];
	_ =	sdelay $0x4  }
0x1c: {  	(v2sf) =	vpush v0, $0x0  }
0x1d: {  	(v2sf) =	vpush v0, $0x1;
	_ =	sdelay $0x2  }
0x1e: {  	(v2sf) =	vpush v0, $0x2;
	_ =	sdelay $0x2  }
0x1f: {  	(v2sf) =	vpush v0, $0x3;
	_ =	sdelay $0x2  }
0x20: {  	(v2sf) =	vpush v0, $0x4;
	_ =	sdelay $0x2  }
0x21: {  	(v2sf) =	vpush v0, $0x5;
	_ =	sdelay $0x1  }
0x22: {  	s1 =	spop (v2sf)  }
0x23: {  	(v2sf) =	vpush v0, $0x6;
	s0 =	spop (v2sf)  }
0x24: {  	p0 =	sgt.f32 s0, s1;
	_ =	sdelay $0x1  }
0x25: {  	(v2sf) =	vpush v0, $0x7;
	s1 =	smov.u32 @p0 s0;
	s0 =	spop (v2sf)  }
0x26: {  	p1 =	sgt.f32 s0, s1;
	_ =	sdelay $0x1  }
0x27: {  	s2 =	spop (v2sf);
	s1 =	smov.u32 @p1 s0  }
0x28: {  	p2 =	sgt.f32 s2, s1;
	_ =	sdelay $0x1  }
0x29: {  	s3 =	spop (v2sf);
	s1 =	smov.u32 @p2 s2  }
0x2a: {  	p3 =	sgt.f32 s3, s1;
	_ =	sdelay $0x1  }
0x2b: {  	s0 =	simm.s32 $0x1;
	s2 =	spop (v2sf);
	s1 =	smov.u32 @p3 s3  }
0x2c: {  	s0 =	simm.s32 @!p0 $0x0;
	p0 =	sgt.f32 s2, s1;
	_ =	sdelay $0x1  }
0x2d: {  	s3 =	spop (v2sf);
	s1 =	smov.u32 @p0 s2  }
0x2e: {  	s0 =	simm.s32 @p1 $0x2;
	p1 =	sgt.f32 s3, s1  }
0x2f: {  	s0 =	simm.s32 @p2 $0x3  }
0x30: {  	s0 =	simm.s32 @p3 $0x4;
	s4 =	spop (v2sf);
	s1 =	smov.u32 @p1 s3  }
0x31: {  	s0 =	simm.s32 @p0 $0x5;
	p0 =	sgt.f32 s4, s1  }
0x32: {  	s0 =	simm.s32 @p1 $0x6  }
0x33: {  	s0 =	simm.s32 @p0 $0x7  }
0x34: {  	s8 =	smul.u32 $0x3, s0;
	_ =	sdelay $0x1  }
0x35: {  	s1 =	sshrl.u32 s8, $0x2  }
0x36: {  	s1 =	smin.u32 s1, $0x4  }
0x37: {  	s9 =	rddreg [dreg:$0xc];
	s4 =	sshll.u32 s1, $0xA  }
0x38: {  	s2 =	sadd.s32 s9, s4  }
0x39: {  	s9 =	rddreg [dreg:$0x0];
	s2 =	sshrl.u32 s2, $0x3  }
0x3a: {  	s2 =	sadd.s32 s9, s2  }
0x3b: {  	[tilespmem:s23], [sflag:$0x1] =	stream.strided.gather [hbm4b:s2+s23], $0x400, s22, s23, $0x38;
	[tilespmem:$0x18080] =	vst v63  }
0x3c: {  	s10 =	sadd.s32 $0x80, s2  }
0x3d: {  	[tilespmem:s17], [sflag:$0x1] =	stream.strided.gather [hbm4b:s10+s23], $0x400, s22, s23, $0x38;
	[tilespmem:$0x18080] =	vst v63  }
0x3e: {  	s8 =	simm.s32 $0x880;
	s11 =	sadd.s32 $0x6000, s2  }
0x3f: {  	[tilespmem:s8], [sflag:$0x1] =	stream.strided.gather [hbm4b:s11+s23], $0x400, s22, s23, $0x38;
	[tilespmem:$0x18080] =	vst v63  }
0x40: {  	s13 =	simm.s32 $0xC80;
	s12 =	sadd.s32 $0x6080, s2  }
0x41: {  	[tilespmem:s13], [sflag:$0x1] =	stream.strided.gather [hbm4b:s12+s23], $0x400, s22, s23, $0x38;
	[tilespmem:$0x18080] =	vst v63  }
0x42: {  	s15 =	simm.s32 $0x1080;
	s14 =	sadd.s32 $0xC000, s2  }
0x43: {  	[tilespmem:s15], [sflag:$0x1] =	stream.strided.gather [hbm4b:s14+s23], $0x400, s22, s23, $0x38;
	[tilespmem:$0x18080] =	vst v63  }
0x44: {  	s25 =	simm.s32 $0x1480;
	s24 =	sadd.s32 $0xC080, s2  }
0x45: {  	[tilespmem:s25], [sflag:$0x1] =	stream.strided.gather [hbm4b:s24+s23], $0x400, s22, s23, $0x38;
	[tilespmem:$0x18080] =	vst v63  }
0x46: {  	s26 =	sadd.s32 $0x15000, s2;
	s10 =	simm.s32 $0x2080  }
0x47: {  	[tilespmem:s10], [sflag:$0x1] =	stream.strided.gather [hbm4b:s26+s23], $0x400, s22, s23, $0x38;
	[tilespmem:$0x18080] =	vst v63  }
0x48: {  	s11 =	sadd.s32 $0x80, s26;
	s10 =	simm.s32 $0x2480  }
0x49: {  	[tilespmem:s10], [sflag:$0x1] =	stream.strided.gather [hbm4b:s11+s23], $0x400, s22, s23, $0x38;
	[tilespmem:$0x18080] =	vst v63  }
0x4a: {  	s12 =	sadd.s32 $0x6000, s26;
	s13 =	simm.s32 $0x2880  }
0x4b: {  	[tilespmem:s13], [sflag:$0x1] =	stream.strided.gather [hbm4b:s12+s23], $0x400, s22, s23, $0x38;
	[tilespmem:$0x18080] =	vst v63  }
0x4c: {  	s14 =	sadd.s32 $0x6080, s26;
	s15 =	simm.s32 $0x2C80  }
0x4d: {  	[tilespmem:s15], [sflag:$0x1] =	stream.strided.gather [hbm4b:s14+s23], $0x400, s22, s23, $0x38;
	[tilespmem:$0x18080] =	vst v63  }
0x4e: {  	s24 =	sadd.s32 $0xC000, s26;
	s25 =	simm.s32 $0x3080  }
0x4f: {  	[tilespmem:s25], [sflag:$0x1] =	stream.strided.gather [hbm4b:s24+s23], $0x400, s22, s23, $0x38;
	[tilespmem:$0x18080] =	vst v63  }
0x50: {  	s3 =	sadd.s32 $0xC080, s26;
	s26 =	simm.s32 $0x3480  }
0x51: {  	[tilespmem:s26], [sflag:$0x1] =	stream.strided.gather [hbm4b:s3+s23], $0x400, s22, s23, $0x38;
	[tilespmem:$0x18080] =	vst v63  }
0x52: {  	s10 =	simm.s32 $0x4080;
	s3 =	sadd.s32 $0x2A000, s2  }
0x53: {  	[tilespmem:s10], [sflag:$0x1] =	stream.strided.gather [hbm4b:s3+s23], $0x400, s22, s23, $0x38;
	[tilespmem:$0x18080] =	vst v63  }
0x54: {  	s12 =	simm.s32 $0x4480;
	s11 =	sadd.s32 $0x80, s3  }
0x55: {  	[tilespmem:s12], [sflag:$0x1] =	stream.strided.gather [hbm4b:s11+s23], $0x400, s22, s23, $0x38;
	[tilespmem:$0x18080] =	vst v63  }
0x56: {  	s14 =	simm.s32 $0x4880;
	s13 =	sadd.s32 $0x6000, s3  }
0x57: {  	[tilespmem:s14], [sflag:$0x1] =	stream.strided.gather [hbm4b:s13+s23], $0x400, s22, s23, $0x38;
	[tilespmem:$0x18080] =	vst v63  }
0x58: {  	s24 =	simm.s32 $0x4C80;
	s15 =	sadd.s32 $0x6080, s3  }
0x59: {  	[tilespmem:s24], [sflag:$0x1] =	stream.strided.gather [hbm4b:s15+s23], $0x400, s22, s23, $0x38;
	[tilespmem:$0x18080] =	vst v63  }
0x5a: {  	s26 =	simm.s32 $0x5080;
	s25 =	sadd.s32 $0xC000, s3  }
0x5b: {  	[tilespmem:s26], [sflag:$0x1] =	stream.strided.gather [hbm4b:s25+s23], $0x400, s22, s23, $0x38;
	[tilespmem:$0x18080] =	vst v63  }
0x5c: {  	s3 =	sadd.s32 $0xC080, s3;
	s11 =	simm.s32 $0x5480  }
0x5d: {  	[tilespmem:s11], [sflag:$0x1] =	stream.strided.gather [hbm4b:s3+s23], $0x400, s22, s23, $0x38;
	[tilespmem:$0x18080] =	vst v63  }
0x5e: {  	s12 =	simm.s32 $0x6080;
	s3 =	sadd.s32 $0x3F000, s2  }
0x5f: {  	[tilespmem:s12], [sflag:$0x1] =	stream.strided.gather [hbm4b:s3+s23], $0x400, s22, s23, $0x38;
	[tilespmem:$0x18080] =	vst v63  }
0x60: {  	s14 =	simm.s32 $0x6480;
	s13 =	sadd.s32 $0x80, s3  }
0x61: {  	[tilespmem:s14], [sflag:$0x1] =	stream.strided.gather [hbm4b:s13+s23], $0x400, s22, s23, $0x38;
	[tilespmem:$0x18080] =	vst v63  }
0x62: {  	s24 =	simm.s32 $0x6880;
	s15 =	sadd.s32 $0x6000, s3  }
0x63: {  	[tilespmem:s24], [sflag:$0x1] =	stream.strided.gather [hbm4b:s15+s23], $0x400, s22, s23, $0x38;
	[tilespmem:$0x18080] =	vst v63  }
0x64: {  	s26 =	simm.s32 $0x6C80;
	s25 =	sadd.s32 $0x6080, s3  }
0x65: {  	[tilespmem:s26], [sflag:$0x1] =	stream.strided.gather [hbm4b:s25+s23], $0x400, s22, s23, $0x38;
	[tilespmem:$0x18080] =	vst v63  }
0x66: {  	s11 =	simm.s32 $0x7080;
	s10 =	sadd.s32 $0xC000, s3  }
0x67: {  	[tilespmem:s11], [sflag:$0x1] =	stream.strided.gather [hbm4b:s10+s23], $0x400, s22, s23, $0x38;
	[tilespmem:$0x18080] =	vst v63  }
0x68: {  	s3 =	sadd.s32 $0xC080, s3;
	s12 =	simm.s32 $0x7480  }
0x69: {  	[tilespmem:s12], [sflag:$0x1] =	stream.strided.gather [hbm4b:s3+s23], $0x400, s22, s23, $0x38;
	[tilespmem:$0x18080] =	vst v63  }
0x6a: {  	s13 =	sadd.s32 $0x12000, s2;
	s14 =	simm.s32 $0x1880  }
0x6b: {  	[tilespmem:s14], [sflag:$0x1] =	stream.strided.gather [hbm4b:s13+s23], $0x200, s22, s23, $0x38;
	[tilespmem:$0x18080] =	vst v63  }
0x6c: {  	s15 =	simm.s32 $0x1C80;
	s3 =	sadd.s32 $0x80, s13  }
0x6d: {  	[tilespmem:s15], [sflag:$0x1] =	stream.strided.gather [hbm4b:s3+s23], $0x200, s22, s23, $0x38;
	[tilespmem:$0x18080] =	vst v63  }
0x6e: {  	s24 =	sadd.s32 $0x27000, s2;
	s25 =	simm.s32 $0x3880  }
0x6f: {  	[tilespmem:s25], [sflag:$0x1] =	stream.strided.gather [hbm4b:s24+s23], $0x200, s22, s23, $0x38;
	[tilespmem:$0x18080] =	vst v63  }
0x70: {  	s26 =	simm.s32 $0x3C80;
	s3 =	sadd.s32 $0x80, s24  }
0x71: {  	[tilespmem:s26], [sflag:$0x1] =	stream.strided.gather [hbm4b:s3+s23], $0x200, s22, s23, $0x38;
	[tilespmem:$0x18080] =	vst v63  }
0x72: {  	s10 =	sadd.s32 $0x3C000, s2;
	s11 =	simm.s32 $0x5880  }
0x73: {  	[tilespmem:s11], [sflag:$0x1] =	stream.strided.gather [hbm4b:s10+s23], $0x200, s22, s23, $0x38;
	[tilespmem:$0x18080] =	vst v63  }
0x74: {  	s12 =	simm.s32 $0x5C80;
	s3 =	sadd.s32 $0x80, s10  }
0x75: {  	[tilespmem:s12], [sflag:$0x1] =	stream.strided.gather [hbm4b:s3+s23], $0x200, s22, s23, $0x38;
	[tilespmem:$0x18080] =	vst v63  }
0x76: {  	s2 =	sadd.s32 $0x51000, s2;
	s13 =	simm.s32 $0x7880  }
0x77: {  	[tilespmem:s13], [sflag:$0x1] =	stream.strided.gather [hbm4b:s2+s23], $0x200, s22, s23, $0x38;
	[tilespmem:$0x18080] =	vst v63  }
0x78: {  	s14 =	simm.s32 $0x7C80;
	s15 =	rddreg [dreg:$0xd];
	s2 =	sadd.s32 $0x80, s2  }
0x79: {  	[tilespmem:s14], [sflag:$0x1] =	stream.strided.gather [hbm4b:s2+s23], $0x200, s22, s23, $0x38;
	[tilespmem:$0x18080] =	vst v63  }
0x7a: {  	s2 =	sadd.s32 s4, s15  }
0x7b: {  	s2 =	sshrl.u32 s2, $0x3  }
0x7c: {  	s24 =	simm.s32 $0x8080;
	s2 =	sadd.s32 s9, s2  }
0x7d: {  	[tilespmem:s24], [sflag:$0x2] =	stream.strided.gather [hbm4b:s2+s23], $0x400, s22, s23, $0x38;
	[tilespmem:$0x18080] =	vst v63  }
0x7e: {  	s26 =	simm.s32 $0x8480;
	s25 =	sadd.s32 $0x80, s2  }
0x7f: {  	[tilespmem:s26], [sflag:$0x2] =	stream.strided.gather [hbm4b:s25+s23], $0x400, s22, s23, $0x38;
	[tilespmem:$0x18080] =	vst v63  }
0x80: {  	s9 =	simm.s32 $0x8880;
	s8 =	sadd.s32 $0x6000, s2  }
0x81: {  	[tilespmem:s9], [sflag:$0x2] =	stream.strided.gather [hbm4b:s8+s23], $0x400, s22, s23, $0x38;
	[tilespmem:$0x18080] =	vst v63  }
0x82: {  	s11 =	simm.s32 $0x8C80;
	s10 =	sadd.s32 $0x6080, s2  }
0x83: {  	[tilespmem:s11], [sflag:$0x2] =	stream.strided.gather [hbm4b:s10+s23], $0x400, s22, s23, $0x38;
	[tilespmem:$0x18080] =	vst v63  }
0x84: {  	s13 =	simm.s32 $0x9080;
	s12 =	sadd.s32 $0xC000, s2  }
0x85: {  	[tilespmem:s13], [sflag:$0x2] =	stream.strided.gather [hbm4b:s12+s23], $0x400, s22, s23, $0x38;
	[tilespmem:$0x18080] =	vst v63  }
0x86: {  	s15 =	simm.s32 $0x9480;
	s14 =	sadd.s32 $0xC080, s2  }
0x87: {  	[tilespmem:s15], [sflag:$0x2] =	stream.strided.gather [hbm4b:s14+s23], $0x400, s22, s23, $0x38;
	[tilespmem:$0x18080] =	vst v63  }
0x88: {  	s3 =	sadd.s32 $0x15000, s2;
	s24 =	simm.s32 $0xA080  }
0x89: {  	[tilespmem:s24], [sflag:$0x2] =	stream.strided.gather [hbm4b:s3+s23], $0x400, s22, s23, $0x38;
	[tilespmem:$0x18080] =	vst v63  }
0x8a: {  	s25 =	sadd.s32 $0x80, s3;
	s26 =	simm.s32 $0xA480  }
0x8b: {  	[tilespmem:s26], [sflag:$0x2] =	stream.strided.gather [hbm4b:s25+s23], $0x400, s22, s23, $0x38;
	[tilespmem:$0x18080] =	vst v63  }
0x8c: {  	s10 =	sadd.s32 $0x6000, s3;
	s11 =	simm.s32 $0xA880  }
0x8d: {  	[tilespmem:s11], [sflag:$0x2] =	stream.strided.gather [hbm4b:s10+s23], $0x400, s22, s23, $0x38;
	[tilespmem:$0x18080] =	vst v63  }
0x8e: {  	s12 =	sadd.s32 $0x6080, s3;
	s13 =	simm.s32 $0xAC80  }
0x8f: {  	[tilespmem:s13], [sflag:$0x2] =	stream.strided.gather [hbm4b:s12+s23], $0x400, s22, s23, $0x38;
	[tilespmem:$0x18080] =	vst v63  }
0x90: {  	s14 =	sadd.s32 $0xC000, s3;
	s15 =	simm.s32 $0xB080  }
0x91: {  	[tilespmem:s15], [sflag:$0x2] =	stream.strided.gather [hbm4b:s14+s23], $0x400, s22, s23, $0x38;
	[tilespmem:$0x18080] =	vst v63  }
0x92: {  	s3 =	sadd.s32 $0xC080, s3;
	s24 =	simm.s32 $0xB480  }
0x93: {  	[tilespmem:s24], [sflag:$0x2] =	stream.strided.gather [hbm4b:s3+s23], $0x400, s22, s23, $0x38;
	[tilespmem:$0x18080] =	vst v63  }
0x94: {  	s25 =	sadd.s32 $0x2A000, s2;
	s26 =	simm.s32 $0xC080  }
0x95: {  	[tilespmem:s26], [sflag:$0x2] =	stream.strided.gather [hbm4b:s25+s23], $0x400, s22, s23, $0x38;
	[tilespmem:$0x18080] =	vst v63  }
0x96: {  	s9 =	sadd.s32 $0x80, s25;
	s10 =	simm.s32 $0xC480  }
0x97: {  	[tilespmem:s10], [sflag:$0x2] =	stream.strided.gather [hbm4b:s9+s23], $0x400, s22, s23, $0x38;
	[tilespmem:$0x18080] =	vst v63  }
0x98: {  	s0 =	smul.u32 $0x60, s0;
	s11 =	sadd.s32 $0x6000, s25;
	s12 =	simm.s32 $0xC880  }
0x99: {  	[tilespmem:s12], [sflag:$0x2] =	stream.strided.gather [hbm4b:s11+s23], $0x400, s22, s23, $0x38;
	[tilespmem:$0x18080] =	vst v63  }
0x9a: {  	s1 =	sshll.u32 s1, $0x7;
	s13 =	sadd.s32 $0x6080, s25;
	s14 =	simm.s32 $0xCC80  }
0x9b: {  	[tilespmem:s14], [sflag:$0x2] =	stream.strided.gather [hbm4b:s13+s23], $0x400, s22, s23, $0x38;
	[tilespmem:$0x18080] =	vst v63  }
0x9c: {  	s1 =	ssub.s32 s0, s1;
	s15 =	sadd.s32 $0xC000, s25;
	s24 =	simm.s32 $0xD080  }
0x9d: {  	[tilespmem:s24], [sflag:$0x2] =	stream.strided.gather [hbm4b:s15+s23], $0x400, s22, s23, $0x38;
	[tilespmem:$0x18080] =	vst v63  }
0x9e: {  	s3 =	sadd.s32 $0xC080, s25;
	s25 =	simm.s32 $0xD480;
	s26 =	sadd.s32 $0x3F000, s2  }
0x9f: {  	[tilespmem:s25], [sflag:$0x2] =	stream.strided.gather [hbm4b:s3+s23], $0x400, s22, s23, $0x38;
	[tilespmem:$0x18080] =	vst v63  }
0xa0: {  	s8 =	simm.s32 $0xFC80;
	s9 =	simm.s32 $0xE080;
	s10 =	sadd.s32 $0x80, s26  }
0xa1: {  	[tilespmem:s9], [sflag:$0x2] =	stream.strided.gather [hbm4b:s26+s23], $0x400, s22, s23, $0x38;
	[tilespmem:$0x18080] =	vst v63  }
0xa2: {  	s11 =	simm.s32 $0xE480;
	s12 =	sadd.s32 $0x6000, s26;
	s13 =	simm.s32 $0xE880  }
0xa3: {  	[tilespmem:s11], [sflag:$0x2] =	stream.strided.gather [hbm4b:s10+s23], $0x400, s22, s23, $0x38;
	[tilespmem:$0x18080] =	vst v63  }
0xa4: {  	s14 =	sadd.s32 $0x6080, s26;
	s15 =	simm.s32 $0xEC80;
	s24 =	sadd.s32 $0xC000, s26  }
0xa5: {  	[tilespmem:s13], [sflag:$0x2] =	stream.strided.gather [hbm4b:s12+s23], $0x400, s22, s23, $0x38;
	[tilespmem:$0x18080] =	vst v63  }
0xa6: {  	s25 =	simm.s32 $0xF080;
	s3 =	sadd.s32 $0xC080, s26;
	s26 =	simm.s32 $0xF480  }
0xa7: {  	[tilespmem:s15], [sflag:$0x2] =	stream.strided.gather [hbm4b:s14+s23], $0x400, s22, s23, $0x38;
	[tilespmem:$0x18080] =	vst v63  }
0xa8: {  	s9 =	sadd.s32 $0x12000, s2;
	s10 =	simm.s32 $0x9880;
	s11 =	simm.s32 $0x9C80  }
0xa9: {  	[tilespmem:s25], [sflag:$0x2] =	stream.strided.gather [hbm4b:s24+s23], $0x400, s22, s23, $0x38;
	[tilespmem:$0x18080] =	vst v63  }
0xaa: {  	s12 =	sadd.s32 $0x27000, s2;
	s13 =	simm.s32 $0xB880;
	s14 =	simm.s32 $0xBC80  }
0xab: {  	[tilespmem:s26], [sflag:$0x2] =	stream.strided.gather [hbm4b:s3+s23], $0x400, s22, s23, $0x38;
	[tilespmem:$0x18080] =	vst v63  }
0xac: {  	s15 =	sadd.s32 $0x3C000, s2;
	s2 =	sadd.s32 $0x51000, s2;
	s24 =	simm.s32 $0xD880  }
0xad: {  	[tilespmem:s10], [sflag:$0x2] =	stream.strided.gather [hbm4b:s9+s23], $0x200, s22, s23, $0x38;
	[tilespmem:$0x18080] =	vst v63  }
0xae: {  	s25 =	simm.s32 $0xDC80;
	s3 =	sadd.s32 $0x80, s9;
	s10 =	sadd.s32 $0x20, s1  }
0xaf: {  	[tilespmem:s11], [sflag:$0x2] =	stream.strided.gather [hbm4b:s3+s23], $0x200, s22, s23, $0x38;
	[tilespmem:$0x18080] =	vst v63  }
0xb0: {  	s26 =	simm.s32 $0xF880;
	s9 =	sshll.u32 s1, $0x3;
	s11 =	sshll.u32 s10, $0x3  }
0xb1: {  	[tilespmem:s13], [sflag:$0x2] =	stream.strided.gather [hbm4b:s12+s23], $0x200, s22, s23, $0x38;
	[tilespmem:$0x18080] =	vst v63  }
0xb2: {  	s3 =	sadd.s32 $0x80, s12;
	s28 =	sand.u32 $0xFFFFFC00, s11;
	s12 =	sadd.s32 $0x30, s1  }
0xb3: {  	[tilespmem:s14], [sflag:$0x2] =	stream.strided.gather [hbm4b:s3+s23], $0x200, s22, s23, $0x38;
	[tilespmem:$0x18080] =	vst v63  }
0xb4: {  	s13 =	sshll.u32 s12, $0x3;
	s29 =	sand.u32 $0x70, s12;
	s14 =	sadd.s32 $0x40, s1  }
0xb5: {  	[tilespmem:s24], [sflag:$0x2] =	stream.strided.gather [hbm4b:s15+s23], $0x200, s22, s23, $0x38;
	[tilespmem:$0x18080] =	vst v63  }
0xb6: {  	s3 =	sadd.s32 $0x80, s15;
	s30 =	sand.u32 $0xFFFFFC00, s13;
	s31 =	sand.u32 $0x60, s14  }
0xb7: {  	[tilespmem:s25], [sflag:$0x2] =	stream.strided.gather [hbm4b:s3+s23], $0x200, s22, s23, $0x38;
	[tilespmem:$0x18080] =	vst v63  }
0xb8: {  	s24 =	sand.u32 $0x60, s0;
	s0 =	sshll.u32 s14, $0x3;
	s15 =	sadd.s32 $0x50, s1  }
0xb9: {  	[tilespmem:s26], [sflag:$0x2] =	stream.strided.gather [hbm4b:s2+s23], $0x200, s22, s23, $0x38;
	[tilespmem:$0x18080] =	vst v63  }
0xba: {  	s14 =	simm.s32 $0x100B0;
	s0 =	sand.u32 $0xFFFFFC00, s0;
	s2 =	sadd.s32 $0x80, s2  }
0xbb: {  	[tilespmem:s8], [sflag:$0x2] =	stream.strided.gather [hbm4b:s2+s23], $0x200, s22, s23, $0x38;
	[tilespmem:$0x18080] =	vst v63  }
0xbc: {  	s1 =	sand.u32 $0x70, s15;
	s25 =	sand.u32 $0xFFFFFC00, s9;
	_ =	swait.ge [sflag:s21], $0x7000  }
0xbd: {  	s26 =	sand.u32 $0x60, s10;
	s2 =	sshll.u32 s15, $0x3;
	[sflag:s21] =	ssyncset.done $0x0  }
0xbe: {  	s10 =	simm.s32 $0x0;
	s3 =	sand.u32 $0xFFFFFC00, s2;
	[sflag:s21] =	ssyncadd.s32 $0xFFFF9000  }
.LBB2_2:
0xbf: {  	s2 =	sshll.u32 s10, $0xD  }
0xc0: {  	s2 =	sand.u32 $0x3FFFE000, s2  }
0xc1: {  	s2 =	sor.u32 $0x80, s2  }
0xc2: {  	s12 =	simm.s32 $0x0;
	[dreg:$0x4] =	wrdreg s2  }
0xc3: {  	s8 =	sand.u32 $0x1800, s12;
	s2 =	rddreg [dreg:$0x4]  }
0xc4: {  	s2 =	sadd.s32 s8, s2  }
0xc5: {  	s8 =	sadd.s32 s25, s2  }
0xc6: {  	s13 =	sand.u32 $0x380, s12;
	s8 =	sadd.s32 s24, s8  }
0xc7: {  	s8 =	sadd.s32 s13, s8  }
0xc8: {  	v0 =	vld [tilespmem:s8+$0x0];
	_ =	sdelay $0x4  }
0xc9: {  	[tilespmem:s14+$0xFFFFFFD0] =	vst v0  }
0xca: {  	v0 =	vld [tilespmem:s8+$0x10];
	_ =	sdelay $0x2  }
0xcb: {  	s15 =	sadd.s32 s28, s2  }
0xcc: {  	s8 =	sadd.s32 s26, s15  }
0xcd: {  	s8 =	sadd.s32 s13, s8;
	[tilespmem:s14+$0xFFFFFFE0] =	vst v0  }
0xce: {  	v0 =	vld [tilespmem:s8+$0x0];
	_ =	sdelay $0x2  }
0xcf: {  	s9 =	sadd.s32 s30, s2  }
0xd0: {  	s8 =	sadd.s32 s29, s9  }
0xd1: {  	s8 =	sadd.s32 s13, s8;
	[tilespmem:s14+$0xFFFFFFF0] =	vst v0  }
0xd2: {  	v0 =	vld [tilespmem:s8+$0x0];
	_ =	sdelay $0x2  }
0xd3: {  	s11 =	sadd.s32 s0, s2  }
0xd4: {  	s8 =	sadd.s32 s31, s11  }
0xd5: {  	s8 =	sadd.s32 s13, s8;
	[tilespmem:s14+$0x0] =	vst v0  }
0xd6: {  	v0 =	vld [tilespmem:s8+$0x0];
	_ =	sdelay $0x2  }
0xd7: {  	s15 =	sadd.s32 s3, s2  }
0xd8: {  	s2 =	simm.s32 $0x100;
	s9 =	simm.s32 $0x200;
	s8 =	sadd.s32 s1, s15  }
0xd9: {  	s11 =	rddreg [dreg:$0x4];
	s13 =	sadd.s32 s13, s8;
	s8 =	smov.u32 s14;
	[tilespmem:s14+$0x10] =	vst v0  }
.LBB2_3:
0xda: {  	v0 =	vld [tilespmem:s13+$0x0]  }
0xdb: {  	s15 =	sand.u32 $0x1800, s2  }
0xdc: {  	s11 =	sadd.s32 s15, s11  }
0xdd: {  	s12 =	sadd.s32 $0x80, s12;
	s13 =	sadd.s32 s25, s11  }
0xde: {  	s15 =	sand.u32 $0x380, s12;
	s13 =	sadd.s32 s24, s13  }
0xdf: {  	s13 =	sadd.s32 s15, s13;
	[tilespmem:s8+$0x20] =	vst v0  }
0xe0: {  	v0 =	vld [tilespmem:s13+$0x0];
	_ =	sdelay $0x3  }
0xe1: {  	s8 =	sadd.s32 $0x80, s8  }
0xe2: {  	[tilespmem:s8+$0xFFFFFFD0] =	vst v0  }
0xe3: {  	v0 =	vld [tilespmem:s13+$0x10];
	_ =	sdelay $0x2  }
0xe4: {  	s13 =	sadd.s32 s28, s11  }
0xe5: {  	s13 =	sadd.s32 s26, s13  }
0xe6: {  	s13 =	sadd.s32 s15, s13;
	[tilespmem:s8+$0xFFFFFFE0] =	vst v0  }
0xe7: {  	v0 =	vld [tilespmem:s13+$0x0];
	_ =	sdelay $0x2  }
0xe8: {  	s13 =	sadd.s32 s30, s11  }
0xe9: {  	s13 =	sadd.s32 s29, s13  }
0xea: {  	s13 =	sadd.s32 s15, s13;
	[tilespmem:s8+$0xFFFFFFF0] =	vst v0  }
0xeb: {  	v0 =	vld [tilespmem:s13+$0x0];
	_ =	sdelay $0x2  }
0xec: {  	s13 =	sadd.s32 s0, s11  }
0xed: {  	s13 =	sadd.s32 s31, s13  }
0xee: {  	s13 =	sadd.s32 s15, s13;
	[tilespmem:s8+$0x0] =	vst v0  }
0xef: {  	p0 =	sne.s32 s9, $0x1B00;
	v0 =	vld [tilespmem:s13+$0x0]  }
.Ltmp0:
0xf0: {  	_ = 	snop;
	(pc) =	sbr.rel @p0 .LBB2_3-.Ltmp0, $4  }
0xf1: {  	_ = 	snop  }
0xf2: {  	s11 =	sadd.s32 s3, s11  }
0xf3: {  	s2 =	smov.u32 s9;
	s13 =	sadd.s32 s1, s11  }
0xf4: {  	s9 =	sadd.s32 $0x100, s9;
	s11 =	rddreg [dreg:$0x4];
	s13 =	sadd.s32 s15, s13;
	[tilespmem:s8+$0x10] =	vst v0  }
0xf5: {  	v0 =	vld [tilespmem:s13+$0x0]  }
0xf6: {  	s2 =	sand.u32 $0x1800, s2  }
0xf7: {  	s2 =	sadd.s32 s2, s11  }
0xf8: {  	s15 =	sadd.s32 $0x80, s12;
	s9 =	sadd.s32 s25, s2  }
0xf9: {  	s11 =	sand.u32 $0x380, s15;
	s9 =	sadd.s32 s24, s9  }
0xfa: {  	s9 =	sadd.s32 s11, s9;
	[tilespmem:s8+$0x20] =	vst v0  }
0xfb: {  	v0 =	vld [tilespmem:s9+$0x0];
	_ =	sdelay $0x3  }
0xfc: {  	s8 =	sadd.s32 $0x80, s8  }
0xfd: {  	[tilespmem:s8+$0xFFFFFFD0] =	vst v0  }
0xfe: {  	v0 =	vld [tilespmem:s9+$0x10];
	_ =	sdelay $0x2  }
0xff: {  	s12 =	sadd.s32 s28, s2  }
0x100: {  	s9 =	sadd.s32 s26, s12  }
0x101: {  	s9 =	sadd.s32 s11, s9;
	[tilespmem:s8+$0xFFFFFFE0] =	vst v0  }
0x102: {  	v0 =	vld [tilespmem:s9+$0x0];
	_ =	sdelay $0x2  }
0x103: {  	s13 =	sadd.s32 s30, s2  }
0x104: {  	s9 =	sadd.s32 s29, s13  }
0x105: {  	s9 =	sadd.s32 s11, s9;
	[tilespmem:s8+$0xFFFFFFF0] =	vst v0  }
0x106: {  	v0 =	vld [tilespmem:s9+$0x0];
	_ =	sdelay $0x2  }
0x107: {  	s15 =	sadd.s32 s0, s2  }
0x108: {  	s9 =	sadd.s32 s31, s15  }
0x109: {  	s9 =	sadd.s32 s11, s9;
	[tilespmem:s8+$0x0] =	vst v0  }
0x10a: {  	v0 =	vld [tilespmem:s9+$0x0];
	_ =	sdelay $0x2  }
0x10b: {  	s2 =	sadd.s32 s3, s2  }
0x10c: {  	s2 =	sadd.s32 s1, s2  }
0x10d: {  	s10 =	sadd.s32 $0x1, s10;
	s2 =	sadd.s32 s11, s2;
	[tilespmem:s8+$0x10] =	vst v0  }
0x10e: {  	p0 =	sne.s32 s10, $0x4;
	v0 =	vld [tilespmem:s2+$0x0]  }
.Ltmp1:
0x10f: {  	_ = 	snop;
	(pc) =	sbr.rel @p0 .LBB2_2-.Ltmp1, $2  }
0x110: {  	_ =	sdelay $0x2  }
0x111: {  	s14 =	sadd.s32 $0x1000, s14;
	[tilespmem:s8+$0x20] =	vst v0  }
0x112: {  	s2 =	simm.s32 $0x10080;
	s13 =	sadd.s32 $0x3800, s6  }
0x113: {  	[hbm4b:s6+s23] =	stream.strided.scatter [tilespmem:s2], [sflag:$0x3], $0xE00, s7, s23, $0x38;
	[tilespmem:$0x18080] =	vst v63  }
0x114: {  	s8 =	simm.s32 $0x11080;
	s14 =	sadd.s32 $0x7000, s6;
	s10 =	rddreg [dreg:$0xe]  }
0x115: {  	[hbm4b:s13+s23] =	stream.strided.scatter [tilespmem:s8], [sflag:$0x3], $0xE00, s7, s23, $0x38;
	[tilespmem:$0x18080] =	vst v63  }
0x116: {  	s15 =	simm.s32 $0x12080;
	s9 =	simm.s32 $0x13080;
	s2 =	sadd.s32 s4, s10  }
0x117: {  	[hbm4b:s14+s23] =	stream.strided.scatter [tilespmem:s15], [sflag:$0x3], $0xE00, s7, s23, $0x38;
	[tilespmem:$0x18080] =	vst v63  }
0x118: {  	s11 =	rddreg [dreg:$0x0];
	s2 =	sshrl.u32 s2, $0x3;
	s8 =	sadd.s32 $0xA800, s6  }
0x119: {  	[hbm4b:s8+s23] =	stream.strided.scatter [tilespmem:s9], [sflag:$0x3], $0xE00, s7, s23, $0x38;
	[tilespmem:$0x18080] =	vst v63  }
0x11a: {  	s2 =	sadd.s32 s11, s2  }
0x11b: {  	[tilespmem:s23], [sflag:$0x1] =	stream.strided.gather [hbm4b:s2+s23], $0x400, s22, s23, $0x38;
	[tilespmem:$0x18080] =	vst v63  }
0x11c: {  	s8 =	sadd.s32 $0x80, s2  }
0x11d: {  	[tilespmem:s17], [sflag:$0x1] =	stream.strided.gather [hbm4b:s8+s23], $0x400, s22, s23, $0x38;
	[tilespmem:$0x18080] =	vst v63  }
0x11e: {  	s12 =	sadd.s32 $0x6000, s2;
	s9 =	simm.s32 $0x880  }
0x11f: {  	[tilespmem:s9], [sflag:$0x1] =	stream.strided.gather [hbm4b:s12+s23], $0x400, s22, s23, $0x38;
	[tilespmem:$0x18080] =	vst v63  }
0x120: {  	s13 =	sadd.s32 $0x6080, s2;
	s14 =	simm.s32 $0xC80  }
0x121: {  	[tilespmem:s14], [sflag:$0x1] =	stream.strided.gather [hbm4b:s13+s23], $0x400, s22, s23, $0x38;
	[tilespmem:$0x18080] =	vst v63  }
0x122: {  	s15 =	sadd.s32 $0xC000, s2;
	s17 =	simm.s32 $0x1080  }
0x123: {  	[tilespmem:s17], [sflag:$0x1] =	stream.strided.gather [hbm4b:s15+s23], $0x400, s22, s23, $0x38;
	[tilespmem:$0x18080] =	vst v63  }
0x124: {  	s10 =	simm.s32 $0x1480;
	s9 =	sadd.s32 $0xC080, s2  }
0x125: {  	[tilespmem:s10], [sflag:$0x1] =	stream.strided.gather [hbm4b:s9+s23], $0x400, s22, s23, $0x38;
	[tilespmem:$0x18080] =	vst v63  }
0x126: {  	s11 =	simm.s32 $0x2080;
	s8 =	sadd.s32 $0x15000, s2  }
0x127: {  	[tilespmem:s11], [sflag:$0x1] =	stream.strided.gather [hbm4b:s8+s23], $0x400, s22, s23, $0x38;
	[tilespmem:$0x18080] =	vst v63  }
0x128: {  	s12 =	sadd.s32 $0x80, s8;
	s10 =	simm.s32 $0x2480  }
0x129: {  	[tilespmem:s10], [sflag:$0x1] =	stream.strided.gather [hbm4b:s12+s23], $0x400, s22, s23, $0x38;
	[tilespmem:$0x18080] =	vst v63  }
0x12a: {  	s13 =	sadd.s32 $0x6000, s8;
	s14 =	simm.s32 $0x2880  }
0x12b: {  	[tilespmem:s14], [sflag:$0x1] =	stream.strided.gather [hbm4b:s13+s23], $0x400, s22, s23, $0x38;
	[tilespmem:$0x18080] =	vst v63  }
0x12c: {  	s15 =	sadd.s32 $0x6080, s8;
	s17 =	simm.s32 $0x2C80  }
0x12d: {  	[tilespmem:s17], [sflag:$0x1] =	stream.strided.gather [hbm4b:s15+s23], $0x400, s22, s23, $0x38;
	[tilespmem:$0x18080] =	vst v63  }
0x12e: {  	s11 =	sadd.s32 $0xC000, s8;
	s12 =	simm.s32 $0x3080  }
0x12f: {  	[tilespmem:s12], [sflag:$0x1] =	stream.strided.gather [hbm4b:s11+s23], $0x400, s22, s23, $0x38;
	[tilespmem:$0x18080] =	vst v63  }
0x130: {  	s8 =	sadd.s32 $0xC080, s8;
	s13 =	simm.s32 $0x3480  }
0x131: {  	[tilespmem:s13], [sflag:$0x1] =	stream.strided.gather [hbm4b:s8+s23], $0x400, s22, s23, $0x38;
	[tilespmem:$0x18080] =	vst v63  }
0x132: {  	s14 =	simm.s32 $0x4080;
	s8 =	sadd.s32 $0x2A000, s2  }
0x133: {  	[tilespmem:s14], [sflag:$0x1] =	stream.strided.gather [hbm4b:s8+s23], $0x400, s22, s23, $0x38;
	[tilespmem:$0x18080] =	vst v63  }
0x134: {  	s17 =	simm.s32 $0x4480;
	s15 =	sadd.s32 $0x80, s8  }
0x135: {  	[tilespmem:s17], [sflag:$0x1] =	stream.strided.gather [hbm4b:s15+s23], $0x400, s22, s23, $0x38;
	[tilespmem:$0x18080] =	vst v63  }
0x136: {  	s11 =	simm.s32 $0x4880;
	s10 =	sadd.s32 $0x6000, s8  }
0x137: {  	[tilespmem:s11], [sflag:$0x1] =	stream.strided.gather [hbm4b:s10+s23], $0x400, s22, s23, $0x38;
	[tilespmem:$0x18080] =	vst v63  }
0x138: {  	s13 =	simm.s32 $0x4C80;
	s12 =	sadd.s32 $0x6080, s8  }
0x139: {  	[tilespmem:s13], [sflag:$0x1] =	stream.strided.gather [hbm4b:s12+s23], $0x400, s22, s23, $0x38;
	[tilespmem:$0x18080] =	vst v63  }
0x13a: {  	s14 =	sadd.s32 $0xC000, s8;
	s15 =	simm.s32 $0x5080  }
0x13b: {  	[tilespmem:s15], [sflag:$0x1] =	stream.strided.gather [hbm4b:s14+s23], $0x400, s22, s23, $0x38;
	[tilespmem:$0x18080] =	vst v63  }
0x13c: {  	s8 =	sadd.s32 $0xC080, s8;
	s17 =	simm.s32 $0x5480  }
0x13d: {  	[tilespmem:s17], [sflag:$0x1] =	stream.strided.gather [hbm4b:s8+s23], $0x400, s22, s23, $0x38;
	[tilespmem:$0x18080] =	vst v63  }
0x13e: {  	s10 =	simm.s32 $0x6080;
	s8 =	sadd.s32 $0x3F000, s2  }
0x13f: {  	[tilespmem:s10], [sflag:$0x1] =	stream.strided.gather [hbm4b:s8+s23], $0x400, s22, s23, $0x38;
	[tilespmem:$0x18080] =	vst v63  }
0x140: {  	s12 =	simm.s32 $0x6480;
	s11 =	sadd.s32 $0x80, s8  }
0x141: {  	[tilespmem:s12], [sflag:$0x1] =	stream.strided.gather [hbm4b:s11+s23], $0x400, s22, s23, $0x38;
	[tilespmem:$0x18080] =	vst v63  }
0x142: {  	s14 =	simm.s32 $0x6880;
	s13 =	sadd.s32 $0x6000, s8  }
0x143: {  	[tilespmem:s14], [sflag:$0x1] =	stream.strided.gather [hbm4b:s13+s23], $0x400, s22, s23, $0x38;
	[tilespmem:$0x18080] =	vst v63  }
0x144: {  	s17 =	simm.s32 $0x6C80;
	s15 =	sadd.s32 $0x6080, s8  }
0x145: {  	[tilespmem:s17], [sflag:$0x1] =	stream.strided.gather [hbm4b:s15+s23], $0x400, s22, s23, $0x38;
	[tilespmem:$0x18080] =	vst v63  }
0x146: {  	s10 =	sadd.s32 $0xC000, s8;
	s11 =	simm.s32 $0x7080  }
0x147: {  	[tilespmem:s11], [sflag:$0x1] =	stream.strided.gather [hbm4b:s10+s23], $0x400, s22, s23, $0x38;
	[tilespmem:$0x18080] =	vst v63  }
0x148: {  	s8 =	sadd.s32 $0xC080, s8;
	s12 =	simm.s32 $0x7480  }
0x149: {  	[tilespmem:s12], [sflag:$0x1] =	stream.strided.gather [hbm4b:s8+s23], $0x400, s22, s23, $0x38;
	[tilespmem:$0x18080] =	vst v63  }
0x14a: {  	s13 =	sadd.s32 $0x12000, s2;
	s14 =	simm.s32 $0x1880  }
0x14b: {  	[tilespmem:s14], [sflag:$0x1] =	stream.strided.gather [hbm4b:s13+s23], $0x200, s22, s23, $0x38;
	[tilespmem:$0x18080] =	vst v63  }
0x14c: {  	s15 =	simm.s32 $0x1C80;
	s8 =	sadd.s32 $0x80, s13  }
0x14d: {  	[tilespmem:s15], [sflag:$0x1] =	stream.strided.gather [hbm4b:s8+s23], $0x200, s22, s23, $0x38;
	[tilespmem:$0x18080] =	vst v63  }
0x14e: {  	s17 =	sadd.s32 $0x27000, s2;
	s10 =	simm.s32 $0x3880  }
0x14f: {  	[tilespmem:s10], [sflag:$0x1] =	stream.strided.gather [hbm4b:s17+s23], $0x200, s22, s23, $0x38;
	[tilespmem:$0x18080] =	vst v63  }
0x150: {  	s11 =	simm.s32 $0x3C80;
	s8 =	sadd.s32 $0x80, s17  }
0x151: {  	[tilespmem:s11], [sflag:$0x1] =	stream.strided.gather [hbm4b:s8+s23], $0x200, s22, s23, $0x38;
	[tilespmem:$0x18080] =	vst v63  }
0x152: {  	s12 =	sadd.s32 $0x3C000, s2;
	s13 =	simm.s32 $0x5880  }
0x153: {  	[tilespmem:s13], [sflag:$0x1] =	stream.strided.gather [hbm4b:s12+s23], $0x200, s22, s23, $0x38;
	[tilespmem:$0x18080] =	vst v63  }
0x154: {  	s14 =	simm.s32 $0x5C80;
	s8 =	sadd.s32 $0x80, s12  }
0x155: {  	[tilespmem:s14], [sflag:$0x1] =	stream.strided.gather [hbm4b:s8+s23], $0x200, s22, s23, $0x38;
	[tilespmem:$0x18080] =	vst v63  }
0x156: {  	s2 =	sadd.s32 $0x51000, s2;
	s15 =	simm.s32 $0x7880  }
0x157: {  	[tilespmem:s15], [sflag:$0x1] =	stream.strided.gather [hbm4b:s2+s23], $0x200, s22, s23, $0x38;
	[tilespmem:$0x18080] =	vst v63  }
0x158: {  	s17 =	simm.s32 $0x7C80;
	s2 =	sadd.s32 $0x80, s2  }
0x159: {  	[tilespmem:s17], [sflag:$0x1] =	stream.strided.gather [hbm4b:s2+s23], $0x200, s22, s23, $0x38;
	[tilespmem:$0x18080] =	vst v63  }
0x15a: {  	_ =	swait.ge [sflag:s16], $0x7000  }
0x15b: {  	s10 =	simm.s32 $0x140B0;
	[sflag:s16] =	ssyncset.done $0x0  }
0x15c: {  	s12 =	simm.s32 $0x0;
	s8 =	simm.s32 $0x0;
	[sflag:s16] =	ssyncadd.s32 $0xFFFF9000  }
.LBB2_6:
0x15d: {  	s2 =	sshll.u32 s12, $0xD  }
0x15e: {  	s2 =	sand.u32 $0x3FFFE000, s2  }
0x15f: {  	s2 =	sadd.s32 $0x8080, s2  }
0x160: {  	[dreg:$0x5] =	wrdreg s2  }
0x161: {  	s9 =	sand.u32 $0x1800, s8;
	s2 =	rddreg [dreg:$0x5]  }
0x162: {  	s2 =	sadd.s32 s9, s2  }
0x163: {  	s9 =	sadd.s32 s25, s2  }
0x164: {  	s14 =	sand.u32 $0x380, s8;
	s9 =	sadd.s32 s24, s9  }
0x165: {  	s9 =	sadd.s32 s14, s9  }
0x166: {  	v0 =	vld [tilespmem:s9+$0x0];
	_ =	sdelay $0x4  }
0x167: {  	[tilespmem:s10+$0xFFFFFFD0] =	vst v0  }
0x168: {  	v0 =	vld [tilespmem:s9+$0x10];
	_ =	sdelay $0x2  }
0x169: {  	s11 =	sadd.s32 s28, s2  }
0x16a: {  	s9 =	sadd.s32 s26, s11  }
0x16b: {  	s9 =	sadd.s32 s14, s9;
	[tilespmem:s10+$0xFFFFFFE0] =	vst v0  }
0x16c: {  	v0 =	vld [tilespmem:s9+$0x0];
	_ =	sdelay $0x2  }
0x16d: {  	s13 =	sadd.s32 s30, s2  }
0x16e: {  	s9 =	sadd.s32 s29, s13  }
0x16f: {  	s9 =	sadd.s32 s14, s9;
	[tilespmem:s10+$0xFFFFFFF0] =	vst v0  }
0x170: {  	v0 =	vld [tilespmem:s9+$0x0];
	_ =	sdelay $0x2  }
0x171: {  	s15 =	sadd.s32 s0, s2  }
0x172: {  	s9 =	sadd.s32 s31, s15  }
0x173: {  	s9 =	sadd.s32 s14, s9;
	[tilespmem:s10+$0x0] =	vst v0  }
0x174: {  	v0 =	vld [tilespmem:s9+$0x0];
	_ =	sdelay $0x2  }
0x175: {  	s17 =	sadd.s32 s3, s2;
	s2 =	simm.s32 $0x100  }
0x176: {  	s11 =	simm.s32 $0x200;
	s13 =	rddreg [dreg:$0x5];
	s9 =	sadd.s32 s1, s17  }
0x177: {  	s15 =	sadd.s32 s14, s9;
	s9 =	simm.s32 $0x0;
	s14 =	smov.u32 s10;
	[tilespmem:s10+$0x10] =	vst v0  }
.LBB2_7:
0x178: {  	v0 =	vld [tilespmem:s15+$0x0]  }
0x179: {  	s17 =	sand.u32 $0x1800, s2  }
0x17a: {  	s13 =	sadd.s32 s17, s13  }
0x17b: {  	s9 =	sadd.s32 $0x80, s9;
	s15 =	sadd.s32 s25, s13  }
0x17c: {  	s17 =	sand.u32 $0x380, s9;
	s15 =	sadd.s32 s24, s15  }
0x17d: {  	s15 =	sadd.s32 s17, s15;
	[tilespmem:s14+$0x20] =	vst v0  }
0x17e: {  	v0 =	vld [tilespmem:s15+$0x0];
	_ =	sdelay $0x3  }
0x17f: {  	s14 =	sadd.s32 $0x80, s14  }
0x180: {  	[tilespmem:s14+$0xFFFFFFD0] =	vst v0  }
0x181: {  	v0 =	vld [tilespmem:s15+$0x10];
	_ =	sdelay $0x2  }
0x182: {  	s15 =	sadd.s32 s28, s13  }
0x183: {  	s15 =	sadd.s32 s26, s15  }
0x184: {  	s15 =	sadd.s32 s17, s15;
	[tilespmem:s14+$0xFFFFFFE0] =	vst v0  }
0x185: {  	v0 =	vld [tilespmem:s15+$0x0];
	_ =	sdelay $0x2  }
0x186: {  	s15 =	sadd.s32 s30, s13  }
0x187: {  	s15 =	sadd.s32 s29, s15  }
0x188: {  	s15 =	sadd.s32 s17, s15;
	[tilespmem:s14+$0xFFFFFFF0] =	vst v0  }
0x189: {  	v0 =	vld [tilespmem:s15+$0x0];
	_ =	sdelay $0x2  }
0x18a: {  	s15 =	sadd.s32 s0, s13  }
0x18b: {  	s15 =	sadd.s32 s31, s15  }
0x18c: {  	s15 =	sadd.s32 s17, s15;
	[tilespmem:s14+$0x0] =	vst v0  }
0x18d: {  	p0 =	sne.s32 s11, $0x1B00;
	v0 =	vld [tilespmem:s15+$0x0]  }
.Ltmp2:
0x18e: {  	_ = 	snop;
	(pc) =	sbr.rel @p0 .LBB2_7-.Ltmp2, $4  }
0x18f: {  	_ = 	snop  }
0x190: {  	s13 =	sadd.s32 s3, s13  }
0x191: {  	s2 =	smov.u32 s11;
	s15 =	sadd.s32 s1, s13  }
0x192: {  	s11 =	sadd.s32 $0x100, s11;
	s13 =	rddreg [dreg:$0x5];
	s15 =	sadd.s32 s17, s15;
	[tilespmem:s14+$0x10] =	vst v0  }
0x193: {  	v0 =	vld [tilespmem:s15+$0x0]  }
0x194: {  	s2 =	sand.u32 $0x1800, s2  }
0x195: {  	s2 =	sadd.s32 s2, s13  }
0x196: {  	s9 =	sadd.s32 $0x80, s9;
	s11 =	sadd.s32 s25, s2  }
0x197: {  	s9 =	sand.u32 $0x380, s9;
	s11 =	sadd.s32 s24, s11  }
0x198: {  	s11 =	sadd.s32 s9, s11;
	[tilespmem:s14+$0x20] =	vst v0  }
0x199: {  	v0 =	vld [tilespmem:s11+$0x0];
	_ =	sdelay $0x3  }
0x19a: {  	s13 =	sadd.s32 $0x80, s14  }
0x19b: {  	[tilespmem:s13+$0xFFFFFFD0] =	vst v0  }
0x19c: {  	v0 =	vld [tilespmem:s11+$0x10];
	_ =	sdelay $0x2  }
0x19d: {  	s14 =	sadd.s32 s28, s2  }
0x19e: {  	s11 =	sadd.s32 s26, s14  }
0x19f: {  	s11 =	sadd.s32 s9, s11;
	[tilespmem:s13+$0xFFFFFFE0] =	vst v0  }
0x1a0: {  	v0 =	vld [tilespmem:s11+$0x0];
	_ =	sdelay $0x2  }
0x1a1: {  	s15 =	sadd.s32 s30, s2  }
0x1a2: {  	s11 =	sadd.s32 s29, s15  }
0x1a3: {  	s11 =	sadd.s32 s9, s11;
	[tilespmem:s13+$0xFFFFFFF0] =	vst v0  }
0x1a4: {  	v0 =	vld [tilespmem:s11+$0x0];
	_ =	sdelay $0x2  }
0x1a5: {  	s17 =	sadd.s32 s0, s2  }
0x1a6: {  	s11 =	sadd.s32 s31, s17  }
0x1a7: {  	s11 =	sadd.s32 s9, s11;
	[tilespmem:s13+$0x0] =	vst v0  }
0x1a8: {  	v0 =	vld [tilespmem:s11+$0x0];
	_ =	sdelay $0x2  }
0x1a9: {  	s2 =	sadd.s32 s3, s2  }
0x1aa: {  	s2 =	sadd.s32 s1, s2  }
0x1ab: {  	s12 =	sadd.s32 $0x1, s12;
	s2 =	sadd.s32 s9, s2;
	[tilespmem:s13+$0x10] =	vst v0  }
0x1ac: {  	p0 =	sne.s32 s12, $0x4;
	v0 =	vld [tilespmem:s2+$0x0]  }
.Ltmp3:
0x1ad: {  	_ = 	snop;
	(pc) =	sbr.rel @p0 .LBB2_6-.Ltmp3, $2  }
0x1ae: {  	_ =	sdelay $0x2  }
0x1af: {  	s10 =	sadd.s32 $0x1000, s10;
	[tilespmem:s13+$0x20] =	vst v0  }
0x1b0: {  	s8 =	rddreg [dreg:$0xf];
	s2 =	simm.s32 $0x14080;
	s9 =	simm.s32 $0x15080  }
0x1b1: {  	[hbm4b:s8+s23] =	stream.strided.scatter [tilespmem:s2], [sflag:$0x4], $0xE00, s7, s23, $0x38;
	[tilespmem:$0x18080] =	vst v63  }
0x1b2: {  	s11 =	simm.s32 $0x16080;
	s14 =	rddreg [dreg:$0x10];
	s17 =	sadd.s32 $0x3800, s8  }
0x1b3: {  	[hbm4b:s17+s23] =	stream.strided.scatter [tilespmem:s9], [sflag:$0x4], $0xE00, s7, s23, $0x38;
	[tilespmem:$0x18080] =	vst v63  }
0x1b4: {  	s13 =	simm.s32 $0x17080;
	s10 =	sadd.s32 $0x7000, s8;
	s2 =	sadd.s32 s4, s14  }
0x1b5: {  	[hbm4b:s10+s23] =	stream.strided.scatter [tilespmem:s11], [sflag:$0x4], $0xE00, s7, s23, $0x38;
	[tilespmem:$0x18080] =	vst v63  }
0x1b6: {  	s15 =	rddreg [dreg:$0x0];
	s12 =	sadd.s32 $0xA800, s8;
	s2 =	sshrl.u32 s2, $0x3  }
0x1b7: {  	[hbm4b:s12+s23] =	stream.strided.scatter [tilespmem:s13], [sflag:$0x4], $0xE00, s7, s23, $0x38;
	[tilespmem:$0x18080] =	vst v63  }
0x1b8: {  	s2 =	sadd.s32 s15, s2;
	s17 =	simm.s32 $0x8080  }
0x1b9: {  	[tilespmem:s17], [sflag:$0x2] =	stream.strided.gather [hbm4b:s2+s23], $0x400, s22, s23, $0x38;
	[tilespmem:$0x18080] =	vst v63  }
0x1ba: {  	s9 =	sadd.s32 $0x80, s2;
	s10 =	simm.s32 $0x8480  }
0x1bb: {  	[tilespmem:s10], [sflag:$0x2] =	stream.strided.gather [hbm4b:s9+s23], $0x400, s22, s23, $0x38;
	[tilespmem:$0x18080] =	vst v63  }
0x1bc: {  	s11 =	sadd.s32 $0x6000, s2;
	s12 =	simm.s32 $0x8880  }
0x1bd: {  	[tilespmem:s12], [sflag:$0x2] =	stream.strided.gather [hbm4b:s11+s23], $0x400, s22, s23, $0x38;
	[tilespmem:$0x18080] =	vst v63  }
0x1be: {  	s14 =	simm.s32 $0x8C80;
	s13 =	sadd.s32 $0x6080, s2  }
0x1bf: {  	[tilespmem:s14], [sflag:$0x2] =	stream.strided.gather [hbm4b:s13+s23], $0x400, s22, s23, $0x38;
	[tilespmem:$0x18080] =	vst v63  }
0x1c0: {  	s15 =	sadd.s32 $0xC000, s2;
	s17 =	simm.s32 $0x9080  }
0x1c1: {  	[tilespmem:s17], [sflag:$0x2] =	stream.strided.gather [hbm4b:s15+s23], $0x400, s22, s23, $0x38;
	[tilespmem:$0x18080] =	vst v63  }
0x1c2: {  	s9 =	sadd.s32 $0xC080, s2;
	s10 =	simm.s32 $0x9480  }
0x1c3: {  	[tilespmem:s10], [sflag:$0x2] =	stream.strided.gather [hbm4b:s9+s23], $0x400, s22, s23, $0x38;
	[tilespmem:$0x18080] =	vst v63  }
0x1c4: {  	s8 =	sadd.s32 $0x15000, s2;
	s11 =	simm.s32 $0xA080  }
0x1c5: {  	[tilespmem:s11], [sflag:$0x2] =	stream.strided.gather [hbm4b:s8+s23], $0x400, s22, s23, $0x38;
	[tilespmem:$0x18080] =	vst v63  }
0x1c6: {  	s12 =	sadd.s32 $0x80, s8;
	s10 =	simm.s32 $0xA480  }
0x1c7: {  	[tilespmem:s10], [sflag:$0x2] =	stream.strided.gather [hbm4b:s12+s23], $0x400, s22, s23, $0x38;
	[tilespmem:$0x18080] =	vst v63  }
0x1c8: {  	s13 =	sadd.s32 $0x6000, s8;
	s14 =	simm.s32 $0xA880  }
0x1c9: {  	[tilespmem:s14], [sflag:$0x2] =	stream.strided.gather [hbm4b:s13+s23], $0x400, s22, s23, $0x38;
	[tilespmem:$0x18080] =	vst v63  }
0x1ca: {  	s15 =	sadd.s32 $0x6080, s8;
	s17 =	simm.s32 $0xAC80  }
0x1cb: {  	[tilespmem:s17], [sflag:$0x2] =	stream.strided.gather [hbm4b:s15+s23], $0x400, s22, s23, $0x38;
	[tilespmem:$0x18080] =	vst v63  }
0x1cc: {  	s11 =	sadd.s32 $0xC000, s8;
	s12 =	simm.s32 $0xB080  }
0x1cd: {  	[tilespmem:s12], [sflag:$0x2] =	stream.strided.gather [hbm4b:s11+s23], $0x400, s22, s23, $0x38;
	[tilespmem:$0x18080] =	vst v63  }
0x1ce: {  	s8 =	sadd.s32 $0xC080, s8;
	s13 =	simm.s32 $0xB480  }
0x1cf: {  	[tilespmem:s13], [sflag:$0x2] =	stream.strided.gather [hbm4b:s8+s23], $0x400, s22, s23, $0x38;
	[tilespmem:$0x18080] =	vst v63  }
0x1d0: {  	s14 =	simm.s32 $0xC080;
	s8 =	sadd.s32 $0x2A000, s2  }
0x1d1: {  	[tilespmem:s14], [sflag:$0x2] =	stream.strided.gather [hbm4b:s8+s23], $0x400, s22, s23, $0x38;
	[tilespmem:$0x18080] =	vst v63  }
0x1d2: {  	s17 =	simm.s32 $0xC480;
	s15 =	sadd.s32 $0x80, s8  }
0x1d3: {  	[tilespmem:s17], [sflag:$0x2] =	stream.strided.gather [hbm4b:s15+s23], $0x400, s22, s23, $0x38;
	[tilespmem:$0x18080] =	vst v63  }
0x1d4: {  	s11 =	simm.s32 $0xC880;
	s10 =	sadd.s32 $0x6000, s8  }
0x1d5: {  	[tilespmem:s11], [sflag:$0x2] =	stream.strided.gather [hbm4b:s10+s23], $0x400, s22, s23, $0x38;
	[tilespmem:$0x18080] =	vst v63  }
0x1d6: {  	s13 =	simm.s32 $0xCC80;
	s12 =	sadd.s32 $0x6080, s8  }
0x1d7: {  	[tilespmem:s13], [sflag:$0x2] =	stream.strided.gather [hbm4b:s12+s23], $0x400, s22, s23, $0x38;
	[tilespmem:$0x18080] =	vst v63  }
0x1d8: {  	s14 =	sadd.s32 $0xC000, s8;
	s15 =	simm.s32 $0xD080  }
0x1d9: {  	[tilespmem:s15], [sflag:$0x2] =	stream.strided.gather [hbm4b:s14+s23], $0x400, s22, s23, $0x38;
	[tilespmem:$0x18080] =	vst v63  }
0x1da: {  	s8 =	sadd.s32 $0xC080, s8;
	s17 =	simm.s32 $0xD480  }
0x1db: {  	[tilespmem:s17], [sflag:$0x2] =	stream.strided.gather [hbm4b:s8+s23], $0x400, s22, s23, $0x38;
	[tilespmem:$0x18080] =	vst v63  }
0x1dc: {  	s10 =	simm.s32 $0xE080;
	s8 =	sadd.s32 $0x3F000, s2  }
0x1dd: {  	[tilespmem:s10], [sflag:$0x2] =	stream.strided.gather [hbm4b:s8+s23], $0x400, s22, s23, $0x38;
	[tilespmem:$0x18080] =	vst v63  }
0x1de: {  	s12 =	simm.s32 $0xE480;
	s11 =	sadd.s32 $0x80, s8  }
0x1df: {  	[tilespmem:s12], [sflag:$0x2] =	stream.strided.gather [hbm4b:s11+s23], $0x400, s22, s23, $0x38;
	[tilespmem:$0x18080] =	vst v63  }
0x1e0: {  	s14 =	simm.s32 $0xE880;
	s13 =	sadd.s32 $0x6000, s8  }
0x1e1: {  	[tilespmem:s14], [sflag:$0x2] =	stream.strided.gather [hbm4b:s13+s23], $0x400, s22, s23, $0x38;
	[tilespmem:$0x18080] =	vst v63  }
0x1e2: {  	s17 =	simm.s32 $0xEC80;
	s15 =	sadd.s32 $0x6080, s8  }
0x1e3: {  	[tilespmem:s17], [sflag:$0x2] =	stream.strided.gather [hbm4b:s15+s23], $0x400, s22, s23, $0x38;
	[tilespmem:$0x18080] =	vst v63  }
0x1e4: {  	s10 =	sadd.s32 $0xC000, s8;
	s11 =	simm.s32 $0xF080  }
0x1e5: {  	[tilespmem:s11], [sflag:$0x2] =	stream.strided.gather [hbm4b:s10+s23], $0x400, s22, s23, $0x38;
	[tilespmem:$0x18080] =	vst v63  }
0x1e6: {  	s8 =	sadd.s32 $0xC080, s8;
	s12 =	simm.s32 $0xF480  }
0x1e7: {  	[tilespmem:s12], [sflag:$0x2] =	stream.strided.gather [hbm4b:s8+s23], $0x400, s22, s23, $0x38;
	[tilespmem:$0x18080] =	vst v63  }
0x1e8: {  	s13 =	sadd.s32 $0x12000, s2;
	s14 =	simm.s32 $0x9880  }
0x1e9: {  	[tilespmem:s14], [sflag:$0x2] =	stream.strided.gather [hbm4b:s13+s23], $0x200, s22, s23, $0x38;
	[tilespmem:$0x18080] =	vst v63  }
0x1ea: {  	s15 =	simm.s32 $0x9C80;
	s8 =	sadd.s32 $0x80, s13  }
0x1eb: {  	[tilespmem:s15], [sflag:$0x2] =	stream.strided.gather [hbm4b:s8+s23], $0x200, s22, s23, $0x38;
	[tilespmem:$0x18080] =	vst v63  }
0x1ec: {  	s17 =	sadd.s32 $0x27000, s2;
	s10 =	simm.s32 $0xB880  }
0x1ed: {  	[tilespmem:s10], [sflag:$0x2] =	stream.strided.gather [hbm4b:s17+s23], $0x200, s22, s23, $0x38;
	[tilespmem:$0x18080] =	vst v63  }
0x1ee: {  	s11 =	simm.s32 $0xBC80;
	s8 =	sadd.s32 $0x80, s17  }
0x1ef: {  	[tilespmem:s11], [sflag:$0x2] =	stream.strided.gather [hbm4b:s8+s23], $0x200, s22, s23, $0x38;
	[tilespmem:$0x18080] =	vst v63  }
0x1f0: {  	s12 =	sadd.s32 $0x3C000, s2;
	s13 =	simm.s32 $0xD880  }
0x1f1: {  	[tilespmem:s13], [sflag:$0x2] =	stream.strided.gather [hbm4b:s12+s23], $0x200, s22, s23, $0x38;
	[tilespmem:$0x18080] =	vst v63  }
0x1f2: {  	s14 =	simm.s32 $0xDC80;
	s8 =	sadd.s32 $0x80, s12  }
0x1f3: {  	[tilespmem:s14], [sflag:$0x2] =	stream.strided.gather [hbm4b:s8+s23], $0x200, s22, s23, $0x38;
	[tilespmem:$0x18080] =	vst v63  }
0x1f4: {  	s2 =	sadd.s32 $0x51000, s2;
	s15 =	simm.s32 $0xF880  }
0x1f5: {  	[tilespmem:s15], [sflag:$0x2] =	stream.strided.gather [hbm4b:s2+s23], $0x200, s22, s23, $0x38;
	[tilespmem:$0x18080] =	vst v63  }
0x1f6: {  	s17 =	simm.s32 $0xFC80;
	s2 =	sadd.s32 $0x80, s2  }
0x1f7: {  	[tilespmem:s17], [sflag:$0x2] =	stream.strided.gather [hbm4b:s2+s23], $0x200, s22, s23, $0x38;
	[tilespmem:$0x18080] =	vst v63  }
0x1f8: {  	_ =	swait.ge [sflag:s21], $0x7000  }
0x1f9: {  	[sflag:s21] =	ssyncset.done $0x0  }
0x1fa: {  	[sflag:s21] =	ssyncadd.s32 $0xFFFF9000  }
0x1fb: {  	_ =	swait.ge [sflag:s19], $0x3800  }
0x1fc: {  	s10 =	simm.s32 $0x100B0;
	[sflag:s19] =	ssyncset.done $0x0  }
0x1fd: {  	s12 =	simm.s32 $0x0;
	s8 =	simm.s32 $0x0;
	[sflag:s19] =	ssyncadd.s32 $0xFFFFC800  }
.LBB2_10:
0x1fe: {  	s2 =	sshll.u32 s12, $0xD  }
0x1ff: {  	s2 =	sand.u32 $0x3FFFE000, s2  }
0x200: {  	s2 =	sor.u32 $0x80, s2  }
0x201: {  	[dreg:$0x6] =	wrdreg s2  }
0x202: {  	s9 =	sand.u32 $0x1800, s8;
	s2 =	rddreg [dreg:$0x6]  }
0x203: {  	s2 =	sadd.s32 s9, s2  }
0x204: {  	s9 =	sadd.s32 s25, s2  }
0x205: {  	s14 =	sand.u32 $0x380, s8;
	s9 =	sadd.s32 s24, s9  }
0x206: {  	s9 =	sadd.s32 s14, s9  }
0x207: {  	v0 =	vld [tilespmem:s9+$0x0];
	_ =	sdelay $0x4  }
0x208: {  	[tilespmem:s10+$0xFFFFFFD0] =	vst v0  }
0x209: {  	v0 =	vld [tilespmem:s9+$0x10];
	_ =	sdelay $0x2  }
0x20a: {  	s11 =	sadd.s32 s28, s2  }
0x20b: {  	s9 =	sadd.s32 s26, s11  }
0x20c: {  	s9 =	sadd.s32 s14, s9;
	[tilespmem:s10+$0xFFFFFFE0] =	vst v0  }
0x20d: {  	v0 =	vld [tilespmem:s9+$0x0];
	_ =	sdelay $0x2  }
0x20e: {  	s13 =	sadd.s32 s30, s2  }
0x20f: {  	s9 =	sadd.s32 s29, s13  }
0x210: {  	s9 =	sadd.s32 s14, s9;
	[tilespmem:s10+$0xFFFFFFF0] =	vst v0  }
0x211: {  	v0 =	vld [tilespmem:s9+$0x0];
	_ =	sdelay $0x2  }
0x212: {  	s15 =	sadd.s32 s0, s2  }
0x213: {  	s9 =	sadd.s32 s31, s15  }
0x214: {  	s9 =	sadd.s32 s14, s9;
	[tilespmem:s10+$0x0] =	vst v0  }
0x215: {  	v0 =	vld [tilespmem:s9+$0x0];
	_ =	sdelay $0x2  }
0x216: {  	s17 =	sadd.s32 s3, s2;
	s2 =	simm.s32 $0x100  }
0x217: {  	s11 =	simm.s32 $0x200;
	s13 =	rddreg [dreg:$0x6];
	s9 =	sadd.s32 s1, s17  }
0x218: {  	s15 =	sadd.s32 s14, s9;
	s9 =	simm.s32 $0x0;
	s14 =	smov.u32 s10;
	[tilespmem:s10+$0x10] =	vst v0  }
.LBB2_11:
0x219: {  	v0 =	vld [tilespmem:s15+$0x0]  }
0x21a: {  	s17 =	sand.u32 $0x1800, s2  }
0x21b: {  	s13 =	sadd.s32 s17, s13  }
0x21c: {  	s9 =	sadd.s32 $0x80, s9;
	s15 =	sadd.s32 s25, s13  }
0x21d: {  	s17 =	sand.u32 $0x380, s9;
	s15 =	sadd.s32 s24, s15  }
0x21e: {  	s15 =	sadd.s32 s17, s15;
	[tilespmem:s14+$0x20] =	vst v0  }
0x21f: {  	v0 =	vld [tilespmem:s15+$0x0];
	_ =	sdelay $0x3  }
0x220: {  	s14 =	sadd.s32 $0x80, s14  }
0x221: {  	[tilespmem:s14+$0xFFFFFFD0] =	vst v0  }
0x222: {  	v0 =	vld [tilespmem:s15+$0x10];
	_ =	sdelay $0x2  }
0x223: {  	s15 =	sadd.s32 s28, s13  }
0x224: {  	s15 =	sadd.s32 s26, s15  }
0x225: {  	s15 =	sadd.s32 s17, s15;
	[tilespmem:s14+$0xFFFFFFE0] =	vst v0  }
0x226: {  	v0 =	vld [tilespmem:s15+$0x0];
	_ =	sdelay $0x2  }
0x227: {  	s15 =	sadd.s32 s30, s13  }
0x228: {  	s15 =	sadd.s32 s29, s15  }
0x229: {  	s15 =	sadd.s32 s17, s15;
	[tilespmem:s14+$0xFFFFFFF0] =	vst v0  }
0x22a: {  	v0 =	vld [tilespmem:s15+$0x0];
	_ =	sdelay $0x2  }
0x22b: {  	s15 =	sadd.s32 s0, s13  }
0x22c: {  	s15 =	sadd.s32 s31, s15  }
0x22d: {  	s15 =	sadd.s32 s17, s15;
	[tilespmem:s14+$0x0] =	vst v0  }
0x22e: {  	p0 =	sne.s32 s11, $0x1B00;
	v0 =	vld [tilespmem:s15+$0x0]  }
.Ltmp4:
0x22f: {  	_ = 	snop;
	(pc) =	sbr.rel @p0 .LBB2_11-.Ltmp4, $4  }
0x230: {  	_ = 	snop  }
0x231: {  	s13 =	sadd.s32 s3, s13  }
0x232: {  	s2 =	smov.u32 s11;
	s15 =	sadd.s32 s1, s13  }
0x233: {  	s11 =	sadd.s32 $0x100, s11;
	s13 =	rddreg [dreg:$0x6];
	s15 =	sadd.s32 s17, s15;
	[tilespmem:s14+$0x10] =	vst v0  }
0x234: {  	v0 =	vld [tilespmem:s15+$0x0]  }
0x235: {  	s2 =	sand.u32 $0x1800, s2  }
0x236: {  	s2 =	sadd.s32 s2, s13  }
0x237: {  	s9 =	sadd.s32 $0x80, s9;
	s11 =	sadd.s32 s25, s2  }
0x238: {  	s9 =	sand.u32 $0x380, s9;
	s11 =	sadd.s32 s24, s11  }
0x239: {  	s11 =	sadd.s32 s9, s11;
	[tilespmem:s14+$0x20] =	vst v0  }
0x23a: {  	v0 =	vld [tilespmem:s11+$0x0];
	_ =	sdelay $0x3  }
0x23b: {  	s13 =	sadd.s32 $0x80, s14  }
0x23c: {  	[tilespmem:s13+$0xFFFFFFD0] =	vst v0  }
0x23d: {  	v0 =	vld [tilespmem:s11+$0x10];
	_ =	sdelay $0x2  }
0x23e: {  	s14 =	sadd.s32 s28, s2  }
0x23f: {  	s11 =	sadd.s32 s26, s14  }
0x240: {  	s11 =	sadd.s32 s9, s11;
	[tilespmem:s13+$0xFFFFFFE0] =	vst v0  }
0x241: {  	v0 =	vld [tilespmem:s11+$0x0];
	_ =	sdelay $0x2  }
0x242: {  	s15 =	sadd.s32 s30, s2  }
0x243: {  	s11 =	sadd.s32 s29, s15  }
0x244: {  	s11 =	sadd.s32 s9, s11;
	[tilespmem:s13+$0xFFFFFFF0] =	vst v0  }
0x245: {  	v0 =	vld [tilespmem:s11+$0x0];
	_ =	sdelay $0x2  }
0x246: {  	s17 =	sadd.s32 s0, s2  }
0x247: {  	s11 =	sadd.s32 s31, s17  }
0x248: {  	s11 =	sadd.s32 s9, s11;
	[tilespmem:s13+$0x0] =	vst v0  }
0x249: {  	v0 =	vld [tilespmem:s11+$0x0];
	_ =	sdelay $0x2  }
0x24a: {  	s2 =	sadd.s32 s3, s2  }
0x24b: {  	s2 =	sadd.s32 s1, s2  }
0x24c: {  	s12 =	sadd.s32 $0x1, s12;
	s2 =	sadd.s32 s9, s2;
	[tilespmem:s13+$0x10] =	vst v0  }
0x24d: {  	p0 =	sne.s32 s12, $0x4;
	v0 =	vld [tilespmem:s2+$0x0]  }
.Ltmp5:
0x24e: {  	_ = 	snop;
	(pc) =	sbr.rel @p0 .LBB2_10-.Ltmp5, $2  }
0x24f: {  	_ =	sdelay $0x2  }
0x250: {  	s10 =	sadd.s32 $0x1000, s10;
	[tilespmem:s13+$0x20] =	vst v0  }
0x251: {  	s8 =	rddreg [dreg:$0x11];
	s2 =	simm.s32 $0x10080  }
0x252: {  	[hbm4b:s8+s23] =	stream.strided.scatter [tilespmem:s2], [sflag:$0x3], $0xE00, s7, s23, $0x38;
	[tilespmem:$0x18080] =	vst v63  }
0x253: {  	s9 =	simm.s32 $0x11080;
	s12 =	sadd.s32 $0x3800, s8  }
0x254: {  	s13 =	sadd.s32 $0x7000, s8;
	s15 =	sadd.s32 $0xA800, s8;
	s8 =	rddreg [dreg:$0x12]  }
0x255: {  	[hbm4b:s12+s23] =	stream.strided.scatter [tilespmem:s9], [sflag:$0x3], $0xE00, s7, s23, $0x38;
	[tilespmem:$0x18080] =	vst v63  }
0x256: {  	s14 =	simm.s32 $0x12080;
	s2 =	sadd.s32 s4, s8  }
0x257: {  	[hbm4b:s13+s23] =	stream.strided.scatter [tilespmem:s14], [sflag:$0x3], $0xE00, s7, s23, $0x38;
	[tilespmem:$0x18080] =	vst v63  }
0x258: {  	s17 =	simm.s32 $0x13080;
	s2 =	sshrl.u32 s2, $0x3;
	s9 =	rddreg [dreg:$0x0]  }
0x259: {  	[hbm4b:s15+s23] =	stream.strided.scatter [tilespmem:s17], [sflag:$0x3], $0xE00, s7, s23, $0x38;
	[tilespmem:$0x18080] =	vst v63  }
0x25a: {  	s2 =	sadd.s32 s9, s2  }
0x25b: {  	[tilespmem:s23], [sflag:$0x1] =	stream.strided.gather [hbm4b:s2+s23], $0x400, s22, s23, $0x38;
	[tilespmem:$0x18080] =	vst v63  }
0x25c: {  	s10 =	simm.s32 $0x480;
	s8 =	sadd.s32 $0x80, s2  }
0x25d: {  	[tilespmem:s10], [sflag:$0x1] =	stream.strided.gather [hbm4b:s8+s23], $0x400, s22, s23, $0x38;
	[tilespmem:$0x18080] =	vst v63  }
0x25e: {  	s12 =	simm.s32 $0x880;
	s11 =	sadd.s32 $0x6000, s2  }
0x25f: {  	[tilespmem:s12], [sflag:$0x1] =	stream.strided.gather [hbm4b:s11+s23], $0x400, s22, s23, $0x38;
	[tilespmem:$0x18080] =	vst v63  }
0x260: {  	s13 =	sadd.s32 $0x6080, s2;
	s14 =	simm.s32 $0xC80  }
0x261: {  	[tilespmem:s14], [sflag:$0x1] =	stream.strided.gather [hbm4b:s13+s23], $0x400, s22, s23, $0x38;
	[tilespmem:$0x18080] =	vst v63  }
0x262: {  	s15 =	sadd.s32 $0xC000, s2;
	s17 =	simm.s32 $0x1080  }
0x263: {  	[tilespmem:s17], [sflag:$0x1] =	stream.strided.gather [hbm4b:s15+s23], $0x400, s22, s23, $0x38;
	[tilespmem:$0x18080] =	vst v63  }
0x264: {  	s9 =	sadd.s32 $0xC080, s2;
	s10 =	simm.s32 $0x1480  }
0x265: {  	[tilespmem:s10], [sflag:$0x1] =	stream.strided.gather [hbm4b:s9+s23], $0x400, s22, s23, $0x38;
	[tilespmem:$0x18080] =	vst v63  }
0x266: {  	s8 =	sadd.s32 $0x15000, s2;
	s11 =	simm.s32 $0x2080  }
0x267: {  	[tilespmem:s11], [sflag:$0x1] =	stream.strided.gather [hbm4b:s8+s23], $0x400, s22, s23, $0x38;
	[tilespmem:$0x18080] =	vst v63  }
0x268: {  	s12 =	sadd.s32 $0x80, s8;
	s10 =	simm.s32 $0x2480  }
0x269: {  	[tilespmem:s10], [sflag:$0x1] =	stream.strided.gather [hbm4b:s12+s23], $0x400, s22, s23, $0x38;
	[tilespmem:$0x18080] =	vst v63  }
0x26a: {  	s13 =	sadd.s32 $0x6000, s8;
	s14 =	simm.s32 $0x2880  }
0x26b: {  	[tilespmem:s14], [sflag:$0x1] =	stream.strided.gather [hbm4b:s13+s23], $0x400, s22, s23, $0x38;
	[tilespmem:$0x18080] =	vst v63  }
0x26c: {  	s15 =	sadd.s32 $0x6080, s8;
	s17 =	simm.s32 $0x2C80  }
0x26d: {  	[tilespmem:s17], [sflag:$0x1] =	stream.strided.gather [hbm4b:s15+s23], $0x400, s22, s23, $0x38;
	[tilespmem:$0x18080] =	vst v63  }
0x26e: {  	s11 =	sadd.s32 $0xC000, s8;
	s12 =	simm.s32 $0x3080  }
0x26f: {  	[tilespmem:s12], [sflag:$0x1] =	stream.strided.gather [hbm4b:s11+s23], $0x400, s22, s23, $0x38;
	[tilespmem:$0x18080] =	vst v63  }
0x270: {  	s8 =	sadd.s32 $0xC080, s8;
	s13 =	simm.s32 $0x3480  }
0x271: {  	[tilespmem:s13], [sflag:$0x1] =	stream.strided.gather [hbm4b:s8+s23], $0x400, s22, s23, $0x38;
	[tilespmem:$0x18080] =	vst v63  }
0x272: {  	s14 =	simm.s32 $0x4080;
	s8 =	sadd.s32 $0x2A000, s2  }
0x273: {  	[tilespmem:s14], [sflag:$0x1] =	stream.strided.gather [hbm4b:s8+s23], $0x400, s22, s23, $0x38;
	[tilespmem:$0x18080] =	vst v63  }
0x274: {  	s17 =	simm.s32 $0x4480;
	s15 =	sadd.s32 $0x80, s8  }
0x275: {  	[tilespmem:s17], [sflag:$0x1] =	stream.strided.gather [hbm4b:s15+s23], $0x400, s22, s23, $0x38;
	[tilespmem:$0x18080] =	vst v63  }
0x276: {  	s11 =	simm.s32 $0x4880;
	s10 =	sadd.s32 $0x6000, s8  }
0x277: {  	[tilespmem:s11], [sflag:$0x1] =	stream.strided.gather [hbm4b:s10+s23], $0x400, s22, s23, $0x38;
	[tilespmem:$0x18080] =	vst v63  }
0x278: {  	s13 =	simm.s32 $0x4C80;
	s12 =	sadd.s32 $0x6080, s8  }
0x279: {  	[tilespmem:s13], [sflag:$0x1] =	stream.strided.gather [hbm4b:s12+s23], $0x400, s22, s23, $0x38;
	[tilespmem:$0x18080] =	vst v63  }
0x27a: {  	s14 =	sadd.s32 $0xC000, s8;
	s15 =	simm.s32 $0x5080  }
0x27b: {  	[tilespmem:s15], [sflag:$0x1] =	stream.strided.gather [hbm4b:s14+s23], $0x400, s22, s23, $0x38;
	[tilespmem:$0x18080] =	vst v63  }
0x27c: {  	s8 =	sadd.s32 $0xC080, s8;
	s17 =	simm.s32 $0x5480  }
0x27d: {  	[tilespmem:s17], [sflag:$0x1] =	stream.strided.gather [hbm4b:s8+s23], $0x400, s22, s23, $0x38;
	[tilespmem:$0x18080] =	vst v63  }
0x27e: {  	s10 =	simm.s32 $0x6080;
	s8 =	sadd.s32 $0x3F000, s2  }
0x27f: {  	[tilespmem:s10], [sflag:$0x1] =	stream.strided.gather [hbm4b:s8+s23], $0x400, s22, s23, $0x38;
	[tilespmem:$0x18080] =	vst v63  }
0x280: {  	s12 =	simm.s32 $0x6480;
	s11 =	sadd.s32 $0x80, s8  }
0x281: {  	[tilespmem:s12], [sflag:$0x1] =	stream.strided.gather [hbm4b:s11+s23], $0x400, s22, s23, $0x38;
	[tilespmem:$0x18080] =	vst v63  }
0x282: {  	s14 =	simm.s32 $0x6880;
	s13 =	sadd.s32 $0x6000, s8  }
0x283: {  	[tilespmem:s14], [sflag:$0x1] =	stream.strided.gather [hbm4b:s13+s23], $0x400, s22, s23, $0x38;
	[tilespmem:$0x18080] =	vst v63  }
0x284: {  	s17 =	simm.s32 $0x6C80;
	s15 =	sadd.s32 $0x6080, s8  }
0x285: {  	[tilespmem:s17], [sflag:$0x1] =	stream.strided.gather [hbm4b:s15+s23], $0x400, s22, s23, $0x38;
	[tilespmem:$0x18080] =	vst v63  }
0x286: {  	s10 =	sadd.s32 $0xC000, s8;
	s11 =	simm.s32 $0x7080  }
0x287: {  	[tilespmem:s11], [sflag:$0x1] =	stream.strided.gather [hbm4b:s10+s23], $0x400, s22, s23, $0x38;
	[tilespmem:$0x18080] =	vst v63  }
0x288: {  	s8 =	sadd.s32 $0xC080, s8;
	s12 =	simm.s32 $0x7480  }
0x289: {  	[tilespmem:s12], [sflag:$0x1] =	stream.strided.gather [hbm4b:s8+s23], $0x400, s22, s23, $0x38;
	[tilespmem:$0x18080] =	vst v63  }
0x28a: {  	s13 =	sadd.s32 $0x12000, s2;
	s14 =	simm.s32 $0x1880  }
0x28b: {  	[tilespmem:s14], [sflag:$0x1] =	stream.strided.gather [hbm4b:s13+s23], $0x200, s22, s23, $0x38;
	[tilespmem:$0x18080] =	vst v63  }
0x28c: {  	s15 =	simm.s32 $0x1C80;
	s8 =	sadd.s32 $0x80, s13  }
0x28d: {  	[tilespmem:s15], [sflag:$0x1] =	stream.strided.gather [hbm4b:s8+s23], $0x200, s22, s23, $0x38;
	[tilespmem:$0x18080] =	vst v63  }
0x28e: {  	s17 =	sadd.s32 $0x27000, s2;
	s10 =	simm.s32 $0x3880  }
0x28f: {  	[tilespmem:s10], [sflag:$0x1] =	stream.strided.gather [hbm4b:s17+s23], $0x200, s22, s23, $0x38;
	[tilespmem:$0x18080] =	vst v63  }
0x290: {  	s11 =	simm.s32 $0x3C80;
	s8 =	sadd.s32 $0x80, s17  }
0x291: {  	[tilespmem:s11], [sflag:$0x1] =	stream.strided.gather [hbm4b:s8+s23], $0x200, s22, s23, $0x38;
	[tilespmem:$0x18080] =	vst v63  }
0x292: {  	s12 =	sadd.s32 $0x3C000, s2;
	s13 =	simm.s32 $0x5880  }
0x293: {  	[tilespmem:s13], [sflag:$0x1] =	stream.strided.gather [hbm4b:s12+s23], $0x200, s22, s23, $0x38;
	[tilespmem:$0x18080] =	vst v63  }
0x294: {  	s14 =	simm.s32 $0x5C80;
	s8 =	sadd.s32 $0x80, s12  }
0x295: {  	[tilespmem:s14], [sflag:$0x1] =	stream.strided.gather [hbm4b:s8+s23], $0x200, s22, s23, $0x38;
	[tilespmem:$0x18080] =	vst v63  }
0x296: {  	s2 =	sadd.s32 $0x51000, s2;
	s15 =	simm.s32 $0x7880  }
0x297: {  	[tilespmem:s15], [sflag:$0x1] =	stream.strided.gather [hbm4b:s2+s23], $0x200, s22, s23, $0x38;
	[tilespmem:$0x18080] =	vst v63  }
0x298: {  	s17 =	simm.s32 $0x7C80;
	s2 =	sadd.s32 $0x80, s2  }
0x299: {  	[tilespmem:s17], [sflag:$0x1] =	stream.strided.gather [hbm4b:s2+s23], $0x200, s22, s23, $0x38;
	[tilespmem:$0x18080] =	vst v63  }
0x29a: {  	_ =	swait.ge [sflag:s16], $0x7000  }
0x29b: {  	[sflag:s16] =	ssyncset.done $0x0  }
0x29c: {  	[sflag:s16] =	ssyncadd.s32 $0xFFFF9000  }
0x29d: {  	_ =	swait.ge [sflag:s5], $0x3800  }
0x29e: {  	s10 =	simm.s32 $0x140B0;
	[sflag:s5] =	ssyncset.done $0x0  }
0x29f: {  	s12 =	simm.s32 $0x0;
	s8 =	simm.s32 $0x0;
	[sflag:s5] =	ssyncadd.s32 $0xFFFFC800  }
.LBB2_14:
0x2a0: {  	s2 =	sshll.u32 s12, $0xD  }
0x2a1: {  	s2 =	sand.u32 $0x3FFFE000, s2  }
0x2a2: {  	s2 =	sadd.s32 $0x8080, s2  }
0x2a3: {  	[dreg:$0x7] =	wrdreg s2  }
0x2a4: {  	s9 =	sand.u32 $0x1800, s8;
	s2 =	rddreg [dreg:$0x7]  }
0x2a5: {  	s2 =	sadd.s32 s9, s2  }
0x2a6: {  	s9 =	sadd.s32 s25, s2  }
0x2a7: {  	s14 =	sand.u32 $0x380, s8;
	s9 =	sadd.s32 s24, s9  }
0x2a8: {  	s9 =	sadd.s32 s14, s9  }
0x2a9: {  	v0 =	vld [tilespmem:s9+$0x0];
	_ =	sdelay $0x4  }
0x2aa: {  	[tilespmem:s10+$0xFFFFFFD0] =	vst v0  }
0x2ab: {  	v0 =	vld [tilespmem:s9+$0x10];
	_ =	sdelay $0x2  }
0x2ac: {  	s11 =	sadd.s32 s28, s2  }
0x2ad: {  	s9 =	sadd.s32 s26, s11  }
0x2ae: {  	s9 =	sadd.s32 s14, s9;
	[tilespmem:s10+$0xFFFFFFE0] =	vst v0  }
0x2af: {  	v0 =	vld [tilespmem:s9+$0x0];
	_ =	sdelay $0x2  }
0x2b0: {  	s13 =	sadd.s32 s30, s2  }
0x2b1: {  	s9 =	sadd.s32 s29, s13  }
0x2b2: {  	s9 =	sadd.s32 s14, s9;
	[tilespmem:s10+$0xFFFFFFF0] =	vst v0  }
0x2b3: {  	v0 =	vld [tilespmem:s9+$0x0];
	_ =	sdelay $0x2  }
0x2b4: {  	s15 =	sadd.s32 s0, s2  }
0x2b5: {  	s9 =	sadd.s32 s31, s15  }
0x2b6: {  	s9 =	sadd.s32 s14, s9;
	[tilespmem:s10+$0x0] =	vst v0  }
0x2b7: {  	v0 =	vld [tilespmem:s9+$0x0];
	_ =	sdelay $0x2  }
0x2b8: {  	s17 =	sadd.s32 s3, s2;
	s2 =	simm.s32 $0x100  }
0x2b9: {  	s11 =	simm.s32 $0x200;
	s13 =	rddreg [dreg:$0x7];
	s9 =	sadd.s32 s1, s17  }
0x2ba: {  	s15 =	sadd.s32 s14, s9;
	s9 =	simm.s32 $0x0;
	s14 =	smov.u32 s10;
	[tilespmem:s10+$0x10] =	vst v0  }
.LBB2_15:
0x2bb: {  	v0 =	vld [tilespmem:s15+$0x0]  }
0x2bc: {  	s17 =	sand.u32 $0x1800, s2  }
0x2bd: {  	s13 =	sadd.s32 s17, s13  }
0x2be: {  	s9 =	sadd.s32 $0x80, s9;
	s15 =	sadd.s32 s25, s13  }
0x2bf: {  	s17 =	sand.u32 $0x380, s9;
	s15 =	sadd.s32 s24, s15  }
0x2c0: {  	s15 =	sadd.s32 s17, s15;
	[tilespmem:s14+$0x20] =	vst v0  }
0x2c1: {  	v0 =	vld [tilespmem:s15+$0x0];
	_ =	sdelay $0x3  }
0x2c2: {  	s14 =	sadd.s32 $0x80, s14  }
0x2c3: {  	[tilespmem:s14+$0xFFFFFFD0] =	vst v0  }
0x2c4: {  	v0 =	vld [tilespmem:s15+$0x10];
	_ =	sdelay $0x2  }
0x2c5: {  	s15 =	sadd.s32 s28, s13  }
0x2c6: {  	s15 =	sadd.s32 s26, s15  }
0x2c7: {  	s15 =	sadd.s32 s17, s15;
	[tilespmem:s14+$0xFFFFFFE0] =	vst v0  }
0x2c8: {  	v0 =	vld [tilespmem:s15+$0x0];
	_ =	sdelay $0x2  }
0x2c9: {  	s15 =	sadd.s32 s30, s13  }
0x2ca: {  	s15 =	sadd.s32 s29, s15  }
0x2cb: {  	s15 =	sadd.s32 s17, s15;
	[tilespmem:s14+$0xFFFFFFF0] =	vst v0  }
0x2cc: {  	v0 =	vld [tilespmem:s15+$0x0];
	_ =	sdelay $0x2  }
0x2cd: {  	s15 =	sadd.s32 s0, s13  }
0x2ce: {  	s15 =	sadd.s32 s31, s15  }
0x2cf: {  	s15 =	sadd.s32 s17, s15;
	[tilespmem:s14+$0x0] =	vst v0  }
0x2d0: {  	p0 =	sne.s32 s11, $0x1B00;
	v0 =	vld [tilespmem:s15+$0x0]  }
.Ltmp6:
0x2d1: {  	_ = 	snop;
	(pc) =	sbr.rel @p0 .LBB2_15-.Ltmp6, $4  }
0x2d2: {  	_ = 	snop  }
0x2d3: {  	s13 =	sadd.s32 s3, s13  }
0x2d4: {  	s2 =	smov.u32 s11;
	s15 =	sadd.s32 s1, s13  }
0x2d5: {  	s11 =	sadd.s32 $0x100, s11;
	s13 =	rddreg [dreg:$0x7];
	s15 =	sadd.s32 s17, s15;
	[tilespmem:s14+$0x10] =	vst v0  }
0x2d6: {  	v0 =	vld [tilespmem:s15+$0x0]  }
0x2d7: {  	s2 =	sand.u32 $0x1800, s2  }
0x2d8: {  	s2 =	sadd.s32 s2, s13  }
0x2d9: {  	s9 =	sadd.s32 $0x80, s9;
	s11 =	sadd.s32 s25, s2  }
0x2da: {  	s9 =	sand.u32 $0x380, s9;
	s11 =	sadd.s32 s24, s11  }
0x2db: {  	s11 =	sadd.s32 s9, s11;
	[tilespmem:s14+$0x20] =	vst v0  }
0x2dc: {  	v0 =	vld [tilespmem:s11+$0x0];
	_ =	sdelay $0x3  }
0x2dd: {  	s13 =	sadd.s32 $0x80, s14  }
0x2de: {  	[tilespmem:s13+$0xFFFFFFD0] =	vst v0  }
0x2df: {  	v0 =	vld [tilespmem:s11+$0x10];
	_ =	sdelay $0x2  }
0x2e0: {  	s14 =	sadd.s32 s28, s2  }
0x2e1: {  	s11 =	sadd.s32 s26, s14  }
0x2e2: {  	s11 =	sadd.s32 s9, s11;
	[tilespmem:s13+$0xFFFFFFE0] =	vst v0  }
0x2e3: {  	v0 =	vld [tilespmem:s11+$0x0];
	_ =	sdelay $0x2  }
0x2e4: {  	s15 =	sadd.s32 s30, s2  }
0x2e5: {  	s11 =	sadd.s32 s29, s15  }
0x2e6: {  	s11 =	sadd.s32 s9, s11;
	[tilespmem:s13+$0xFFFFFFF0] =	vst v0  }
0x2e7: {  	v0 =	vld [tilespmem:s11+$0x0];
	_ =	sdelay $0x2  }
0x2e8: {  	s17 =	sadd.s32 s0, s2  }
0x2e9: {  	s11 =	sadd.s32 s31, s17  }
0x2ea: {  	s11 =	sadd.s32 s9, s11;
	[tilespmem:s13+$0x0] =	vst v0  }
0x2eb: {  	v0 =	vld [tilespmem:s11+$0x0];
	_ =	sdelay $0x2  }
0x2ec: {  	s2 =	sadd.s32 s3, s2  }
0x2ed: {  	s2 =	sadd.s32 s1, s2  }
0x2ee: {  	s12 =	sadd.s32 $0x1, s12;
	s2 =	sadd.s32 s9, s2;
	[tilespmem:s13+$0x10] =	vst v0  }
0x2ef: {  	p0 =	sne.s32 s12, $0x4;
	v0 =	vld [tilespmem:s2+$0x0]  }
.Ltmp7:
0x2f0: {  	_ = 	snop;
	(pc) =	sbr.rel @p0 .LBB2_14-.Ltmp7, $2  }
0x2f1: {  	_ =	sdelay $0x2  }
0x2f2: {  	s10 =	sadd.s32 $0x1000, s10;
	[tilespmem:s13+$0x20] =	vst v0  }
0x2f3: {  	s8 =	rddreg [dreg:$0x13];
	s2 =	simm.s32 $0x14080;
	s9 =	simm.s32 $0x15080  }
0x2f4: {  	[hbm4b:s8+s23] =	stream.strided.scatter [tilespmem:s2], [sflag:$0x4], $0xE00, s7, s23, $0x38;
	[tilespmem:$0x18080] =	vst v63  }
0x2f5: {  	s11 =	simm.s32 $0x16080;
	s14 =	rddreg [dreg:$0x14];
	s17 =	sadd.s32 $0x3800, s8  }
0x2f6: {  	[hbm4b:s17+s23] =	stream.strided.scatter [tilespmem:s9], [sflag:$0x4], $0xE00, s7, s23, $0x38;
	[tilespmem:$0x18080] =	vst v63  }
0x2f7: {  	s13 =	simm.s32 $0x17080;
	s10 =	sadd.s32 $0x7000, s8;
	s2 =	sadd.s32 s4, s14  }
0x2f8: {  	[hbm4b:s10+s23] =	stream.strided.scatter [tilespmem:s11], [sflag:$0x4], $0xE00, s7, s23, $0x38;
	[tilespmem:$0x18080] =	vst v63  }
0x2f9: {  	s15 =	rddreg [dreg:$0x0];
	s12 =	sadd.s32 $0xA800, s8;
	s2 =	sshrl.u32 s2, $0x3  }
0x2fa: {  	[hbm4b:s12+s23] =	stream.strided.scatter [tilespmem:s13], [sflag:$0x4], $0xE00, s7, s23, $0x38;
	[tilespmem:$0x18080] =	vst v63  }
0x2fb: {  	s2 =	sadd.s32 s15, s2;
	s17 =	simm.s32 $0x8080  }
0x2fc: {  	[tilespmem:s17], [sflag:$0x2] =	stream.strided.gather [hbm4b:s2+s23], $0x400, s22, s23, $0x38;
	[tilespmem:$0x18080] =	vst v63  }
0x2fd: {  	s9 =	sadd.s32 $0x80, s2;
	s10 =	simm.s32 $0x8480  }
0x2fe: {  	[tilespmem:s10], [sflag:$0x2] =	stream.strided.gather [hbm4b:s9+s23], $0x400, s22, s23, $0x38;
	[tilespmem:$0x18080] =	vst v63  }
0x2ff: {  	s11 =	sadd.s32 $0x6000, s2;
	s12 =	simm.s32 $0x8880  }
0x300: {  	[tilespmem:s12], [sflag:$0x2] =	stream.strided.gather [hbm4b:s11+s23], $0x400, s22, s23, $0x38;
	[tilespmem:$0x18080] =	vst v63  }
0x301: {  	s14 =	simm.s32 $0x8C80;
	s13 =	sadd.s32 $0x6080, s2  }
0x302: {  	[tilespmem:s14], [sflag:$0x2] =	stream.strided.gather [hbm4b:s13+s23], $0x400, s22, s23, $0x38;
	[tilespmem:$0x18080] =	vst v63  }
0x303: {  	s15 =	sadd.s32 $0xC000, s2;
	s17 =	simm.s32 $0x9080  }
0x304: {  	[tilespmem:s17], [sflag:$0x2] =	stream.strided.gather [hbm4b:s15+s23], $0x400, s22, s23, $0x38;
	[tilespmem:$0x18080] =	vst v63  }
0x305: {  	s9 =	sadd.s32 $0xC080, s2;
	s10 =	simm.s32 $0x9480  }
0x306: {  	[tilespmem:s10], [sflag:$0x2] =	stream.strided.gather [hbm4b:s9+s23], $0x400, s22, s23, $0x38;
	[tilespmem:$0x18080] =	vst v63  }
0x307: {  	s8 =	sadd.s32 $0x15000, s2;
	s11 =	simm.s32 $0xA080  }
0x308: {  	[tilespmem:s11], [sflag:$0x2] =	stream.strided.gather [hbm4b:s8+s23], $0x400, s22, s23, $0x38;
	[tilespmem:$0x18080] =	vst v63  }
0x309: {  	s12 =	sadd.s32 $0x80, s8;
	s10 =	simm.s32 $0xA480  }
0x30a: {  	[tilespmem:s10], [sflag:$0x2] =	stream.strided.gather [hbm4b:s12+s23], $0x400, s22, s23, $0x38;
	[tilespmem:$0x18080] =	vst v63  }
0x30b: {  	s13 =	sadd.s32 $0x6000, s8;
	s14 =	simm.s32 $0xA880  }
0x30c: {  	[tilespmem:s14], [sflag:$0x2] =	stream.strided.gather [hbm4b:s13+s23], $0x400, s22, s23, $0x38;
	[tilespmem:$0x18080] =	vst v63  }
0x30d: {  	s15 =	sadd.s32 $0x6080, s8;
	s17 =	simm.s32 $0xAC80  }
0x30e: {  	[tilespmem:s17], [sflag:$0x2] =	stream.strided.gather [hbm4b:s15+s23], $0x400, s22, s23, $0x38;
	[tilespmem:$0x18080] =	vst v63  }
0x30f: {  	s11 =	sadd.s32 $0xC000, s8;
	s12 =	simm.s32 $0xB080  }
0x310: {  	[tilespmem:s12], [sflag:$0x2] =	stream.strided.gather [hbm4b:s11+s23], $0x400, s22, s23, $0x38;
	[tilespmem:$0x18080] =	vst v63  }
0x311: {  	s8 =	sadd.s32 $0xC080, s8;
	s13 =	simm.s32 $0xB480  }
0x312: {  	[tilespmem:s13], [sflag:$0x2] =	stream.strided.gather [hbm4b:s8+s23], $0x400, s22, s23, $0x38;
	[tilespmem:$0x18080] =	vst v63  }
0x313: {  	s14 =	simm.s32 $0xC080;
	s8 =	sadd.s32 $0x2A000, s2  }
0x314: {  	[tilespmem:s14], [sflag:$0x2] =	stream.strided.gather [hbm4b:s8+s23], $0x400, s22, s23, $0x38;
	[tilespmem:$0x18080] =	vst v63  }
0x315: {  	s17 =	simm.s32 $0xC480;
	s15 =	sadd.s32 $0x80, s8  }
0x316: {  	[tilespmem:s17], [sflag:$0x2] =	stream.strided.gather [hbm4b:s15+s23], $0x400, s22, s23, $0x38;
	[tilespmem:$0x18080] =	vst v63  }
0x317: {  	s11 =	simm.s32 $0xC880;
	s10 =	sadd.s32 $0x6000, s8  }
0x318: {  	[tilespmem:s11], [sflag:$0x2] =	stream.strided.gather [hbm4b:s10+s23], $0x400, s22, s23, $0x38;
	[tilespmem:$0x18080] =	vst v63  }
0x319: {  	s13 =	simm.s32 $0xCC80;
	s12 =	sadd.s32 $0x6080, s8  }
0x31a: {  	[tilespmem:s13], [sflag:$0x2] =	stream.strided.gather [hbm4b:s12+s23], $0x400, s22, s23, $0x38;
	[tilespmem:$0x18080] =	vst v63  }
0x31b: {  	s14 =	sadd.s32 $0xC000, s8;
	s15 =	simm.s32 $0xD080  }
0x31c: {  	[tilespmem:s15], [sflag:$0x2] =	stream.strided.gather [hbm4b:s14+s23], $0x400, s22, s23, $0x38;
	[tilespmem:$0x18080] =	vst v63  }
0x31d: {  	s8 =	sadd.s32 $0xC080, s8;
	s17 =	simm.s32 $0xD480  }
0x31e: {  	[tilespmem:s17], [sflag:$0x2] =	stream.strided.gather [hbm4b:s8+s23], $0x400, s22, s23, $0x38;
	[tilespmem:$0x18080] =	vst v63  }
0x31f: {  	s10 =	simm.s32 $0xE080;
	s8 =	sadd.s32 $0x3F000, s2  }
0x320: {  	[tilespmem:s10], [sflag:$0x2] =	stream.strided.gather [hbm4b:s8+s23], $0x400, s22, s23, $0x38;
	[tilespmem:$0x18080] =	vst v63  }
0x321: {  	s12 =	simm.s32 $0xE480;
	s11 =	sadd.s32 $0x80, s8  }
0x322: {  	[tilespmem:s12], [sflag:$0x2] =	stream.strided.gather [hbm4b:s11+s23], $0x400, s22, s23, $0x38;
	[tilespmem:$0x18080] =	vst v63  }
0x323: {  	s14 =	simm.s32 $0xE880;
	s13 =	sadd.s32 $0x6000, s8  }
0x324: {  	[tilespmem:s14], [sflag:$0x2] =	stream.strided.gather [hbm4b:s13+s23], $0x400, s22, s23, $0x38;
	[tilespmem:$0x18080] =	vst v63  }
0x325: {  	s17 =	simm.s32 $0xEC80;
	s15 =	sadd.s32 $0x6080, s8  }
0x326: {  	[tilespmem:s17], [sflag:$0x2] =	stream.strided.gather [hbm4b:s15+s23], $0x400, s22, s23, $0x38;
	[tilespmem:$0x18080] =	vst v63  }
0x327: {  	s10 =	sadd.s32 $0xC000, s8;
	s11 =	simm.s32 $0xF080  }
0x328: {  	[tilespmem:s11], [sflag:$0x2] =	stream.strided.gather [hbm4b:s10+s23], $0x400, s22, s23, $0x38;
	[tilespmem:$0x18080] =	vst v63  }
0x329: {  	s8 =	sadd.s32 $0xC080, s8;
	s12 =	simm.s32 $0xF480  }
0x32a: {  	[tilespmem:s12], [sflag:$0x2] =	stream.strided.gather [hbm4b:s8+s23], $0x400, s22, s23, $0x38;
	[tilespmem:$0x18080] =	vst v63  }
0x32b: {  	s13 =	sadd.s32 $0x12000, s2;
	s14 =	simm.s32 $0x9880  }
0x32c: {  	[tilespmem:s14], [sflag:$0x2] =	stream.strided.gather [hbm4b:s13+s23], $0x200, s22, s23, $0x38;
	[tilespmem:$0x18080] =	vst v63  }
0x32d: {  	s15 =	simm.s32 $0x9C80;
	s8 =	sadd.s32 $0x80, s13  }
0x32e: {  	[tilespmem:s15], [sflag:$0x2] =	stream.strided.gather [hbm4b:s8+s23], $0x200, s22, s23, $0x38;
	[tilespmem:$0x18080] =	vst v63  }
0x32f: {  	s17 =	sadd.s32 $0x27000, s2;
	s10 =	simm.s32 $0xB880  }
0x330: {  	[tilespmem:s10], [sflag:$0x2] =	stream.strided.gather [hbm4b:s17+s23], $0x200, s22, s23, $0x38;
	[tilespmem:$0x18080] =	vst v63  }
0x331: {  	s11 =	simm.s32 $0xBC80;
	s8 =	sadd.s32 $0x80, s17  }
0x332: {  	[tilespmem:s11], [sflag:$0x2] =	stream.strided.gather [hbm4b:s8+s23], $0x200, s22, s23, $0x38;
	[tilespmem:$0x18080] =	vst v63  }
0x333: {  	s12 =	sadd.s32 $0x3C000, s2;
	s13 =	simm.s32 $0xD880  }
0x334: {  	[tilespmem:s13], [sflag:$0x2] =	stream.strided.gather [hbm4b:s12+s23], $0x200, s22, s23, $0x38;
	[tilespmem:$0x18080] =	vst v63  }
0x335: {  	s14 =	simm.s32 $0xDC80;
	s8 =	sadd.s32 $0x80, s12  }
0x336: {  	[tilespmem:s14], [sflag:$0x2] =	stream.strided.gather [hbm4b:s8+s23], $0x200, s22, s23, $0x38;
	[tilespmem:$0x18080] =	vst v63  }
0x337: {  	s2 =	sadd.s32 $0x51000, s2;
	s15 =	simm.s32 $0xF880  }
0x338: {  	[tilespmem:s15], [sflag:$0x2] =	stream.strided.gather [hbm4b:s2+s23], $0x200, s22, s23, $0x38;
	[tilespmem:$0x18080] =	vst v63  }
0x339: {  	s17 =	simm.s32 $0xFC80;
	s2 =	sadd.s32 $0x80, s2  }
0x33a: {  	[tilespmem:s17], [sflag:$0x2] =	stream.strided.gather [hbm4b:s2+s23], $0x200, s22, s23, $0x38;
	[tilespmem:$0x18080] =	vst v63  }
0x33b: {  	_ =	swait.ge [sflag:s21], $0x7000  }
0x33c: {  	[sflag:s21] =	ssyncset.done $0x0  }
0x33d: {  	[sflag:s21] =	ssyncadd.s32 $0xFFFF9000  }
0x33e: {  	_ =	swait.ge [sflag:s19], $0x3800  }
0x33f: {  	s10 =	simm.s32 $0x100B0;
	[sflag:s19] =	ssyncset.done $0x0  }
0x340: {  	s12 =	simm.s32 $0x0;
	s8 =	simm.s32 $0x0;
	[sflag:s19] =	ssyncadd.s32 $0xFFFFC800  }
.LBB2_18:
0x341: {  	s2 =	sshll.u32 s12, $0xD  }
0x342: {  	s2 =	sand.u32 $0x3FFFE000, s2  }
0x343: {  	s2 =	sor.u32 $0x80, s2  }
0x344: {  	[dreg:$0x8] =	wrdreg s2  }
0x345: {  	s9 =	sand.u32 $0x1800, s8;
	s2 =	rddreg [dreg:$0x8]  }
0x346: {  	s2 =	sadd.s32 s9, s2  }
0x347: {  	s9 =	sadd.s32 s25, s2  }
0x348: {  	s14 =	sand.u32 $0x380, s8;
	s9 =	sadd.s32 s24, s9  }
0x349: {  	s9 =	sadd.s32 s14, s9  }
0x34a: {  	v0 =	vld [tilespmem:s9+$0x0];
	_ =	sdelay $0x4  }
0x34b: {  	[tilespmem:s10+$0xFFFFFFD0] =	vst v0  }
0x34c: {  	v0 =	vld [tilespmem:s9+$0x10];
	_ =	sdelay $0x2  }
0x34d: {  	s11 =	sadd.s32 s28, s2  }
0x34e: {  	s9 =	sadd.s32 s26, s11  }
0x34f: {  	s9 =	sadd.s32 s14, s9;
	[tilespmem:s10+$0xFFFFFFE0] =	vst v0  }
0x350: {  	v0 =	vld [tilespmem:s9+$0x0];
	_ =	sdelay $0x2  }
0x351: {  	s13 =	sadd.s32 s30, s2  }
0x352: {  	s9 =	sadd.s32 s29, s13  }
0x353: {  	s9 =	sadd.s32 s14, s9;
	[tilespmem:s10+$0xFFFFFFF0] =	vst v0  }
0x354: {  	v0 =	vld [tilespmem:s9+$0x0];
	_ =	sdelay $0x2  }
0x355: {  	s15 =	sadd.s32 s0, s2  }
0x356: {  	s9 =	sadd.s32 s31, s15  }
0x357: {  	s9 =	sadd.s32 s14, s9;
	[tilespmem:s10+$0x0] =	vst v0  }
0x358: {  	v0 =	vld [tilespmem:s9+$0x0];
	_ =	sdelay $0x2  }
0x359: {  	s17 =	sadd.s32 s3, s2;
	s2 =	simm.s32 $0x100  }
0x35a: {  	s11 =	simm.s32 $0x200;
	s13 =	rddreg [dreg:$0x8];
	s9 =	sadd.s32 s1, s17  }
0x35b: {  	s15 =	sadd.s32 s14, s9;
	s9 =	simm.s32 $0x0;
	s14 =	smov.u32 s10;
	[tilespmem:s10+$0x10] =	vst v0  }
.LBB2_19:
0x35c: {  	v0 =	vld [tilespmem:s15+$0x0]  }
0x35d: {  	s17 =	sand.u32 $0x1800, s2  }
0x35e: {  	s13 =	sadd.s32 s17, s13  }
0x35f: {  	s9 =	sadd.s32 $0x80, s9;
	s15 =	sadd.s32 s25, s13  }
0x360: {  	s17 =	sand.u32 $0x380, s9;
	s15 =	sadd.s32 s24, s15  }
0x361: {  	s15 =	sadd.s32 s17, s15;
	[tilespmem:s14+$0x20] =	vst v0  }
0x362: {  	v0 =	vld [tilespmem:s15+$0x0];
	_ =	sdelay $0x3  }
0x363: {  	s14 =	sadd.s32 $0x80, s14  }
0x364: {  	[tilespmem:s14+$0xFFFFFFD0] =	vst v0  }
0x365: {  	v0 =	vld [tilespmem:s15+$0x10];
	_ =	sdelay $0x2  }
0x366: {  	s15 =	sadd.s32 s28, s13  }
0x367: {  	s15 =	sadd.s32 s26, s15  }
0x368: {  	s15 =	sadd.s32 s17, s15;
	[tilespmem:s14+$0xFFFFFFE0] =	vst v0  }
0x369: {  	v0 =	vld [tilespmem:s15+$0x0];
	_ =	sdelay $0x2  }
0x36a: {  	s15 =	sadd.s32 s30, s13  }
0x36b: {  	s15 =	sadd.s32 s29, s15  }
0x36c: {  	s15 =	sadd.s32 s17, s15;
	[tilespmem:s14+$0xFFFFFFF0] =	vst v0  }
0x36d: {  	v0 =	vld [tilespmem:s15+$0x0];
	_ =	sdelay $0x2  }
0x36e: {  	s15 =	sadd.s32 s0, s13  }
0x36f: {  	s15 =	sadd.s32 s31, s15  }
0x370: {  	s15 =	sadd.s32 s17, s15;
	[tilespmem:s14+$0x0] =	vst v0  }
0x371: {  	p0 =	sne.s32 s11, $0x1B00;
	v0 =	vld [tilespmem:s15+$0x0]  }
.Ltmp8:
0x372: {  	_ = 	snop;
	(pc) =	sbr.rel @p0 .LBB2_19-.Ltmp8, $4  }
0x373: {  	_ = 	snop  }
0x374: {  	s13 =	sadd.s32 s3, s13  }
0x375: {  	s2 =	smov.u32 s11;
	s15 =	sadd.s32 s1, s13  }
0x376: {  	s11 =	sadd.s32 $0x100, s11;
	s13 =	rddreg [dreg:$0x8];
	s15 =	sadd.s32 s17, s15;
	[tilespmem:s14+$0x10] =	vst v0  }
0x377: {  	v0 =	vld [tilespmem:s15+$0x0]  }
0x378: {  	s2 =	sand.u32 $0x1800, s2  }
0x379: {  	s2 =	sadd.s32 s2, s13  }
0x37a: {  	s9 =	sadd.s32 $0x80, s9;
	s11 =	sadd.s32 s25, s2  }
0x37b: {  	s9 =	sand.u32 $0x380, s9;
	s11 =	sadd.s32 s24, s11  }
0x37c: {  	s11 =	sadd.s32 s9, s11;
	[tilespmem:s14+$0x20] =	vst v0  }
0x37d: {  	v0 =	vld [tilespmem:s11+$0x0];
	_ =	sdelay $0x3  }
0x37e: {  	s13 =	sadd.s32 $0x80, s14  }
0x37f: {  	[tilespmem:s13+$0xFFFFFFD0] =	vst v0  }
0x380: {  	v0 =	vld [tilespmem:s11+$0x10];
	_ =	sdelay $0x2  }
0x381: {  	s14 =	sadd.s32 s28, s2  }
0x382: {  	s11 =	sadd.s32 s26, s14  }
0x383: {  	s11 =	sadd.s32 s9, s11;
	[tilespmem:s13+$0xFFFFFFE0] =	vst v0  }
0x384: {  	v0 =	vld [tilespmem:s11+$0x0];
	_ =	sdelay $0x2  }
0x385: {  	s15 =	sadd.s32 s30, s2  }
0x386: {  	s11 =	sadd.s32 s29, s15  }
0x387: {  	s11 =	sadd.s32 s9, s11;
	[tilespmem:s13+$0xFFFFFFF0] =	vst v0  }
0x388: {  	v0 =	vld [tilespmem:s11+$0x0];
	_ =	sdelay $0x2  }
0x389: {  	s17 =	sadd.s32 s0, s2  }
0x38a: {  	s11 =	sadd.s32 s31, s17  }
0x38b: {  	s11 =	sadd.s32 s9, s11;
	[tilespmem:s13+$0x0] =	vst v0  }
0x38c: {  	v0 =	vld [tilespmem:s11+$0x0];
	_ =	sdelay $0x2  }
0x38d: {  	s2 =	sadd.s32 s3, s2  }
0x38e: {  	s2 =	sadd.s32 s1, s2  }
0x38f: {  	s12 =	sadd.s32 $0x1, s12;
	s2 =	sadd.s32 s9, s2;
	[tilespmem:s13+$0x10] =	vst v0  }
0x390: {  	p0 =	sne.s32 s12, $0x4;
	v0 =	vld [tilespmem:s2+$0x0]  }
.Ltmp9:
0x391: {  	_ = 	snop;
	(pc) =	sbr.rel @p0 .LBB2_18-.Ltmp9, $2  }
0x392: {  	_ =	sdelay $0x2  }
0x393: {  	s10 =	sadd.s32 $0x1000, s10;
	[tilespmem:s13+$0x20] =	vst v0  }
0x394: {  	s8 =	rddreg [dreg:$0x15];
	s2 =	simm.s32 $0x10080;
	s9 =	simm.s32 $0x11080  }
0x395: {  	[hbm4b:s8+s23] =	stream.strided.scatter [tilespmem:s2], [sflag:$0x3], $0xE00, s7, s23, $0x38;
	[tilespmem:$0x18080] =	vst v63  }
0x396: {  	s12 =	simm.s32 $0x12080;
	s15 =	rddreg [dreg:$0x16];
	s10 =	sadd.s32 $0x3800, s8  }
0x397: {  	[hbm4b:s10+s23] =	stream.strided.scatter [tilespmem:s9], [sflag:$0x3], $0xE00, s7, s23, $0x38;
	[tilespmem:$0x18080] =	vst v63  }
0x398: {  	s14 =	simm.s32 $0x13080;
	s11 =	sadd.s32 $0x7000, s8;
	s2 =	sadd.s32 s4, s15  }
0x399: {  	[hbm4b:s11+s23] =	stream.strided.scatter [tilespmem:s12], [sflag:$0x3], $0xE00, s7, s23, $0x38;
	[tilespmem:$0x18080] =	vst v63  }
0x39a: {  	s17 =	rddreg [dreg:$0x0];
	s13 =	sadd.s32 $0xA800, s8;
	s2 =	sshrl.u32 s2, $0x3  }
0x39b: {  	[hbm4b:s13+s23] =	stream.strided.scatter [tilespmem:s14], [sflag:$0x3], $0xE00, s7, s23, $0x38;
	[tilespmem:$0x18080] =	vst v63  }
0x39c: {  	s2 =	sadd.s32 s17, s2  }
0x39d: {  	[tilespmem:s23], [sflag:$0x1] =	stream.strided.gather [hbm4b:s2+s23], $0x400, s22, s23, $0x38;
	[tilespmem:$0x18080] =	vst v63  }
0x39e: {  	s17 =	simm.s32 $0x480;
	s4 =	sadd.s32 $0x80, s2  }
0x39f: {  	[tilespmem:s17], [sflag:$0x1] =	stream.strided.gather [hbm4b:s4+s23], $0x400, s22, s23, $0x38;
	[tilespmem:$0x18080] =	vst v63  }
0x3a0: {  	s9 =	simm.s32 $0x880;
	s8 =	sadd.s32 $0x6000, s2  }
0x3a1: {  	[tilespmem:s9], [sflag:$0x1] =	stream.strided.gather [hbm4b:s8+s23], $0x400, s22, s23, $0x38;
	[tilespmem:$0x18080] =	vst v63  }
0x3a2: {  	s10 =	sadd.s32 $0x6080, s2;
	s11 =	simm.s32 $0xC80  }
0x3a3: {  	[tilespmem:s11], [sflag:$0x1] =	stream.strided.gather [hbm4b:s10+s23], $0x400, s22, s23, $0x38;
	[tilespmem:$0x18080] =	vst v63  }
0x3a4: {  	s12 =	sadd.s32 $0xC000, s2;
	s13 =	simm.s32 $0x1080  }
0x3a5: {  	[tilespmem:s13], [sflag:$0x1] =	stream.strided.gather [hbm4b:s12+s23], $0x400, s22, s23, $0x38;
	[tilespmem:$0x18080] =	vst v63  }
0x3a6: {  	s15 =	simm.s32 $0x1480;
	s14 =	sadd.s32 $0xC080, s2  }
0x3a7: {  	[tilespmem:s15], [sflag:$0x1] =	stream.strided.gather [hbm4b:s14+s23], $0x400, s22, s23, $0x38;
	[tilespmem:$0x18080] =	vst v63  }
0x3a8: {  	s4 =	sadd.s32 $0x15000, s2;
	s9 =	simm.s32 $0x2080  }
0x3a9: {  	[tilespmem:s9], [sflag:$0x1] =	stream.strided.gather [hbm4b:s4+s23], $0x400, s22, s23, $0x38;
	[tilespmem:$0x18080] =	vst v63  }
0x3aa: {  	s10 =	sadd.s32 $0x80, s4;
	s11 =	simm.s32 $0x2480  }
0x3ab: {  	[tilespmem:s11], [sflag:$0x1] =	stream.strided.gather [hbm4b:s10+s23], $0x400, s22, s23, $0x38;
	[tilespmem:$0x18080] =	vst v63  }
0x3ac: {  	s12 =	sadd.s32 $0x6000, s4;
	s13 =	simm.s32 $0x2880  }
0x3ad: {  	[tilespmem:s13], [sflag:$0x1] =	stream.strided.gather [hbm4b:s12+s23], $0x400, s22, s23, $0x38;
	[tilespmem:$0x18080] =	vst v63  }
0x3ae: {  	s14 =	sadd.s32 $0x6080, s4;
	s15 =	simm.s32 $0x2C80  }
0x3af: {  	[tilespmem:s15], [sflag:$0x1] =	stream.strided.gather [hbm4b:s14+s23], $0x400, s22, s23, $0x38;
	[tilespmem:$0x18080] =	vst v63  }
0x3b0: {  	s10 =	sadd.s32 $0xC000, s4;
	s11 =	simm.s32 $0x3080  }
0x3b1: {  	[tilespmem:s11], [sflag:$0x1] =	stream.strided.gather [hbm4b:s10+s23], $0x400, s22, s23, $0x38;
	[tilespmem:$0x18080] =	vst v63  }
0x3b2: {  	s4 =	sadd.s32 $0xC080, s4;
	s12 =	simm.s32 $0x3480  }
0x3b3: {  	[tilespmem:s12], [sflag:$0x1] =	stream.strided.gather [hbm4b:s4+s23], $0x400, s22, s23, $0x38;
	[tilespmem:$0x18080] =	vst v63  }
0x3b4: {  	s13 =	simm.s32 $0x4080;
	s4 =	sadd.s32 $0x2A000, s2  }
0x3b5: {  	[tilespmem:s13], [sflag:$0x1] =	stream.strided.gather [hbm4b:s4+s23], $0x400, s22, s23, $0x38;
	[tilespmem:$0x18080] =	vst v63  }
0x3b6: {  	s15 =	simm.s32 $0x4480;
	s14 =	sadd.s32 $0x80, s4  }
0x3b7: {  	[tilespmem:s15], [sflag:$0x1] =	stream.strided.gather [hbm4b:s14+s23], $0x400, s22, s23, $0x38;
	[tilespmem:$0x18080] =	vst v63  }
0x3b8: {  	s10 =	simm.s32 $0x4880;
	s9 =	sadd.s32 $0x6000, s4  }
0x3b9: {  	[tilespmem:s10], [sflag:$0x1] =	stream.strided.gather [hbm4b:s9+s23], $0x400, s22, s23, $0x38;
	[tilespmem:$0x18080] =	vst v63  }
0x3ba: {  	s12 =	simm.s32 $0x4C80;
	s11 =	sadd.s32 $0x6080, s4  }
0x3bb: {  	[tilespmem:s12], [sflag:$0x1] =	stream.strided.gather [hbm4b:s11+s23], $0x400, s22, s23, $0x38;
	[tilespmem:$0x18080] =	vst v63  }
0x3bc: {  	s13 =	sadd.s32 $0xC000, s4;
	s14 =	simm.s32 $0x5080  }
0x3bd: {  	[tilespmem:s14], [sflag:$0x1] =	stream.strided.gather [hbm4b:s13+s23], $0x400, s22, s23, $0x38;
	[tilespmem:$0x18080] =	vst v63  }
0x3be: {  	s4 =	sadd.s32 $0xC080, s4;
	s15 =	simm.s32 $0x5480  }
0x3bf: {  	[tilespmem:s15], [sflag:$0x1] =	stream.strided.gather [hbm4b:s4+s23], $0x400, s22, s23, $0x38;
	[tilespmem:$0x18080] =	vst v63  }
0x3c0: {  	s9 =	simm.s32 $0x6080;
	s4 =	sadd.s32 $0x3F000, s2  }
0x3c1: {  	[tilespmem:s9], [sflag:$0x1] =	stream.strided.gather [hbm4b:s4+s23], $0x400, s22, s23, $0x38;
	[tilespmem:$0x18080] =	vst v63  }
0x3c2: {  	s11 =	simm.s32 $0x6480;
	s10 =	sadd.s32 $0x80, s4  }
0x3c3: {  	[tilespmem:s11], [sflag:$0x1] =	stream.strided.gather [hbm4b:s10+s23], $0x400, s22, s23, $0x38;
	[tilespmem:$0x18080] =	vst v63  }
0x3c4: {  	s13 =	simm.s32 $0x6880;
	s12 =	sadd.s32 $0x6000, s4  }
0x3c5: {  	[tilespmem:s13], [sflag:$0x1] =	stream.strided.gather [hbm4b:s12+s23], $0x400, s22, s23, $0x38;
	[tilespmem:$0x18080] =	vst v63  }
0x3c6: {  	s15 =	simm.s32 $0x6C80;
	s14 =	sadd.s32 $0x6080, s4  }
0x3c7: {  	[tilespmem:s15], [sflag:$0x1] =	stream.strided.gather [hbm4b:s14+s23], $0x400, s22, s23, $0x38;
	[tilespmem:$0x18080] =	vst v63  }
0x3c8: {  	s9 =	sadd.s32 $0xC000, s4;
	s10 =	simm.s32 $0x7080  }
0x3c9: {  	[tilespmem:s10], [sflag:$0x1] =	stream.strided.gather [hbm4b:s9+s23], $0x400, s22, s23, $0x38;
	[tilespmem:$0x18080] =	vst v63  }
0x3ca: {  	s4 =	sadd.s32 $0xC080, s4;
	s11 =	simm.s32 $0x7480  }
0x3cb: {  	[tilespmem:s11], [sflag:$0x1] =	stream.strided.gather [hbm4b:s4+s23], $0x400, s22, s23, $0x38;
	[tilespmem:$0x18080] =	vst v63  }
0x3cc: {  	s12 =	sadd.s32 $0x12000, s2;
	s13 =	simm.s32 $0x1880  }
0x3cd: {  	[tilespmem:s13], [sflag:$0x1] =	stream.strided.gather [hbm4b:s12+s23], $0x200, s22, s23, $0x38;
	[tilespmem:$0x18080] =	vst v63  }
0x3ce: {  	s14 =	simm.s32 $0x1C80;
	s4 =	sadd.s32 $0x80, s12  }
0x3cf: {  	[tilespmem:s14], [sflag:$0x1] =	stream.strided.gather [hbm4b:s4+s23], $0x200, s22, s23, $0x38;
	[tilespmem:$0x18080] =	vst v63  }
0x3d0: {  	s15 =	sadd.s32 $0x27000, s2;
	s9 =	simm.s32 $0x3880  }
0x3d1: {  	[tilespmem:s9], [sflag:$0x1] =	stream.strided.gather [hbm4b:s15+s23], $0x200, s22, s23, $0x38;
	[tilespmem:$0x18080] =	vst v63  }
0x3d2: {  	s10 =	simm.s32 $0x3C80;
	s4 =	sadd.s32 $0x80, s15  }
0x3d3: {  	[tilespmem:s10], [sflag:$0x1] =	stream.strided.gather [hbm4b:s4+s23], $0x200, s22, s23, $0x38;
	[tilespmem:$0x18080] =	vst v63  }
0x3d4: {  	s11 =	sadd.s32 $0x3C000, s2;
	s12 =	simm.s32 $0x5880  }
0x3d5: {  	[tilespmem:s12], [sflag:$0x1] =	stream.strided.gather [hbm4b:s11+s23], $0x200, s22, s23, $0x38;
	[tilespmem:$0x18080] =	vst v63  }
0x3d6: {  	s13 =	simm.s32 $0x5C80;
	s4 =	sadd.s32 $0x80, s11  }
0x3d7: {  	[tilespmem:s13], [sflag:$0x1] =	stream.strided.gather [hbm4b:s4+s23], $0x200, s22, s23, $0x38;
	[tilespmem:$0x18080] =	vst v63  }
0x3d8: {  	s2 =	sadd.s32 $0x51000, s2;
	s14 =	simm.s32 $0x7880  }
0x3d9: {  	[tilespmem:s14], [sflag:$0x1] =	stream.strided.gather [hbm4b:s2+s23], $0x200, s22, s23, $0x38;
	[tilespmem:$0x18080] =	vst v63  }
0x3da: {  	s15 =	simm.s32 $0x7C80;
	s2 =	sadd.s32 $0x80, s2  }
0x3db: {  	[tilespmem:s15], [sflag:$0x1] =	stream.strided.gather [hbm4b:s2+s23], $0x200, s22, s23, $0x38;
	[tilespmem:$0x18080] =	vst v63  }
0x3dc: {  	_ =	swait.ge [sflag:s16], $0x7000  }
0x3dd: {  	[sflag:s16] =	ssyncset.done $0x0  }
0x3de: {  	[sflag:s16] =	ssyncadd.s32 $0xFFFF9000  }
0x3df: {  	_ =	swait.ge [sflag:s5], $0x3800  }
0x3e0: {  	s8 =	simm.s32 $0x140B0;
	[sflag:s5] =	ssyncset.done $0x0  }
0x3e1: {  	s10 =	simm.s32 $0x0;
	s4 =	simm.s32 $0x0;
	[sflag:s5] =	ssyncadd.s32 $0xFFFFC800  }
.LBB2_22:
0x3e2: {  	s2 =	sshll.u32 s10, $0xD  }
0x3e3: {  	s2 =	sand.u32 $0x3FFFE000, s2  }
0x3e4: {  	s2 =	sadd.s32 $0x8080, s2  }
0x3e5: {  	[dreg:$0x9] =	wrdreg s2  }
0x3e6: {  	s9 =	sand.u32 $0x1800, s4;
	s2 =	rddreg [dreg:$0x9]  }
0x3e7: {  	s2 =	sadd.s32 s9, s2  }
0x3e8: {  	s9 =	sadd.s32 s25, s2  }
0x3e9: {  	s12 =	sand.u32 $0x380, s4;
	s9 =	sadd.s32 s24, s9  }
0x3ea: {  	s9 =	sadd.s32 s12, s9  }
0x3eb: {  	v0 =	vld [tilespmem:s9+$0x0];
	_ =	sdelay $0x4  }
0x3ec: {  	[tilespmem:s8+$0xFFFFFFD0] =	vst v0  }
0x3ed: {  	v0 =	vld [tilespmem:s9+$0x10];
	_ =	sdelay $0x2  }
0x3ee: {  	s11 =	sadd.s32 s28, s2  }
0x3ef: {  	s9 =	sadd.s32 s26, s11  }
0x3f0: {  	s9 =	sadd.s32 s12, s9;
	[tilespmem:s8+$0xFFFFFFE0] =	vst v0  }
0x3f1: {  	v0 =	vld [tilespmem:s9+$0x0];
	_ =	sdelay $0x2  }
0x3f2: {  	s13 =	sadd.s32 s30, s2  }
0x3f3: {  	s9 =	sadd.s32 s29, s13  }
0x3f4: {  	s9 =	sadd.s32 s12, s9;
	[tilespmem:s8+$0xFFFFFFF0] =	vst v0  }
0x3f5: {  	v0 =	vld [tilespmem:s9+$0x0];
	_ =	sdelay $0x2  }
0x3f6: {  	s14 =	sadd.s32 s0, s2  }
0x3f7: {  	s9 =	sadd.s32 s31, s14  }
0x3f8: {  	s9 =	sadd.s32 s12, s9;
	[tilespmem:s8+$0x0] =	vst v0  }
0x3f9: {  	v0 =	vld [tilespmem:s9+$0x0];
	_ =	sdelay $0x2  }
0x3fa: {  	s15 =	sadd.s32 s3, s2;
	s2 =	simm.s32 $0x100  }
0x3fb: {  	s11 =	simm.s32 $0x200;
	s13 =	rddreg [dreg:$0x9];
	s9 =	sadd.s32 s1, s15  }
0x3fc: {  	s14 =	sadd.s32 s12, s9;
	s9 =	simm.s32 $0x0;
	s12 =	smov.u32 s8;
	[tilespmem:s8+$0x10] =	vst v0  }
.LBB2_23:
0x3fd: {  	v0 =	vld [tilespmem:s14+$0x0]  }
0x3fe: {  	s15 =	sand.u32 $0x1800, s2  }
0x3ff: {  	s13 =	sadd.s32 s15, s13  }
0x400: {  	s9 =	sadd.s32 $0x80, s9;
	s14 =	sadd.s32 s25, s13  }
0x401: {  	s15 =	sand.u32 $0x380, s9;
	s14 =	sadd.s32 s24, s14  }
0x402: {  	s14 =	sadd.s32 s15, s14;
	[tilespmem:s12+$0x20] =	vst v0  }
0x403: {  	v0 =	vld [tilespmem:s14+$0x0];
	_ =	sdelay $0x3  }
0x404: {  	s12 =	sadd.s32 $0x80, s12  }
0x405: {  	[tilespmem:s12+$0xFFFFFFD0] =	vst v0  }
0x406: {  	v0 =	vld [tilespmem:s14+$0x10];
	_ =	sdelay $0x2  }
0x407: {  	s14 =	sadd.s32 s28, s13  }
0x408: {  	s14 =	sadd.s32 s26, s14  }
0x409: {  	s14 =	sadd.s32 s15, s14;
	[tilespmem:s12+$0xFFFFFFE0] =	vst v0  }
0x40a: {  	v0 =	vld [tilespmem:s14+$0x0];
	_ =	sdelay $0x2  }
0x40b: {  	s14 =	sadd.s32 s30, s13  }
0x40c: {  	s14 =	sadd.s32 s29, s14  }
0x40d: {  	s14 =	sadd.s32 s15, s14;
	[tilespmem:s12+$0xFFFFFFF0] =	vst v0  }
0x40e: {  	v0 =	vld [tilespmem:s14+$0x0];
	_ =	sdelay $0x2  }
0x40f: {  	s14 =	sadd.s32 s0, s13  }
0x410: {  	s14 =	sadd.s32 s31, s14  }
0x411: {  	s14 =	sadd.s32 s15, s14;
	[tilespmem:s12+$0x0] =	vst v0  }
0x412: {  	p0 =	sne.s32 s11, $0x1B00;
	v0 =	vld [tilespmem:s14+$0x0]  }
.Ltmp10:
0x413: {  	_ = 	snop;
	(pc) =	sbr.rel @p0 .LBB2_23-.Ltmp10, $4  }
0x414: {  	_ = 	snop  }
0x415: {  	s13 =	sadd.s32 s3, s13  }
0x416: {  	s2 =	smov.u32 s11;
	s14 =	sadd.s32 s1, s13  }
0x417: {  	s11 =	sadd.s32 $0x100, s11;
	s13 =	rddreg [dreg:$0x9];
	s14 =	sadd.s32 s15, s14;
	[tilespmem:s12+$0x10] =	vst v0  }
0x418: {  	v0 =	vld [tilespmem:s14+$0x0]  }
0x419: {  	s2 =	sand.u32 $0x1800, s2  }
0x41a: {  	s2 =	sadd.s32 s2, s13  }
0x41b: {  	s9 =	sadd.s32 $0x80, s9;
	s11 =	sadd.s32 s25, s2  }
0x41c: {  	s9 =	sand.u32 $0x380, s9;
	s11 =	sadd.s32 s24, s11  }
0x41d: {  	s11 =	sadd.s32 s9, s11;
	[tilespmem:s12+$0x20] =	vst v0  }
0x41e: {  	v0 =	vld [tilespmem:s11+$0x0];
	_ =	sdelay $0x3  }
0x41f: {  	s12 =	sadd.s32 $0x80, s12  }
0x420: {  	[tilespmem:s12+$0xFFFFFFD0] =	vst v0  }
0x421: {  	v0 =	vld [tilespmem:s11+$0x10];
	_ =	sdelay $0x2  }
0x422: {  	s13 =	sadd.s32 s28, s2  }
0x423: {  	s11 =	sadd.s32 s26, s13  }
0x424: {  	s11 =	sadd.s32 s9, s11;
	[tilespmem:s12+$0xFFFFFFE0] =	vst v0  }
0x425: {  	v0 =	vld [tilespmem:s11+$0x0];
	_ =	sdelay $0x2  }
0x426: {  	s14 =	sadd.s32 s30, s2  }
0x427: {  	s11 =	sadd.s32 s29, s14  }
0x428: {  	s11 =	sadd.s32 s9, s11;
	[tilespmem:s12+$0xFFFFFFF0] =	vst v0  }
0x429: {  	v0 =	vld [tilespmem:s11+$0x0];
	_ =	sdelay $0x2  }
0x42a: {  	s15 =	sadd.s32 s0, s2  }
0x42b: {  	s11 =	sadd.s32 s31, s15  }
0x42c: {  	s11 =	sadd.s32 s9, s11;
	[tilespmem:s12+$0x0] =	vst v0  }
0x42d: {  	v0 =	vld [tilespmem:s11+$0x0];
	_ =	sdelay $0x2  }
0x42e: {  	s2 =	sadd.s32 s3, s2  }
0x42f: {  	s2 =	sadd.s32 s1, s2  }
0x430: {  	s10 =	sadd.s32 $0x1, s10;
	s2 =	sadd.s32 s9, s2;
	[tilespmem:s12+$0x10] =	vst v0  }
0x431: {  	p0 =	sne.s32 s10, $0x4;
	v0 =	vld [tilespmem:s2+$0x0]  }
.Ltmp11:
0x432: {  	_ = 	snop;
	(pc) =	sbr.rel @p0 .LBB2_22-.Ltmp11, $2  }
0x433: {  	_ =	sdelay $0x2  }
0x434: {  	s8 =	sadd.s32 $0x1000, s8;
	[tilespmem:s12+$0x20] =	vst v0  }
0x435: {  	s4 =	rddreg [dreg:$0x17];
	s2 =	simm.s32 $0x14080  }
0x436: {  	[hbm4b:s4+s23] =	stream.strided.scatter [tilespmem:s2], [sflag:$0x4], $0xE00, s7, s23, $0x38;
	[tilespmem:$0x18080] =	vst v63  }
0x437: {  	s8 =	simm.s32 $0x15080;
	s11 =	sadd.s32 $0x3800, s4  }
0x438: {  	[hbm4b:s11+s23] =	stream.strided.scatter [tilespmem:s8], [sflag:$0x4], $0xE00, s7, s23, $0x38;
	[tilespmem:$0x18080] =	vst v63  }
0x439: {  	s13 =	simm.s32 $0x16080;
	s12 =	sadd.s32 $0x7000, s4  }
0x43a: {  	[hbm4b:s12+s23] =	stream.strided.scatter [tilespmem:s13], [sflag:$0x4], $0xE00, s7, s23, $0x38;
	[tilespmem:$0x18080] =	vst v63  }
0x43b: {  	s15 =	simm.s32 $0x17080;
	s14 =	sadd.s32 $0xA800, s4  }
0x43c: {  	[hbm4b:s14+s23] =	stream.strided.scatter [tilespmem:s15], [sflag:$0x4], $0xE00, s7, s23, $0x38;
	[tilespmem:$0x18080] =	vst v63  }
0x43d: {  	_ =	swait.ge [sflag:s21], $0x7000  }
0x43e: {  	[sflag:s21] =	ssyncset.done $0x0  }
0x43f: {  	[sflag:s21] =	ssyncadd.s32 $0xFFFF9000  }
0x440: {  	_ =	swait.ge [sflag:s19], $0x3800  }
0x441: {  	s10 =	simm.s32 $0x0;
	[sflag:s19] =	ssyncset.done $0x0  }
0x442: {  	s4 =	simm.s32 $0x0;
	s8 =	simm.s32 $0x100B0;
	[sflag:s19] =	ssyncadd.s32 $0xFFFFC800  }
.LBB2_26:
0x443: {  	s2 =	sshll.u32 s10, $0xD  }
0x444: {  	s2 =	sand.u32 $0x3FFFE000, s2  }
0x445: {  	s2 =	sor.u32 $0x80, s2  }
0x446: {  	[dreg:$0xa] =	wrdreg s2  }
0x447: {  	s9 =	sand.u32 $0x1800, s4;
	s2 =	rddreg [dreg:$0xa]  }
0x448: {  	s2 =	sadd.s32 s9, s2  }
0x449: {  	s9 =	sadd.s32 s25, s2  }
0x44a: {  	s12 =	sand.u32 $0x380, s4;
	s9 =	sadd.s32 s24, s9  }
0x44b: {  	s9 =	sadd.s32 s12, s9  }
0x44c: {  	v0 =	vld [tilespmem:s9+$0x0];
	_ =	sdelay $0x4  }
0x44d: {  	[tilespmem:s8+$0xFFFFFFD0] =	vst v0  }
0x44e: {  	v0 =	vld [tilespmem:s9+$0x10];
	_ =	sdelay $0x2  }
0x44f: {  	s11 =	sadd.s32 s28, s2  }
0x450: {  	s9 =	sadd.s32 s26, s11  }
0x451: {  	s9 =	sadd.s32 s12, s9;
	[tilespmem:s8+$0xFFFFFFE0] =	vst v0  }
0x452: {  	v0 =	vld [tilespmem:s9+$0x0];
	_ =	sdelay $0x2  }
0x453: {  	s13 =	sadd.s32 s30, s2  }
0x454: {  	s9 =	sadd.s32 s29, s13  }
0x455: {  	s9 =	sadd.s32 s12, s9;
	[tilespmem:s8+$0xFFFFFFF0] =	vst v0  }
0x456: {  	v0 =	vld [tilespmem:s9+$0x0];
	_ =	sdelay $0x2  }
0x457: {  	s14 =	sadd.s32 s0, s2  }
0x458: {  	s9 =	sadd.s32 s31, s14  }
0x459: {  	s9 =	sadd.s32 s12, s9;
	[tilespmem:s8+$0x0] =	vst v0  }
0x45a: {  	v0 =	vld [tilespmem:s9+$0x0];
	_ =	sdelay $0x2  }
0x45b: {  	s15 =	sadd.s32 s3, s2;
	s2 =	simm.s32 $0x100  }
0x45c: {  	s11 =	simm.s32 $0x200;
	s13 =	rddreg [dreg:$0xa];
	s9 =	sadd.s32 s1, s15  }
0x45d: {  	s14 =	sadd.s32 s12, s9;
	s9 =	simm.s32 $0x0;
	s12 =	smov.u32 s8;
	[tilespmem:s8+$0x10] =	vst v0  }
.LBB2_27:
0x45e: {  	v0 =	vld [tilespmem:s14+$0x0]  }
0x45f: {  	s15 =	sand.u32 $0x1800, s2  }
0x460: {  	s13 =	sadd.s32 s15, s13  }
0x461: {  	s9 =	sadd.s32 $0x80, s9;
	s14 =	sadd.s32 s25, s13  }
0x462: {  	s15 =	sand.u32 $0x380, s9;
	s14 =	sadd.s32 s24, s14  }
0x463: {  	s14 =	sadd.s32 s15, s14;
	[tilespmem:s12+$0x20] =	vst v0  }
0x464: {  	v0 =	vld [tilespmem:s14+$0x0];
	_ =	sdelay $0x3  }
0x465: {  	s12 =	sadd.s32 $0x80, s12  }
0x466: {  	[tilespmem:s12+$0xFFFFFFD0] =	vst v0  }
0x467: {  	v0 =	vld [tilespmem:s14+$0x10];
	_ =	sdelay $0x2  }
0x468: {  	s14 =	sadd.s32 s28, s13  }
0x469: {  	s14 =	sadd.s32 s26, s14  }
0x46a: {  	s14 =	sadd.s32 s15, s14;
	[tilespmem:s12+$0xFFFFFFE0] =	vst v0  }
0x46b: {  	v0 =	vld [tilespmem:s14+$0x0];
	_ =	sdelay $0x2  }
0x46c: {  	s14 =	sadd.s32 s30, s13  }
0x46d: {  	s14 =	sadd.s32 s29, s14  }
0x46e: {  	s14 =	sadd.s32 s15, s14;
	[tilespmem:s12+$0xFFFFFFF0] =	vst v0  }
0x46f: {  	v0 =	vld [tilespmem:s14+$0x0];
	_ =	sdelay $0x2  }
0x470: {  	s14 =	sadd.s32 s0, s13  }
0x471: {  	s14 =	sadd.s32 s31, s14  }
0x472: {  	s14 =	sadd.s32 s15, s14;
	[tilespmem:s12+$0x0] =	vst v0  }
0x473: {  	p0 =	sne.s32 s11, $0x1B00;
	v0 =	vld [tilespmem:s14+$0x0]  }
.Ltmp12:
0x474: {  	_ = 	snop;
	(pc) =	sbr.rel @p0 .LBB2_27-.Ltmp12, $4  }
0x475: {  	_ = 	snop  }
0x476: {  	s13 =	sadd.s32 s3, s13  }
0x477: {  	s2 =	smov.u32 s11;
	s14 =	sadd.s32 s1, s13  }
0x478: {  	s11 =	sadd.s32 $0x100, s11;
	s13 =	rddreg [dreg:$0xa];
	s14 =	sadd.s32 s15, s14;
	[tilespmem:s12+$0x10] =	vst v0  }
0x479: {  	v0 =	vld [tilespmem:s14+$0x0]  }
0x47a: {  	s2 =	sand.u32 $0x1800, s2  }
0x47b: {  	s2 =	sadd.s32 s2, s13  }
0x47c: {  	s9 =	sadd.s32 $0x80, s9;
	s11 =	sadd.s32 s25, s2  }
0x47d: {  	s9 =	sand.u32 $0x380, s9;
	s11 =	sadd.s32 s24, s11  }
0x47e: {  	s11 =	sadd.s32 s9, s11;
	[tilespmem:s12+$0x20] =	vst v0  }
0x47f: {  	v0 =	vld [tilespmem:s11+$0x0];
	_ =	sdelay $0x3  }
0x480: {  	s12 =	sadd.s32 $0x80, s12  }
0x481: {  	[tilespmem:s12+$0xFFFFFFD0] =	vst v0  }
0x482: {  	v0 =	vld [tilespmem:s11+$0x10];
	_ =	sdelay $0x2  }
0x483: {  	s13 =	sadd.s32 s28, s2  }
0x484: {  	s11 =	sadd.s32 s26, s13  }
0x485: {  	s11 =	sadd.s32 s9, s11;
	[tilespmem:s12+$0xFFFFFFE0] =	vst v0  }
0x486: {  	v0 =	vld [tilespmem:s11+$0x0];
	_ =	sdelay $0x2  }
0x487: {  	s14 =	sadd.s32 s30, s2  }
0x488: {  	s11 =	sadd.s32 s29, s14  }
0x489: {  	s11 =	sadd.s32 s9, s11;
	[tilespmem:s12+$0xFFFFFFF0] =	vst v0  }
0x48a: {  	v0 =	vld [tilespmem:s11+$0x0];
	_ =	sdelay $0x2  }
0x48b: {  	s15 =	sadd.s32 s0, s2  }
0x48c: {  	s11 =	sadd.s32 s31, s15  }
0x48d: {  	s11 =	sadd.s32 s9, s11;
	[tilespmem:s12+$0x0] =	vst v0  }
0x48e: {  	v0 =	vld [tilespmem:s11+$0x0];
	_ =	sdelay $0x2  }
0x48f: {  	s2 =	sadd.s32 s3, s2  }
0x490: {  	s2 =	sadd.s32 s1, s2  }
0x491: {  	s10 =	sadd.s32 $0x1, s10;
	s2 =	sadd.s32 s9, s2;
	[tilespmem:s12+$0x10] =	vst v0  }
0x492: {  	p0 =	sne.s32 s10, $0x4;
	v0 =	vld [tilespmem:s2+$0x0]  }
.Ltmp13:
0x493: {  	_ = 	snop;
	(pc) =	sbr.rel @p0 .LBB2_26-.Ltmp13, $2  }
0x494: {  	_ =	sdelay $0x2  }
0x495: {  	s8 =	sadd.s32 $0x1000, s8;
	[tilespmem:s12+$0x20] =	vst v0  }
0x496: {  	s0 =	simm.s32 $0x10080  }
0x497: {  	[hbm4b:s18+s23] =	stream.strided.scatter [tilespmem:s0], [sflag:$0x3], $0xE00, s7, s23, $0x38;
	[tilespmem:$0x18080] =	vst v63  }
0x498: {  	s25 =	sadd.s32 $0x3800, s18;
	s1 =	simm.s32 $0x11080  }
0x499: {  	[hbm4b:s25+s23] =	stream.strided.scatter [tilespmem:s1], [sflag:$0x3], $0xE00, s7, s23, $0x38;
	[tilespmem:$0x18080] =	vst v63  }
0x49a: {  	s26 =	sadd.s32 $0x7000, s18;
	s28 =	simm.s32 $0x12080  }
0x49b: {  	[hbm4b:s26+s23] =	stream.strided.scatter [tilespmem:s28], [sflag:$0x3], $0xE00, s7, s23, $0x38;
	[tilespmem:$0x18080] =	vst v63  }
0x49c: {  	s29 =	sadd.s32 $0xA800, s18;
	s30 =	simm.s32 $0x13080  }
0x49d: {  	[hbm4b:s29+s23] =	stream.strided.scatter [tilespmem:s30], [sflag:$0x3], $0xE00, s7, s23, $0x38;
	[tilespmem:$0x18080] =	vst v63  }
0x49e: {  	_ =	swait.ge [sflag:s5], $0x3800  }
0x49f: {  	[sflag:s5] =	ssyncset.done $0x0  }
0x4a0: {  	[sflag:s5] =	ssyncadd.s32 $0xFFFFC800  }
0x4a1: {  	_ =	swait.ge [sflag:s19], $0x3800  }
0x4a2: {  	s20 =	sadd.s32 $0x1, s20;
	s31 =	rddreg [dreg:$0x18]  }
0x4a3: {  	p0 =	sne.s32 s20, s31  }
.Ltmp14:
0x4a4: {  	_ = 	snop;
	(pc) =	sbr.rel @p0 .LBB2_1-.Ltmp14, $3  }
0x4a5: {  	_ =	sdelay $0x1  }
0x4a6: {  	[sflag:s19] =	ssyncset.done $0x0  }
0x4a7: {  	[sflag:s19] =	ssyncadd.s32 $0xFFFFC800  }
0x4a8: {  	_ =	sfence.sel $0x180000  }
0x4a9: {  	[bflag:$0x0] =	sbarrier.arrive $0xFFFF  }
0x4aa: {  	_ =	strace $0x90000047  }
0x4ab: {  	s0 =	stileid.u32;
	[bflag:$0x2] =	sbarrier.arrive $0xFFFF  }
0x4ac: {  	p0 =	sne.s32 s0, $0x0;
	s0 =	rddreg [dreg:$0x3]  }
0x4ad: {  	s0 =	sadd.s32 @!p0 $0x100000, s0  }
0x4ae: {  	[sflag:s0] =	ssyncadd.tile.s32 @!p0 $0x1;
	_ =	shalt  }
.Lfunc_end2:
_tile_overlayer_lowered:
.L_overlay_start_2:
0x4af: {  	(tag) =	ssettag $0x2  }
0x4b0: {  	s0 =	rddreg [dreg:$0x0];
	s2 =	stileid.u32  }
0x4b1: {  	s1 =	rddreg [dreg:$0x1];
	p0 =	sne.s32 s2, $0x0  }
0x4b2: {  	s3 =	rddreg [dreg:$0x2];
	[bflag:$0x3] =	sbarrier.arrive $0xFFFF;
	s2 =	simm.s32 @!p0 $0x1C05  }
0x4b3: {  	[timem:s3], [sflag:s2] =	dma.local @!p0 [hbm:s0], s1  }
0x4b4: {  	s0 =	simm.s32 @!p0 $0x5  }
0x4b5: {  	_ =	swait.ge @!p0 [sflag:s0], s1  }
0x4b6: {  	s1 =	ssub.s32 @!p0 $0x0, s1;
	[sflag:s0] =	ssyncset.done @!p0 $0x0  }
0x4b7: {  	[sflag:s0] =	ssyncadd.s32 @!p0 s1  }
0x4b8: {  	[bflag:$0x3] =	sbarrier.arrive $0xFFFF  }
0x4b9: {  	_ =	shalt  }

</sc_bundles>
